<compile_context>
chip_gen: v7x
topology: tpu7x:2x2x1
jax: 0.10.2.dev20260603
libtpu: 0.0.44.dev20260713+nightly
codegen_flags: <defaults>
</compile_context>

<pallas_src>
import functools

import jax
import jax.numpy as jnp
from jax import lax
from jax.experimental import pallas as pl
from jax.experimental.pallas import tpu as pltpu
from jax.experimental.pallas import tpu_sc as plsc

N = 10000
E = 320000
D = 128
EPS = 1e-5
NP = N + 8

NC = 2
NS = 16
NW = NC * NS
EPW = E // NW
CH = 112
NCH = 90
EPWP = NCH * CH
NBUF = 3
ACCN = 10240
RPW = ACCN // NS

_mesh = plsc.VectorSubcoreMesh(
    core_axis_name="c", subcore_axis_name="s", num_cores=NC, num_subcores=NS
)

_sc_params = pltpu.CompilerParams(needs_layout_passes=False)



@functools.partial(
    pl.kernel,
    mesh=_mesh,
    out_type=jax.ShapeDtypeStruct((NW, N), jnp.float32),
    scratch_types=[
        pltpu.VMEM((EPW,), jnp.int32),
        pltpu.VMEM((EPW,), jnp.int32),
        pltpu.VMEM((N,), jnp.float32),
    ],
    compiler_params=_sc_params,
)
def _deg_kernel(src_hbm, dst_hbm, out_hbm, src_v, dst_v, acc_v):
    cid = lax.axis_index("c")
    sid = lax.axis_index("s")
    wid = sid * NC + cid
    base = wid * EPW
    pltpu.sync_copy(src_hbm.at[pl.ds(base, EPW)], src_v)
    pltpu.sync_copy(dst_hbm.at[pl.ds(base, EPW)], dst_v)

    zeros16 = jnp.zeros((16,), jnp.float32)

    def zero_body(i, carry):
        acc_v[pl.ds(i * 16, 16)] = zeros16
        return carry

    lax.fori_loop(0, N // 16, zero_body, 0)

    def edge_body(i, carry):
        s = src_v[pl.ds(i * 16, 16)]
        d = dst_v[pl.ds(i * 16, 16)]
        w = jnp.where(s != d, 1.0, 0.0).astype(jnp.float32)
        plsc.addupdate_scatter(acc_v, [s], w)
        return carry

    lax.fori_loop(0, EPW // 16, edge_body, 0)
    pltpu.sync_copy(acc_v, out_hbm.at[wid])


@functools.partial(
    pl.kernel,
    mesh=_mesh,
    out_type=jax.ShapeDtypeStruct((NC, ACCN, D), jnp.float32),
    scratch_types=[
        [pltpu.VMEM((2, CH), jnp.int32)] * (2 * NBUF),
        [pltpu.VMEM((CH, D), jnp.float32)] * NBUF,
        pltpu.VMEM_SHARED((ACCN, D), jnp.float32),
        [pltpu.SemaphoreType.DMA] * (2 * NBUF),
        [pltpu.SemaphoreType.DMA] * NBUF,
    ],
    compiler_params=_sc_params,
)
def _prop_kernel(u_hbm, idx_hbm, zrows_hbm, out_hbm,
                 idxw_v, rows_v, acc_sh, isem, gsem):
    cid = lax.axis_index("c")
    sid = lax.axis_index("s")
    wid = sid * NC + cid
    WIN = 2 * NBUF
    NWIN = NCH // WIN

    for j in range(WIN):
        pltpu.async_copy(idx_hbm.at[wid, j], idxw_v[j], isem[j])

    pltpu.sync_copy(zrows_hbm, rows_v[0])
    for j in range(RPW // CH):
        pltpu.sync_copy(rows_v[0], acc_sh.at[pl.ds(sid * RPW + j * CH, CH)])
    rem = RPW - (RPW // CH) * CH
    if rem:
        pltpu.sync_copy(
            rows_v[0].at[pl.ds(0, rem)],
            acc_sh.at[pl.ds(sid * RPW + (RPW // CH) * CH, rem)])
    plsc.subcore_barrier()

    def win_body(p, carry):
        gd = [None] * WIN
        for j in range(WIN):
            b = j % NBUF
            g = p * WIN + j
            if j >= NBUF:
                gd[j - NBUF].wait()
                pltpu.sync_copy(rows_v[b], acc_sh.at[idxw_v[j - NBUF].at[1]],
                                add=True)

                @pl.when(p + 1 < NWIN)
                def _():
                    pltpu.async_copy(
                        idx_hbm.at[wid, (p + 1) * WIN + (j - NBUF)],
                        idxw_v[j - NBUF], isem[j - NBUF])
            pltpu.make_async_copy(
                idx_hbm.at[wid, g], idxw_v[j], isem[j]).wait()
            gd[j] = pltpu.async_copy(u_hbm.at[idxw_v[j].at[0]], rows_v[b],
                                     gsem[b])
        for j in range(NBUF, WIN):
            b = j % NBUF
            gd[j].wait()
            pltpu.sync_copy(rows_v[b], acc_sh.at[idxw_v[j].at[1]], add=True)

            @pl.when(p + 1 < NWIN)
            def _():
                pltpu.async_copy(
                    idx_hbm.at[wid, (p + 1) * WIN + j], idxw_v[j], isem[j])
        return carry

    lax.fori_loop(0, NWIN, win_body, 0)
    plsc.subcore_barrier()

    off = sid * RPW
    pltpu.sync_copy(acc_sh.at[pl.ds(off, RPW)],
                    out_hbm.at[cid, pl.ds(off, RPW)])



def _tcA_body(degp_ref, x_ref, u0_ref, dinv_ref):
    deg = jnp.sum(degp_ref[...], axis=0)
    dinv = jnp.where(deg > 0.0, lax.rsqrt(jnp.maximum(deg, 1.0)), 0.0)
    dv = dinv[:, None]
    dinv_ref[...] = dv
    u0_ref[pl.ds(0, N), :] = x_ref[...] * dv
    u0_ref[pl.ds(N, NP - N), :] = jnp.zeros((NP - N, D), jnp.float32)


def _tcB_body(s1_ref, dinv_ref, x_ref, w_ref, b_ref, u1_ref, part_ref):
    s = s1_ref[0, pl.ds(0, N), :] + s1_ref[1, pl.ds(0, N), :]
    dv = dinv_ref[...]
    tx1 = -(dv * s)
    u1_ref[pl.ds(0, N), :] = dv * tx1
    u1_ref[pl.ds(N, NP - N), :] = jnp.zeros((NP - N, D), jnp.float32)
    out = jnp.dot(x_ref[...], w_ref[0], preferred_element_type=jnp.float32)
    out += jnp.dot(tx1, w_ref[1], preferred_element_type=jnp.float32)
    part_ref[...] = out + b_ref[...]


def _tcC2_body(x_ref, part_ref, s2_ref, dinv_ref, w_ref, g_ref, be_ref,
               y_ref):
    x = x_ref[...]
    dv = dinv_ref[...]
    s2 = s2_ref[0, pl.ds(0, N), :] + s2_ref[1, pl.ds(0, N), :]
    tx2 = -2.0 * (dv * s2) - x
    out = part_ref[...] + jnp.dot(tx2, w_ref[2],
                                  preferred_element_type=jnp.float32)
    mean = jnp.mean(out, axis=0, keepdims=True)
    var = jnp.mean((out - mean) ** 2, axis=0, keepdims=True)
    y_ref[...] = (out - mean) * lax.rsqrt(var + EPS) * g_ref[...] + be_ref[...]


_tcA = pl.pallas_call(
    _tcA_body,
    out_shape=(
        jax.ShapeDtypeStruct((NP, D), jnp.float32),
        jax.ShapeDtypeStruct((N, 1), jnp.float32),
    ),
)

_tcB = pl.pallas_call(
    _tcB_body,
    out_shape=(
        jax.ShapeDtypeStruct((NP, D), jnp.float32),
        jax.ShapeDtypeStruct((N, D), jnp.float32),
    ),
)

_tcC2 = pl.pallas_call(
    _tcC2_body,
    out_shape=jax.ShapeDtypeStruct((N, D), jnp.float32),
)


def kernel(x, edge_index, W, b, gamma, beta):
    src = edge_index[0]
    dst = edge_index[1]
    srcp = jnp.where(src == dst, N, src)

    npad = EPWP - EPW
    srcp_p = jnp.concatenate(
        [srcp.reshape(NW, EPW), jnp.full((NW, npad), N, jnp.int32)], axis=1
    ).reshape(NW, NCH, 1, CH)
    dst_p = jnp.concatenate(
        [dst.reshape(NW, EPW), jnp.zeros((NW, npad), jnp.int32)], axis=1
    ).reshape(NW, NCH, 1, CH)
    idx4 = jnp.concatenate([srcp_p, dst_p], axis=2)
    zrows = jnp.zeros((CH, D), jnp.float32)

    degp = _deg_kernel(src, dst)
    u0, dinv = _tcA(degp, x)
    s1 = _prop_kernel(u0, idx4, zrows)
    u1, part = _tcB(s1, dinv, x, W, b.reshape(1, D))
    s2 = _prop_kernel(u1, idx4, zrows)
    return _tcC2(x, part, s2, dinv,
                 W, gamma.reshape(1, D), beta.reshape(1, D))

# --- scband reference (transcript-rebuilt; emitter-appended) ---
"""Pipeline reference for scband-cheb-ben1-bn-71159018160656 (READ-ONLY COPY).

The authoritative reference and input builder live on the scoring server;
editing this copy changes nothing except your own understanding.
"""

import jax, jax.numpy as jnp
import numpy as np

N = 10000
E = 320000
D_IN = 128
D_OUT = 128
K = 3
EPS = 1e-5


def setup_inputs(seed: int = 0) -> dict:
    key = jax.random.key(seed)
    k1, k2, k3, k4 = jax.random.split(key, 4)
    x = jax.random.normal(k1, (N, D_IN), dtype=jnp.float32)
    edge_index = jax.random.randint(k2, (2, E), 0, N, dtype=jnp.int32)
    # ChebConv holds K linear layers (in->out, no per-lin bias) + one shared bias
    W = jax.random.normal(k3, (K, D_IN, D_OUT), dtype=jnp.float32) * (1.0 / np.sqrt(D_IN))
    b = jnp.zeros((D_OUT,), dtype=jnp.float32)
    # BatchNorm1d affine params
    gamma = jnp.ones((D_OUT,), dtype=jnp.float32)
    beta = jnp.zeros((D_OUT,), dtype=jnp.float32)
    return {"x": x, "edge_index": edge_index, "W": W, "b": b, "gamma": gamma, "beta": beta}


def reference(x, edge_index, W, b, gamma, beta):
    src = edge_index[0]
    dst = edge_index[1]
    # remove_self_loops: zero out weight of self-loop edges
    w = (src != dst).astype(x.dtype)
    # get_laplacian(normalization='sym'): deg from row index
    deg = jax.ops.segment_sum(w, src, num_segments=N)
    deg_inv_sqrt = jnp.where(deg > 0, 1.0 / jnp.sqrt(jnp.where(deg > 0, deg, 1.0)), 0.0)
    # off-diagonal of L = I - D^-1/2 A D^-1/2 is -norm; with lambda_max=2 the
    # 2/lambda_max scaling is 1 and the +1 diagonal of L cancels the -1 self
    # loops added by ChebConv, so L_hat reduces to -D^-1/2 A D^-1/2
    wn = -deg_inv_sqrt[src] * w * deg_inv_sqrt[dst]

    def lhat_mul(h):
        # out[dst] += wn * h[src]  (message passing, source_to_target)
        return jax.ops.segment_sum(wn[:, None] * h[src], dst, num_segments=N)

    Tx0 = x
    out = Tx0 @ W[0]
    Tx1 = lhat_mul(x)
    out = out + Tx1 @ W[1]
    for k in range(2, K):
        Tx2 = 2.0 * lhat_mul(Tx1) - Tx0
        out = out + Tx2 @ W[k]
        Tx0, Tx1 = Tx1, Tx2
    out = out + b
    # BatchNorm1d (training mode: batch statistics, biased variance)
    mean = jnp.mean(out, axis=0)
    var = jnp.mean((out - mean) ** 2, axis=0)
    y = (out - mean) / jnp.sqrt(var + EPS) * gamma + beta
    return y

if __name__ == "__main__":
    import jax
    _d = setup_inputs()
    print(jax.jit(kernel)(*tuple(_d.values())))

</pallas_src>

<mosaic_0001>
#map = affine_map<(d0, d1) -> (0)>
#map1 = affine_map<(d0, d1) -> (0, 0)>
module attributes {stable_mosaic.version = 14 : i64} {
  func.func @_deg_kernel(%arg0: i32, %arg1: i32, %arg2: memref<320000xi32, #tpu.memory_space<hbm>>, %arg3: memref<320000xi32, #tpu.memory_space<hbm>>, %arg4: memref<32x10000xf32, #tpu.memory_space<hbm>>, %arg5: memref<10000xi32, #tpu.memory_space<vmem>>, %arg6: memref<10000xi32, #tpu.memory_space<vmem>>, %arg7: memref<10000xf32, #tpu.memory_space<vmem>>) attributes {dimension_semantics = [#tpu.dimension_semantics<core_parallel>, #tpu.dimension_semantics<subcore_parallel>], iteration_bounds = array<i64: 2, 16>, scalar_prefetch = 0 : i64, scratch_operands = 3 : i64, tpu.core_type = #tpu.core_type<sc_vector_subcore>, window_params = [{transform_indices = #map}, {transform_indices = #map}, {transform_indices = #map1}]} {
    %mul3A = arith.constant 2 : i32
    %mul3A_0 = arith.muli %arg1, %mul3A : i32
    %add3A = arith.addi %mul3A_0, %arg0 : i32
    %mul3A_1 = arith.constant 10000 : i32
    %mul3A_2 = arith.muli %add3A, %mul3A_1 : i32
    "tpu.region"() ({
      %run_scoped3A = tpu.sem_alloc : memref<!tpu.dma_semaphore, #tpu.memory_space<semaphore_mem>>
      %dma_start3A = tpu.memref_slice %arg2[%mul3A_2] : memref<320000xi32, #tpu.memory_space<hbm>> -> memref<10000xi32, #tpu.memory_space<hbm>>
      %dma_start3A_15 = tpu.memref_slice %arg2[%mul3A_2] : memref<320000xi32, #tpu.memory_space<hbm>> -> memref<10000xi32, #tpu.memory_space<hbm>>
      tpu.enqueue_dma source(%dma_start3A_15 : memref<10000xi32, #tpu.memory_space<hbm>>) target(%arg5 : memref<10000xi32, #tpu.memory_space<vmem>>) target_semaphore(%run_scoped3A : memref<!tpu.dma_semaphore, #tpu.memory_space<semaphore_mem>>)
      %dma_wait3A = tpu.memref_slice %arg2[%mul3A_2] : memref<320000xi32, #tpu.memory_space<hbm>> -> memref<10000xi32, #tpu.memory_space<hbm>>
      %dma_wait3A_16 = tpu.memref_slice %arg2[%mul3A_2] : memref<320000xi32, #tpu.memory_space<hbm>> -> memref<10000xi32, #tpu.memory_space<hbm>>
      tpu.wait_dma2 semaphore(%run_scoped3A : memref<!tpu.dma_semaphore, #tpu.memory_space<semaphore_mem>>) src(%dma_wait3A_16 : memref<10000xi32, #tpu.memory_space<hbm>>) dst(%arg5 : memref<10000xi32, #tpu.memory_space<vmem>>)
      tpu.yield
    }) : () -> ()
    "tpu.region"() ({
      %run_scoped3A = tpu.sem_alloc : memref<!tpu.dma_semaphore, #tpu.memory_space<semaphore_mem>>
      %dma_start3A = tpu.memref_slice %arg3[%mul3A_2] : memref<320000xi32, #tpu.memory_space<hbm>> -> memref<10000xi32, #tpu.memory_space<hbm>>
      %dma_start3A_15 = tpu.memref_slice %arg3[%mul3A_2] : memref<320000xi32, #tpu.memory_space<hbm>> -> memref<10000xi32, #tpu.memory_space<hbm>>
      tpu.enqueue_dma source(%dma_start3A_15 : memref<10000xi32, #tpu.memory_space<hbm>>) target(%arg6 : memref<10000xi32, #tpu.memory_space<vmem>>) target_semaphore(%run_scoped3A : memref<!tpu.dma_semaphore, #tpu.memory_space<semaphore_mem>>)
      %dma_wait3A = tpu.memref_slice %arg3[%mul3A_2] : memref<320000xi32, #tpu.memory_space<hbm>> -> memref<10000xi32, #tpu.memory_space<hbm>>
      %dma_wait3A_16 = tpu.memref_slice %arg3[%mul3A_2] : memref<320000xi32, #tpu.memory_space<hbm>> -> memref<10000xi32, #tpu.memory_space<hbm>>
      tpu.wait_dma2 semaphore(%run_scoped3A : memref<!tpu.dma_semaphore, #tpu.memory_space<semaphore_mem>>) src(%dma_wait3A_16 : memref<10000xi32, #tpu.memory_space<hbm>>) dst(%arg6 : memref<10000xi32, #tpu.memory_space<vmem>>)
      tpu.yield
    }) : () -> ()
    %broadcast_in_dim3A = arith.constant 0.000000e+00 : f32
    %broadcast_in_dim3A_3 = vector.broadcast %broadcast_in_dim3A : f32 to vector<16xf32>
    %scan3A = arith.constant 0 : i32
    %scan3A_4 = arith.constant 0 : i32
    %scan3A_5 = arith.constant 625 : i32
    %scan3A_6 = arith.addi %scan3A_4, %scan3A_5 : i32
    %scan3A_7 = arith.constant 1 : i32
    scf.for %scan3A_15 = %scan3A_4 to %scan3A_6 step %scan3A_7  : i32 {
      %mul3A_16 = arith.constant 16 : i32
      %mul3A_17 = arith.muli %scan3A_15, %mul3A_16 : i32
      %swap3A = arith.index_cast %mul3A_17 : i32 to index
      %swap3A_18 = tpu.vector_load %arg7[%swap3A] {strides = array<i32>} : memref<10000xf32, #tpu.memory_space<vmem>>, vector<16xf32>,
      tpu.vector_store %arg7[%swap3A], %broadcast_in_dim3A_3 {strides = array<i32>} : memref<10000xf32, #tpu.memory_space<vmem>>, vector<16xf32>,
    }
    %scan3A_8 = arith.constant 625 : i32
    %scan3A_9 = arith.constant 0 : i32
    %scan3A_10 = arith.constant 0 : i32
    %scan3A_11 = arith.constant 625 : i32
    %scan3A_12 = arith.addi %scan3A_10, %scan3A_11 : i32
    %scan3A_13 = arith.constant 1 : i32
    scf.for %scan3A_15 = %scan3A_10 to %scan3A_12 step %scan3A_13  : i32 {
      %mul3A_16 = arith.constant 16 : i32
      %mul3A_17 = arith.muli %scan3A_15, %mul3A_16 : i32
      %get3A = arith.index_cast %mul3A_17 : i32 to index
      %get3A_18 = tpu.vector_load %arg5[%get3A] {strides = array<i32>} : memref<10000xi32, #tpu.memory_space<vmem>>, vector<16xi32>,
      %mul3A_19 = arith.constant 16 : i32
      %mul3A_20 = arith.muli %scan3A_15, %mul3A_19 : i32
      %get3A_21 = arith.index_cast %mul3A_20 : i32 to index
      %get3A_22 = tpu.vector_load %arg6[%get3A_21] {strides = array<i32>} : memref<10000xi32, #tpu.memory_space<vmem>>, vector<16xi32>,
      %ne3A = arith.cmpi ne, %get3A_18, %get3A_22 : vector<16xi32>
      %jit3A = arith.constant 1.000000e+00 : f32
      %jit3A_23 = arith.constant 0.000000e+00 : f32
      %broadcast_in_dim3A_24 = vector.broadcast %jit3A : f32 to vector<16xf32>
      %broadcast_in_dim3A_25 = vector.broadcast %jit3A_23 : f32 to vector<16xf32>
      %select_n3A = arith.select %ne3A, %broadcast_in_dim3A_24, %broadcast_in_dim3A_25 : vector<16xi1>, vector<16xf32>
      tpu.vector_store_idx %arg7[%get3A_18], %select_n3A {add = true} : memref<10000xf32, #tpu.memory_space<vmem>>[vector<16xi32>], vector<16xf32>,
    }
    %scan3A_14 = arith.constant 625 : i32
    "tpu.region"() ({
      %run_scoped3A = tpu.sem_alloc : memref<!tpu.dma_semaphore, #tpu.memory_space<semaphore_mem>>
      %dma_start3A = arith.constant 0 : i32
      %dma_start3A_15 = tpu.memref_slice %arg4[%add3A, %dma_start3A] : memref<32x10000xf32, #tpu.memory_space<hbm>> -> memref<1x10000xf32, #tpu.memory_space<hbm>>
      %dma_start3A_16 = tpu.memref_squeeze %dma_start3A_15 : memref<1x10000xf32, #tpu.memory_space<hbm>> -> memref<10000xf32, #tpu.memory_space<hbm>>
      %dma_start3A_17 = arith.constant 0 : i32
      %dma_start3A_18 = tpu.memref_slice %arg4[%add3A, %dma_start3A_17] : memref<32x10000xf32, #tpu.memory_space<hbm>> -> memref<1x10000xf32, #tpu.memory_space<hbm>>
      %dma_start3A_19 = tpu.memref_squeeze %dma_start3A_18 : memref<1x10000xf32, #tpu.memory_space<hbm>> -> memref<10000xf32, #tpu.memory_space<hbm>>
      tpu.enqueue_dma source(%arg7 : memref<10000xf32, #tpu.memory_space<vmem>>) target(%dma_start3A_19 : memref<10000xf32, #tpu.memory_space<hbm>>) target_semaphore(%run_scoped3A : memref<!tpu.dma_semaphore, #tpu.memory_space<semaphore_mem>>)
      %dma_wait3A = arith.constant 0 : i32
      %dma_wait3A_20 = tpu.memref_slice %arg4[%add3A, %dma_wait3A] : memref<32x10000xf32, #tpu.memory_space<hbm>> -> memref<1x10000xf32, #tpu.memory_space<hbm>>
      %dma_wait3A_21 = tpu.memref_squeeze %dma_wait3A_20 : memref<1x10000xf32, #tpu.memory_space<hbm>> -> memref<10000xf32, #tpu.memory_space<hbm>>
      %dma_wait3A_22 = arith.constant 0 : i32
      %dma_wait3A_23 = tpu.memref_slice %arg4[%add3A, %dma_wait3A_22] : memref<32x10000xf32, #tpu.memory_space<hbm>> -> memref<1x10000xf32, #tpu.memory_space<hbm>>
      %dma_wait3A_24 = tpu.memref_squeeze %dma_wait3A_23 : memref<1x10000xf32, #tpu.memory_space<hbm>> -> memref<10000xf32, #tpu.memory_space<hbm>>
      tpu.wait_dma2 semaphore(%run_scoped3A : memref<!tpu.dma_semaphore, #tpu.memory_space<semaphore_mem>>) src(%arg7 : memref<10000xf32, #tpu.memory_space<vmem>>) dst(%dma_wait3A_24 : memref<10000xf32, #tpu.memory_space<hbm>>)
      tpu.yield
    }) : () -> ()
    return
  }
}

#map = affine_map<(d0, d1) -> (0, 0)>
#map1 = affine_map<(d0, d1) -> (0, 0, 0, 0)>
#map2 = affine_map<(d0, d1) -> (0, 0, 0)>
module attributes {stable_mosaic.version = 14 : i64} {
  func.func @_prop_kernel(%arg0: i32, %arg1: i32, %arg2: memref<10008x128xf32, #tpu.memory_space<hbm>>, %arg3: memref<32x90x2x112xi32, #tpu.memory_space<hbm>>, %arg4: memref<112x128xf32, #tpu.memory_space<hbm>>, %arg5: memref<2x10240x128xf32, #tpu.memory_space<hbm>>, %arg6: memref<2x112xi32, #tpu.memory_space<vmem>>, %arg7: memref<2x112xi32, #tpu.memory_space<vmem>>, %arg8: memref<2x112xi32, #tpu.memory_space<vmem>>, %arg9: memref<2x112xi32, #tpu.memory_space<vmem>>, %arg10: memref<2x112xi32, #tpu.memory_space<vmem>>, %arg11: memref<2x112xi32, #tpu.memory_space<vmem>>, %arg12: memref<112x128xf32, #tpu.memory_space<vmem>>, %arg13: memref<112x128xf32, #tpu.memory_space<vmem>>, %arg14: memref<112x128xf32, #tpu.memory_space<vmem>>, %arg15: memref<10240x128xf32, #tpu.memory_space<vmem_shared>>, %arg16: memref<!tpu.dma_semaphore, #tpu.memory_space<semaphore_mem>>, %arg17: memref<!tpu.dma_semaphore, #tpu.memory_space<semaphore_mem>>, %arg18: memref<!tpu.dma_semaphore, #tpu.memory_space<semaphore_mem>>, %arg19: memref<!tpu.dma_semaphore, #tpu.memory_space<semaphore_mem>>, %arg20: memref<!tpu.dma_semaphore, #tpu.memory_space<semaphore_mem>>, %arg21: memref<!tpu.dma_semaphore, #tpu.memory_space<semaphore_mem>>, %arg22: memref<!tpu.dma_semaphore, #tpu.memory_space<semaphore_mem>>, %arg23: memref<!tpu.dma_semaphore, #tpu.memory_space<semaphore_mem>>, %arg24: memref<!tpu.dma_semaphore, #tpu.memory_space<semaphore_mem>>) attributes {dimension_semantics = [#tpu.dimension_semantics<core_parallel>, #tpu.dimension_semantics<subcore_parallel>], iteration_bounds = array<i64: 2, 16>, scalar_prefetch = 0 : i64, scratch_operands = 19 : i64, tpu.core_type = #tpu.core_type<sc_vector_subcore>, window_params = [{transform_indices = #map}, {transform_indices = #map1}, {transform_indices = #map}, {transform_indices = #map2}]} {
    %mul3A = arith.constant 2 : i32
    %mul3A_0 = arith.muli %arg1, %mul3A : i32
    %add3A = arith.addi %mul3A_0, %arg0 : i32
    %dma_start3A = arith.constant 0 : i32
    %dma_start3A_1 = arith.constant 0 : i32
    %dma_start3A_2 = arith.constant 0 : i32
    %dma_start3A_3 = tpu.memref_slice %arg3[%add3A, %dma_start3A, %dma_start3A_1, %dma_start3A_2] : memref<32x90x2x112xi32, #tpu.memory_space<hbm>> -> memref<1x1x2x112xi32, #tpu.memory_space<hbm>>
    %dma_start3A_4 = tpu.memref_squeeze %dma_start3A_3 : memref<1x1x2x112xi32, #tpu.memory_space<hbm>> -> memref<2x112xi32, #tpu.memory_space<hbm>>
    %dma_start3A_5 = arith.constant 0 : i32
    %dma_start3A_6 = arith.constant 0 : i32
    %dma_start3A_7 = tpu.memref_slice %arg3[%add3A, %dma_start3A, %dma_start3A_5, %dma_start3A_6] : memref<32x90x2x112xi32, #tpu.memory_space<hbm>> -> memref<1x1x2x112xi32, #tpu.memory_space<hbm>>
    %dma_start3A_8 = tpu.memref_squeeze %dma_start3A_7 : memref<1x1x2x112xi32, #tpu.memory_space<hbm>> -> memref<2x112xi32, #tpu.memory_space<hbm>>
    tpu.enqueue_dma source(%dma_start3A_8 : memref<2x112xi32, #tpu.memory_space<hbm>>) target(%arg6 : memref<2x112xi32, #tpu.memory_space<vmem>>) target_semaphore(%arg16 : memref<!tpu.dma_semaphore, #tpu.memory_space<semaphore_mem>>)
    %dma_start3A_9 = arith.constant 1 : i32
    %dma_start3A_10 = arith.constant 0 : i32
    %dma_start3A_11 = arith.constant 0 : i32
    %dma_start3A_12 = tpu.memref_slice %arg3[%add3A, %dma_start3A_9, %dma_start3A_10, %dma_start3A_11] : memref<32x90x2x112xi32, #tpu.memory_space<hbm>> -> memref<1x1x2x112xi32, #tpu.memory_space<hbm>>
    %dma_start3A_13 = tpu.memref_squeeze %dma_start3A_12 : memref<1x1x2x112xi32, #tpu.memory_space<hbm>> -> memref<2x112xi32, #tpu.memory_space<hbm>>
    %dma_start3A_14 = arith.constant 0 : i32
    %dma_start3A_15 = arith.constant 0 : i32
    %dma_start3A_16 = tpu.memref_slice %arg3[%add3A, %dma_start3A_9, %dma_start3A_14, %dma_start3A_15] : memref<32x90x2x112xi32, #tpu.memory_space<hbm>> -> memref<1x1x2x112xi32, #tpu.memory_space<hbm>>
    %dma_start3A_17 = tpu.memref_squeeze %dma_start3A_16 : memref<1x1x2x112xi32, #tpu.memory_space<hbm>> -> memref<2x112xi32, #tpu.memory_space<hbm>>
    tpu.enqueue_dma source(%dma_start3A_17 : memref<2x112xi32, #tpu.memory_space<hbm>>) target(%arg7 : memref<2x112xi32, #tpu.memory_space<vmem>>) target_semaphore(%arg17 : memref<!tpu.dma_semaphore, #tpu.memory_space<semaphore_mem>>)
    %dma_start3A_18 = arith.constant 2 : i32
    %dma_start3A_19 = arith.constant 0 : i32
    %dma_start3A_20 = arith.constant 0 : i32
    %dma_start3A_21 = tpu.memref_slice %arg3[%add3A, %dma_start3A_18, %dma_start3A_19, %dma_start3A_20] : memref<32x90x2x112xi32, #tpu.memory_space<hbm>> -> memref<1x1x2x112xi32, #tpu.memory_space<hbm>>
    %dma_start3A_22 = tpu.memref_squeeze %dma_start3A_21 : memref<1x1x2x112xi32, #tpu.memory_space<hbm>> -> memref<2x112xi32, #tpu.memory_space<hbm>>
    %dma_start3A_23 = arith.constant 0 : i32
    %dma_start3A_24 = arith.constant 0 : i32
    %dma_start3A_25 = tpu.memref_slice %arg3[%add3A, %dma_start3A_18, %dma_start3A_23, %dma_start3A_24] : memref<32x90x2x112xi32, #tpu.memory_space<hbm>> -> memref<1x1x2x112xi32, #tpu.memory_space<hbm>>
    %dma_start3A_26 = tpu.memref_squeeze %dma_start3A_25 : memref<1x1x2x112xi32, #tpu.memory_space<hbm>> -> memref<2x112xi32, #tpu.memory_space<hbm>>
    tpu.enqueue_dma source(%dma_start3A_26 : memref<2x112xi32, #tpu.memory_space<hbm>>) target(%arg8 : memref<2x112xi32, #tpu.memory_space<vmem>>) target_semaphore(%arg18 : memref<!tpu.dma_semaphore, #tpu.memory_space<semaphore_mem>>)
    %dma_start3A_27 = arith.constant 3 : i32
    %dma_start3A_28 = arith.constant 0 : i32
    %dma_start3A_29 = arith.constant 0 : i32
    %dma_start3A_30 = tpu.memref_slice %arg3[%add3A, %dma_start3A_27, %dma_start3A_28, %dma_start3A_29] : memref<32x90x2x112xi32, #tpu.memory_space<hbm>> -> memref<1x1x2x112xi32, #tpu.memory_space<hbm>>
    %dma_start3A_31 = tpu.memref_squeeze %dma_start3A_30 : memref<1x1x2x112xi32, #tpu.memory_space<hbm>> -> memref<2x112xi32, #tpu.memory_space<hbm>>
    %dma_start3A_32 = arith.constant 0 : i32
    %dma_start3A_33 = arith.constant 0 : i32
    %dma_start3A_34 = tpu.memref_slice %arg3[%add3A, %dma_start3A_27, %dma_start3A_32, %dma_start3A_33] : memref<32x90x2x112xi32, #tpu.memory_space<hbm>> -> memref<1x1x2x112xi32, #tpu.memory_space<hbm>>
    %dma_start3A_35 = tpu.memref_squeeze %dma_start3A_34 : memref<1x1x2x112xi32, #tpu.memory_space<hbm>> -> memref<2x112xi32, #tpu.memory_space<hbm>>
    tpu.enqueue_dma source(%dma_start3A_35 : memref<2x112xi32, #tpu.memory_space<hbm>>) target(%arg9 : memref<2x112xi32, #tpu.memory_space<vmem>>) target_semaphore(%arg19 : memref<!tpu.dma_semaphore, #tpu.memory_space<semaphore_mem>>)
    %dma_start3A_36 = arith.constant 4 : i32
    %dma_start3A_37 = arith.constant 0 : i32
    %dma_start3A_38 = arith.constant 0 : i32
    %dma_start3A_39 = tpu.memref_slice %arg3[%add3A, %dma_start3A_36, %dma_start3A_37, %dma_start3A_38] : memref<32x90x2x112xi32, #tpu.memory_space<hbm>> -> memref<1x1x2x112xi32, #tpu.memory_space<hbm>>
    %dma_start3A_40 = tpu.memref_squeeze %dma_start3A_39 : memref<1x1x2x112xi32, #tpu.memory_space<hbm>> -> memref<2x112xi32, #tpu.memory_space<hbm>>
    %dma_start3A_41 = arith.constant 0 : i32
    %dma_start3A_42 = arith.constant 0 : i32
    %dma_start3A_43 = tpu.memref_slice %arg3[%add3A, %dma_start3A_36, %dma_start3A_41, %dma_start3A_42] : memref<32x90x2x112xi32, #tpu.memory_space<hbm>> -> memref<1x1x2x112xi32, #tpu.memory_space<hbm>>
    %dma_start3A_44 = tpu.memref_squeeze %dma_start3A_43 : memref<1x1x2x112xi32, #tpu.memory_space<hbm>> -> memref<2x112xi32, #tpu.memory_space<hbm>>
    tpu.enqueue_dma source(%dma_start3A_44 : memref<2x112xi32, #tpu.memory_space<hbm>>) target(%arg10 : memref<2x112xi32, #tpu.memory_space<vmem>>) target_semaphore(%arg20 : memref<!tpu.dma_semaphore, #tpu.memory_space<semaphore_mem>>)
    %dma_start3A_45 = arith.constant 5 : i32
    %dma_start3A_46 = arith.constant 0 : i32
    %dma_start3A_47 = arith.constant 0 : i32
    %dma_start3A_48 = tpu.memref_slice %arg3[%add3A, %dma_start3A_45, %dma_start3A_46, %dma_start3A_47] : memref<32x90x2x112xi32, #tpu.memory_space<hbm>> -> memref<1x1x2x112xi32, #tpu.memory_space<hbm>>
    %dma_start3A_49 = tpu.memref_squeeze %dma_start3A_48 : memref<1x1x2x112xi32, #tpu.memory_space<hbm>> -> memref<2x112xi32, #tpu.memory_space<hbm>>
    %dma_start3A_50 = arith.constant 0 : i32
    %dma_start3A_51 = arith.constant 0 : i32
    %dma_start3A_52 = tpu.memref_slice %arg3[%add3A, %dma_start3A_45, %dma_start3A_50, %dma_start3A_51] : memref<32x90x2x112xi32, #tpu.memory_space<hbm>> -> memref<1x1x2x112xi32, #tpu.memory_space<hbm>>
    %dma_start3A_53 = tpu.memref_squeeze %dma_start3A_52 : memref<1x1x2x112xi32, #tpu.memory_space<hbm>> -> memref<2x112xi32, #tpu.memory_space<hbm>>
    tpu.enqueue_dma source(%dma_start3A_53 : memref<2x112xi32, #tpu.memory_space<hbm>>) target(%arg11 : memref<2x112xi32, #tpu.memory_space<vmem>>) target_semaphore(%arg21 : memref<!tpu.dma_semaphore, #tpu.memory_space<semaphore_mem>>)
    "tpu.region"() ({
      %run_scoped3A = tpu.sem_alloc : memref<!tpu.dma_semaphore, #tpu.memory_space<semaphore_mem>>
      tpu.enqueue_dma source(%arg4 : memref<112x128xf32, #tpu.memory_space<hbm>>) target(%arg12 : memref<112x128xf32, #tpu.memory_space<vmem>>) target_semaphore(%run_scoped3A : memref<!tpu.dma_semaphore, #tpu.memory_space<semaphore_mem>>)
      tpu.wait_dma2 semaphore(%run_scoped3A : memref<!tpu.dma_semaphore, #tpu.memory_space<semaphore_mem>>) src(%arg4 : memref<112x128xf32, #tpu.memory_space<hbm>>) dst(%arg12 : memref<112x128xf32, #tpu.memory_space<vmem>>)
      tpu.yield
    }) : () -> ()
    %mul3A_54 = arith.constant 640 : i32
    %mul3A_55 = arith.muli %arg1, %mul3A_54 : i32
    %add3A_56 = arith.constant 0 : i32
    %add3A_57 = arith.addi %mul3A_55, %add3A_56 : i32
    "tpu.region"() ({
      %run_scoped3A = tpu.sem_alloc : memref<!tpu.dma_semaphore, #tpu.memory_space<semaphore_mem>>
      %dma_start3A_86 = arith.constant 0 : i32
      %dma_start3A_87 = tpu.memref_slice %arg15[%add3A_57, %dma_start3A_86] : memref<10240x128xf32, #tpu.memory_space<vmem_shared>> -> memref<112x128xf32, #tpu.memory_space<vmem_shared>>
      %dma_start3A_88 = arith.constant 0 : i32
      %dma_start3A_89 = tpu.memref_slice %arg15[%add3A_57, %dma_start3A_88] : memref<10240x128xf32, #tpu.memory_space<vmem_shared>> -> memref<112x128xf32, #tpu.memory_space<vmem_shared>>
      tpu.enqueue_dma source(%arg12 : memref<112x128xf32, #tpu.memory_space<vmem>>) target(%dma_start3A_89 : memref<112x128xf32, #tpu.memory_space<vmem_shared>>) target_semaphore(%run_scoped3A : memref<!tpu.dma_semaphore, #tpu.memory_space<semaphore_mem>>)
      %dma_wait3A = arith.constant 0 : i32
      %dma_wait3A_90 = tpu.memref_slice %arg15[%add3A_57, %dma_wait3A] : memref<10240x128xf32, #tpu.memory_space<vmem_shared>> -> memref<112x128xf32, #tpu.memory_space<vmem_shared>>
      %dma_wait3A_91 = arith.constant 0 : i32
      %dma_wait3A_92 = tpu.memref_slice %arg15[%add3A_57, %dma_wait3A_91] : memref<10240x128xf32, #tpu.memory_space<vmem_shared>> -> memref<112x128xf32, #tpu.memory_space<vmem_shared>>
      tpu.wait_dma2 semaphore(%run_scoped3A : memref<!tpu.dma_semaphore, #tpu.memory_space<semaphore_mem>>) src(%arg12 : memref<112x128xf32, #tpu.memory_space<vmem>>) dst(%dma_wait3A_92 : memref<112x128xf32, #tpu.memory_space<vmem_shared>>)
      tpu.yield
    }) : () -> ()
    %mul3A_58 = arith.constant 640 : i32
    %mul3A_59 = arith.muli %arg1, %mul3A_58 : i32
    %add3A_60 = arith.constant 112 : i32
    %add3A_61 = arith.addi %mul3A_59, %add3A_60 : i32
    "tpu.region"() ({
      %run_scoped3A = tpu.sem_alloc : memref<!tpu.dma_semaphore, #tpu.memory_space<semaphore_mem>>
      %dma_start3A_86 = arith.constant 0 : i32
      %dma_start3A_87 = tpu.memref_slice %arg15[%add3A_61, %dma_start3A_86] : memref<10240x128xf32, #tpu.memory_space<vmem_shared>> -> memref<112x128xf32, #tpu.memory_space<vmem_shared>>
      %dma_start3A_88 = arith.constant 0 : i32
      %dma_start3A_89 = tpu.memref_slice %arg15[%add3A_61, %dma_start3A_88] : memref<10240x128xf32, #tpu.memory_space<vmem_shared>> -> memref<112x128xf32, #tpu.memory_space<vmem_shared>>
      tpu.enqueue_dma source(%arg12 : memref<112x128xf32, #tpu.memory_space<vmem>>) target(%dma_start3A_89 : memref<112x128xf32, #tpu.memory_space<vmem_shared>>) target_semaphore(%run_scoped3A : memref<!tpu.dma_semaphore, #tpu.memory_space<semaphore_mem>>)
      %dma_wait3A = arith.constant 0 : i32
      %dma_wait3A_90 = tpu.memref_slice %arg15[%add3A_61, %dma_wait3A] : memref<10240x128xf32, #tpu.memory_space<vmem_shared>> -> memref<112x128xf32, #tpu.memory_space<vmem_shared>>
      %dma_wait3A_91 = arith.constant 0 : i32
      %dma_wait3A_92 = tpu.memref_slice %arg15[%add3A_61, %dma_wait3A_91] : memref<10240x128xf32, #tpu.memory_space<vmem_shared>> -> memref<112x128xf32, #tpu.memory_space<vmem_shared>>
      tpu.wait_dma2 semaphore(%run_scoped3A : memref<!tpu.dma_semaphore, #tpu.memory_space<semaphore_mem>>) src(%arg12 : memref<112x128xf32, #tpu.memory_space<vmem>>) dst(%dma_wait3A_92 : memref<112x128xf32, #tpu.memory_space<vmem_shared>>)
      tpu.yield
    }) : () -> ()
    %mul3A_62 = arith.constant 640 : i32
    %mul3A_63 = arith.muli %arg1, %mul3A_62 : i32
    %add3A_64 = arith.constant 224 : i32
    %add3A_65 = arith.addi %mul3A_63, %add3A_64 : i32
    "tpu.region"() ({
      %run_scoped3A = tpu.sem_alloc : memref<!tpu.dma_semaphore, #tpu.memory_space<semaphore_mem>>
      %dma_start3A_86 = arith.constant 0 : i32
      %dma_start3A_87 = tpu.memref_slice %arg15[%add3A_65, %dma_start3A_86] : memref<10240x128xf32, #tpu.memory_space<vmem_shared>> -> memref<112x128xf32, #tpu.memory_space<vmem_shared>>
      %dma_start3A_88 = arith.constant 0 : i32
      %dma_start3A_89 = tpu.memref_slice %arg15[%add3A_65, %dma_start3A_88] : memref<10240x128xf32, #tpu.memory_space<vmem_shared>> -> memref<112x128xf32, #tpu.memory_space<vmem_shared>>
      tpu.enqueue_dma source(%arg12 : memref<112x128xf32, #tpu.memory_space<vmem>>) target(%dma_start3A_89 : memref<112x128xf32, #tpu.memory_space<vmem_shared>>) target_semaphore(%run_scoped3A : memref<!tpu.dma_semaphore, #tpu.memory_space<semaphore_mem>>)
      %dma_wait3A = arith.constant 0 : i32
      %dma_wait3A_90 = tpu.memref_slice %arg15[%add3A_65, %dma_wait3A] : memref<10240x128xf32, #tpu.memory_space<vmem_shared>> -> memref<112x128xf32, #tpu.memory_space<vmem_shared>>
      %dma_wait3A_91 = arith.constant 0 : i32
      %dma_wait3A_92 = tpu.memref_slice %arg15[%add3A_65, %dma_wait3A_91] : memref<10240x128xf32, #tpu.memory_space<vmem_shared>> -> memref<112x128xf32, #tpu.memory_space<vmem_shared>>
      tpu.wait_dma2 semaphore(%run_scoped3A : memref<!tpu.dma_semaphore, #tpu.memory_space<semaphore_mem>>) src(%arg12 : memref<112x128xf32, #tpu.memory_space<vmem>>) dst(%dma_wait3A_92 : memref<112x128xf32, #tpu.memory_space<vmem_shared>>)
      tpu.yield
    }) : () -> ()
    %mul3A_66 = arith.constant 640 : i32
    %mul3A_67 = arith.muli %arg1, %mul3A_66 : i32
    %add3A_68 = arith.constant 336 : i32
    %add3A_69 = arith.addi %mul3A_67, %add3A_68 : i32
    "tpu.region"() ({
      %run_scoped3A = tpu.sem_alloc : memref<!tpu.dma_semaphore, #tpu.memory_space<semaphore_mem>>
      %dma_start3A_86 = arith.constant 0 : i32
      %dma_start3A_87 = tpu.memref_slice %arg15[%add3A_69, %dma_start3A_86] : memref<10240x128xf32, #tpu.memory_space<vmem_shared>> -> memref<112x128xf32, #tpu.memory_space<vmem_shared>>
      %dma_start3A_88 = arith.constant 0 : i32
      %dma_start3A_89 = tpu.memref_slice %arg15[%add3A_69, %dma_start3A_88] : memref<10240x128xf32, #tpu.memory_space<vmem_shared>> -> memref<112x128xf32, #tpu.memory_space<vmem_shared>>
      tpu.enqueue_dma source(%arg12 : memref<112x128xf32, #tpu.memory_space<vmem>>) target(%dma_start3A_89 : memref<112x128xf32, #tpu.memory_space<vmem_shared>>) target_semaphore(%run_scoped3A : memref<!tpu.dma_semaphore, #tpu.memory_space<semaphore_mem>>)
      %dma_wait3A = arith.constant 0 : i32
      %dma_wait3A_90 = tpu.memref_slice %arg15[%add3A_69, %dma_wait3A] : memref<10240x128xf32, #tpu.memory_space<vmem_shared>> -> memref<112x128xf32, #tpu.memory_space<vmem_shared>>
      %dma_wait3A_91 = arith.constant 0 : i32
      %dma_wait3A_92 = tpu.memref_slice %arg15[%add3A_69, %dma_wait3A_91] : memref<10240x128xf32, #tpu.memory_space<vmem_shared>> -> memref<112x128xf32, #tpu.memory_space<vmem_shared>>
      tpu.wait_dma2 semaphore(%run_scoped3A : memref<!tpu.dma_semaphore, #tpu.memory_space<semaphore_mem>>) src(%arg12 : memref<112x128xf32, #tpu.memory_space<vmem>>) dst(%dma_wait3A_92 : memref<112x128xf32, #tpu.memory_space<vmem_shared>>)
      tpu.yield
    }) : () -> ()
    %mul3A_70 = arith.constant 640 : i32
    %mul3A_71 = arith.muli %arg1, %mul3A_70 : i32
    %add3A_72 = arith.constant 448 : i32
    %add3A_73 = arith.addi %mul3A_71, %add3A_72 : i32
    "tpu.region"() ({
      %run_scoped3A = tpu.sem_alloc : memref<!tpu.dma_semaphore, #tpu.memory_space<semaphore_mem>>
      %dma_start3A_86 = arith.constant 0 : i32
      %dma_start3A_87 = tpu.memref_slice %arg15[%add3A_73, %dma_start3A_86] : memref<10240x128xf32, #tpu.memory_space<vmem_shared>> -> memref<112x128xf32, #tpu.memory_space<vmem_shared>>
      %dma_start3A_88 = arith.constant 0 : i32
      %dma_start3A_89 = tpu.memref_slice %arg15[%add3A_73, %dma_start3A_88] : memref<10240x128xf32, #tpu.memory_space<vmem_shared>> -> memref<112x128xf32, #tpu.memory_space<vmem_shared>>
      tpu.enqueue_dma source(%arg12 : memref<112x128xf32, #tpu.memory_space<vmem>>) target(%dma_start3A_89 : memref<112x128xf32, #tpu.memory_space<vmem_shared>>) target_semaphore(%run_scoped3A : memref<!tpu.dma_semaphore, #tpu.memory_space<semaphore_mem>>)
      %dma_wait3A = arith.constant 0 : i32
      %dma_wait3A_90 = tpu.memref_slice %arg15[%add3A_73, %dma_wait3A] : memref<10240x128xf32, #tpu.memory_space<vmem_shared>> -> memref<112x128xf32, #tpu.memory_space<vmem_shared>>
      %dma_wait3A_91 = arith.constant 0 : i32
      %dma_wait3A_92 = tpu.memref_slice %arg15[%add3A_73, %dma_wait3A_91] : memref<10240x128xf32, #tpu.memory_space<vmem_shared>> -> memref<112x128xf32, #tpu.memory_space<vmem_shared>>
      tpu.wait_dma2 semaphore(%run_scoped3A : memref<!tpu.dma_semaphore, #tpu.memory_space<semaphore_mem>>) src(%arg12 : memref<112x128xf32, #tpu.memory_space<vmem>>) dst(%dma_wait3A_92 : memref<112x128xf32, #tpu.memory_space<vmem_shared>>)
      tpu.yield
    }) : () -> ()
    %mul3A_74 = arith.constant 640 : i32
    %mul3A_75 = arith.muli %arg1, %mul3A_74 : i32
    %add3A_76 = arith.constant 560 : i32
    %add3A_77 = arith.addi %mul3A_75, %add3A_76 : i32
    "tpu.region"() ({
      %run_scoped3A = tpu.sem_alloc : memref<!tpu.dma_semaphore, #tpu.memory_space<semaphore_mem>>
      %dma_start3A_86 = arith.constant 0 : i32
      %dma_start3A_87 = arith.constant 0 : i32
      %dma_start3A_88 = tpu.memref_slice %arg12[%dma_start3A_86, %dma_start3A_87] : memref<112x128xf32, #tpu.memory_space<vmem>> -> memref<80x128xf32, #tpu.memory_space<vmem>>
      %dma_start3A_89 = arith.constant 0 : i32
      %dma_start3A_90 = tpu.memref_slice %arg15[%add3A_77, %dma_start3A_89] : memref<10240x128xf32, #tpu.memory_space<vmem_shared>> -> memref<80x128xf32, #tpu.memory_space<vmem_shared>>
      %dma_start3A_91 = arith.constant 0 : i32
      %dma_start3A_92 = tpu.memref_slice %arg15[%add3A_77, %dma_start3A_91] : memref<10240x128xf32, #tpu.memory_space<vmem_shared>> -> memref<80x128xf32, #tpu.memory_space<vmem_shared>>
      %dma_start3A_93 = arith.constant 0 : i32
      %dma_start3A_94 = arith.constant 0 : i32
      %dma_start3A_95 = tpu.memref_slice %arg12[%dma_start3A_93, %dma_start3A_94] : memref<112x128xf32, #tpu.memory_space<vmem>> -> memref<80x128xf32, #tpu.memory_space<vmem>>
      tpu.enqueue_dma source(%dma_start3A_95 : memref<80x128xf32, #tpu.memory_space<vmem>>) target(%dma_start3A_92 : memref<80x128xf32, #tpu.memory_space<vmem_shared>>) target_semaphore(%run_scoped3A : memref<!tpu.dma_semaphore, #tpu.memory_space<semaphore_mem>>)
      %dma_wait3A = arith.constant 0 : i32
      %dma_wait3A_96 = arith.constant 0 : i32
      %dma_wait3A_97 = tpu.memref_slice %arg12[%dma_wait3A, %dma_wait3A_96] : memref<112x128xf32, #tpu.memory_space<vmem>> -> memref<80x128xf32, #tpu.memory_space<vmem>>
      %dma_wait3A_98 = arith.constant 0 : i32
      %dma_wait3A_99 = tpu.memref_slice %arg15[%add3A_77, %dma_wait3A_98] : memref<10240x128xf32, #tpu.memory_space<vmem_shared>> -> memref<80x128xf32, #tpu.memory_space<vmem_shared>>
      %dma_wait3A_100 = arith.constant 0 : i32
      %dma_wait3A_101 = tpu.memref_slice %arg15[%add3A_77, %dma_wait3A_100] : memref<10240x128xf32, #tpu.memory_space<vmem_shared>> -> memref<80x128xf32, #tpu.memory_space<vmem_shared>>
      %dma_wait3A_102 = arith.constant 0 : i32
      %dma_wait3A_103 = arith.constant 0 : i32
      %dma_wait3A_104 = tpu.memref_slice %arg12[%dma_wait3A_102, %dma_wait3A_103] : memref<112x128xf32, #tpu.memory_space<vmem>> -> memref<80x128xf32, #tpu.memory_space<vmem>>
      tpu.wait_dma2 semaphore(%run_scoped3A : memref<!tpu.dma_semaphore, #tpu.memory_space<semaphore_mem>>) src(%dma_wait3A_104 : memref<80x128xf32, #tpu.memory_space<vmem>>) dst(%dma_wait3A_101 : memref<80x128xf32, #tpu.memory_space<vmem_shared>>)
      tpu.yield
    }) : () -> ()
    %barrier3A = arith.constant 0 : index
    tpu.barrier barrier_id(%barrier3A)
    %scan3A = arith.constant 0 : i32
    %scan3A_78 = arith.constant 0 : i32
    %scan3A_79 = arith.constant 15 : i32
    %scan3A_80 = arith.addi %scan3A_78, %scan3A_79 : i32
    %scan3A_81 = arith.constant 1 : i32
    scf.for %scan3A_86 = %scan3A_78 to %scan3A_80 step %scan3A_81  : i32 {
      %mul3A_87 = arith.constant 6 : i32
      %mul3A_88 = arith.muli %scan3A_86, %mul3A_87 : i32
      %add3A_89 = arith.constant 0 : i32
      %add3A_90 = arith.addi %mul3A_88, %add3A_89 : i32
      %dma_wait3A = arith.constant 0 : i32
      %dma_wait3A_91 = arith.constant 0 : i32
      %dma_wait3A_92 = tpu.memref_slice %arg3[%add3A, %add3A_90, %dma_wait3A, %dma_wait3A_91] : memref<32x90x2x112xi32, #tpu.memory_space<hbm>> -> memref<1x1x2x112xi32, #tpu.memory_space<hbm>>
      %dma_wait3A_93 = tpu.memref_squeeze %dma_wait3A_92 : memref<1x1x2x112xi32, #tpu.memory_space<hbm>> -> memref<2x112xi32, #tpu.memory_space<hbm>>
      %dma_wait3A_94 = arith.constant 0 : i32
      %dma_wait3A_95 = arith.constant 0 : i32
      %dma_wait3A_96 = tpu.memref_slice %arg3[%add3A, %add3A_90, %dma_wait3A_94, %dma_wait3A_95] : memref<32x90x2x112xi32, #tpu.memory_space<hbm>> -> memref<1x1x2x112xi32, #tpu.memory_space<hbm>>
      %dma_wait3A_97 = tpu.memref_squeeze %dma_wait3A_96 : memref<1x1x2x112xi32, #tpu.memory_space<hbm>> -> memref<2x112xi32, #tpu.memory_space<hbm>>
      tpu.wait_dma2 semaphore(%arg16 : memref<!tpu.dma_semaphore, #tpu.memory_space<semaphore_mem>>) src(%dma_wait3A_97 : memref<2x112xi32, #tpu.memory_space<hbm>>) dst(%arg6 : memref<2x112xi32, #tpu.memory_space<vmem>>)
      %dma_start3A_98 = arith.constant 0 : i32
      %dma_start3A_99 = arith.constant 0 : i32
      %dma_start3A_100 = tpu.memref_slice %arg6[%dma_start3A_98, %dma_start3A_99] : memref<2x112xi32, #tpu.memory_space<vmem>> -> memref<1x112xi32, #tpu.memory_space<vmem>>
      %dma_start3A_101 = tpu.memref_squeeze %dma_start3A_100 : memref<1x112xi32, #tpu.memory_space<vmem>> -> memref<112xi32, #tpu.memory_space<vmem>>
      %dma_start3A_102 = arith.constant 0 : i32
      %dma_start3A_103 = arith.constant 0 : i32
      %dma_start3A_104 = tpu.memref_slice %arg2[%dma_start3A_102, %dma_start3A_103] : memref<10008x128xf32, #tpu.memory_space<hbm>> -> memref<10008x128xf32, #tpu.memory_space<hbm>>
      tpu.enqueue_indirect_dma source(%dma_start3A_104 : memref<10008x128xf32, #tpu.memory_space<hbm>>) target(%arg12 : memref<112x128xf32, #tpu.memory_space<vmem>>) offsets(%dma_start3A_101 : memref<112xi32, #tpu.memory_space<vmem>>) semaphore(%arg22 : memref<!tpu.dma_semaphore, #tpu.memory_space<semaphore_mem>>)
      %mul3A_105 = arith.constant 6 : i32
      %mul3A_106 = arith.muli %scan3A_86, %mul3A_105 : i32
      %add3A_107 = arith.constant 1 : i32
      %add3A_108 = arith.addi %mul3A_106, %add3A_107 : i32
      %dma_wait3A_109 = arith.constant 0 : i32
      %dma_wait3A_110 = arith.constant 0 : i32
      %dma_wait3A_111 = tpu.memref_slice %arg3[%add3A, %add3A_108, %dma_wait3A_109, %dma_wait3A_110] : memref<32x90x2x112xi32, #tpu.memory_space<hbm>> -> memref<1x1x2x112xi32, #tpu.memory_space<hbm>>
      %dma_wait3A_112 = tpu.memref_squeeze %dma_wait3A_111 : memref<1x1x2x112xi32, #tpu.memory_space<hbm>> -> memref<2x112xi32, #tpu.memory_space<hbm>>
      %dma_wait3A_113 = arith.constant 0 : i32
      %dma_wait3A_114 = arith.constant 0 : i32
      %dma_wait3A_115 = tpu.memref_slice %arg3[%add3A, %add3A_108, %dma_wait3A_113, %dma_wait3A_114] : memref<32x90x2x112xi32, #tpu.memory_space<hbm>> -> memref<1x1x2x112xi32, #tpu.memory_space<hbm>>
      %dma_wait3A_116 = tpu.memref_squeeze %dma_wait3A_115 : memref<1x1x2x112xi32, #tpu.memory_space<hbm>> -> memref<2x112xi32, #tpu.memory_space<hbm>>
      tpu.wait_dma2 semaphore(%arg17 : memref<!tpu.dma_semaphore, #tpu.memory_space<semaphore_mem>>) src(%dma_wait3A_116 : memref<2x112xi32, #tpu.memory_space<hbm>>) dst(%arg7 : memref<2x112xi32, #tpu.memory_space<vmem>>)
      %dma_start3A_117 = arith.constant 0 : i32
      %dma_start3A_118 = arith.constant 0 : i32
      %dma_start3A_119 = tpu.memref_slice %arg7[%dma_start3A_117, %dma_start3A_118] : memref<2x112xi32, #tpu.memory_space<vmem>> -> memref<1x112xi32, #tpu.memory_space<vmem>>
      %dma_start3A_120 = tpu.memref_squeeze %dma_start3A_119 : memref<1x112xi32, #tpu.memory_space<vmem>> -> memref<112xi32, #tpu.memory_space<vmem>>
      %dma_start3A_121 = arith.constant 0 : i32
      %dma_start3A_122 = arith.constant 0 : i32
      %dma_start3A_123 = tpu.memref_slice %arg2[%dma_start3A_121, %dma_start3A_122] : memref<10008x128xf32, #tpu.memory_space<hbm>> -> memref<10008x128xf32, #tpu.memory_space<hbm>>
      tpu.enqueue_indirect_dma source(%dma_start3A_123 : memref<10008x128xf32, #tpu.memory_space<hbm>>) target(%arg13 : memref<112x128xf32, #tpu.memory_space<vmem>>) offsets(%dma_start3A_120 : memref<112xi32, #tpu.memory_space<vmem>>) semaphore(%arg23 : memref<!tpu.dma_semaphore, #tpu.memory_space<semaphore_mem>>)
      %mul3A_124 = arith.constant 6 : i32
      %mul3A_125 = arith.muli %scan3A_86, %mul3A_124 : i32
      %add3A_126 = arith.constant 2 : i32
      %add3A_127 = arith.addi %mul3A_125, %add3A_126 : i32
      %dma_wait3A_128 = arith.constant 0 : i32
      %dma_wait3A_129 = arith.constant 0 : i32
      %dma_wait3A_130 = tpu.memref_slice %arg3[%add3A, %add3A_127, %dma_wait3A_128, %dma_wait3A_129] : memref<32x90x2x112xi32, #tpu.memory_space<hbm>> -> memref<1x1x2x112xi32, #tpu.memory_space<hbm>>
      %dma_wait3A_131 = tpu.memref_squeeze %dma_wait3A_130 : memref<1x1x2x112xi32, #tpu.memory_space<hbm>> -> memref<2x112xi32, #tpu.memory_space<hbm>>
      %dma_wait3A_132 = arith.constant 0 : i32
      %dma_wait3A_133 = arith.constant 0 : i32
      %dma_wait3A_134 = tpu.memref_slice %arg3[%add3A, %add3A_127, %dma_wait3A_132, %dma_wait3A_133] : memref<32x90x2x112xi32, #tpu.memory_space<hbm>> -> memref<1x1x2x112xi32, #tpu.memory_space<hbm>>
      %dma_wait3A_135 = tpu.memref_squeeze %dma_wait3A_134 : memref<1x1x2x112xi32, #tpu.memory_space<hbm>> -> memref<2x112xi32, #tpu.memory_space<hbm>>
      tpu.wait_dma2 semaphore(%arg18 : memref<!tpu.dma_semaphore, #tpu.memory_space<semaphore_mem>>) src(%dma_wait3A_135 : memref<2x112xi32, #tpu.memory_space<hbm>>) dst(%arg8 : memref<2x112xi32, #tpu.memory_space<vmem>>)
      %dma_start3A_136 = arith.constant 0 : i32
      %dma_start3A_137 = arith.constant 0 : i32
      %dma_start3A_138 = tpu.memref_slice %arg8[%dma_start3A_136, %dma_start3A_137] : memref<2x112xi32, #tpu.memory_space<vmem>> -> memref<1x112xi32, #tpu.memory_space<vmem>>
      %dma_start3A_139 = tpu.memref_squeeze %dma_start3A_138 : memref<1x112xi32, #tpu.memory_space<vmem>> -> memref<112xi32, #tpu.memory_space<vmem>>
      %dma_start3A_140 = arith.constant 0 : i32
      %dma_start3A_141 = arith.constant 0 : i32
      %dma_start3A_142 = tpu.memref_slice %arg2[%dma_start3A_140, %dma_start3A_141] : memref<10008x128xf32, #tpu.memory_space<hbm>> -> memref<10008x128xf32, #tpu.memory_space<hbm>>
      tpu.enqueue_indirect_dma source(%dma_start3A_142 : memref<10008x128xf32, #tpu.memory_space<hbm>>) target(%arg14 : memref<112x128xf32, #tpu.memory_space<vmem>>) offsets(%dma_start3A_139 : memref<112xi32, #tpu.memory_space<vmem>>) semaphore(%arg24 : memref<!tpu.dma_semaphore, #tpu.memory_space<semaphore_mem>>)
      %mul3A_143 = arith.constant 6 : i32
      %mul3A_144 = arith.muli %scan3A_86, %mul3A_143 : i32
      %add3A_145 = arith.constant 3 : i32
      %add3A_146 = arith.addi %mul3A_144, %add3A_145 : i32
      %dma_wait3A_147 = arith.constant 0 : i32
      %dma_wait3A_148 = arith.constant 0 : i32
      %dma_wait3A_149 = tpu.memref_slice %arg6[%dma_wait3A_147, %dma_wait3A_148] : memref<2x112xi32, #tpu.memory_space<vmem>> -> memref<1x112xi32, #tpu.memory_space<vmem>>
      %dma_wait3A_150 = tpu.memref_squeeze %dma_wait3A_149 : memref<1x112xi32, #tpu.memory_space<vmem>> -> memref<112xi32, #tpu.memory_space<vmem>>
      %dma_wait3A_151 = arith.constant 0 : i32
      %dma_wait3A_152 = arith.constant 0 : i32
      %dma_wait3A_153 = tpu.memref_slice %arg2[%dma_wait3A_151, %dma_wait3A_152] : memref<10008x128xf32, #tpu.memory_space<hbm>> -> memref<10008x128xf32, #tpu.memory_space<hbm>>
      tpu.wait_indirect_dma semaphore(%arg22 : memref<!tpu.dma_semaphore, #tpu.memory_space<semaphore_mem>>) src(%dma_wait3A_153 : memref<10008x128xf32, #tpu.memory_space<hbm>>) dst(%arg12 : memref<112x128xf32, #tpu.memory_space<vmem>>)
      %run_scoped3A = arith.constant 1 : i32
      "tpu.region"() ({
        %run_scoped3A_286 = tpu.sem_alloc : memref<!tpu.dma_semaphore, #tpu.memory_space<semaphore_mem>>
        %dma_start3A_287 = arith.constant 0 : i32
        %dma_start3A_288 = tpu.memref_slice %arg6[%run_scoped3A, %dma_start3A_287] : memref<2x112xi32, #tpu.memory_space<vmem>> -> memref<1x112xi32, #tpu.memory_space<vmem>>
        %dma_start3A_289 = tpu.memref_squeeze %dma_start3A_288 : memref<1x112xi32, #tpu.memory_space<vmem>> -> memref<112xi32, #tpu.memory_space<vmem>>
        %dma_start3A_290 = arith.constant 0 : i32
        %dma_start3A_291 = arith.constant 0 : i32
        %dma_start3A_292 = tpu.memref_slice %arg15[%dma_start3A_290, %dma_start3A_291] : memref<10240x128xf32, #tpu.memory_space<vmem_shared>> -> memref<10240x128xf32, #tpu.memory_space<vmem_shared>>
        tpu.enqueue_indirect_dma source(%arg12 : memref<112x128xf32, #tpu.memory_space<vmem>>) target(%dma_start3A_292 : memref<10240x128xf32, #tpu.memory_space<vmem_shared>>) offsets(%dma_start3A_289 : memref<112xi32, #tpu.memory_space<vmem>>) semaphore(%run_scoped3A_286 : memref<!tpu.dma_semaphore, #tpu.memory_space<semaphore_mem>>) {add = true}
        %dma_wait3A_293 = arith.constant 0 : i32
        %dma_wait3A_294 = tpu.memref_slice %arg6[%run_scoped3A, %dma_wait3A_293] : memref<2x112xi32, #tpu.memory_space<vmem>> -> memref<1x112xi32, #tpu.memory_space<vmem>>
        %dma_wait3A_295 = tpu.memref_squeeze %dma_wait3A_294 : memref<1x112xi32, #tpu.memory_space<vmem>> -> memref<112xi32, #tpu.memory_space<vmem>>
        %dma_wait3A_296 = arith.constant 0 : i32
        %dma_wait3A_297 = arith.constant 0 : i32
        %dma_wait3A_298 = tpu.memref_slice %arg15[%dma_wait3A_296, %dma_wait3A_297] : memref<10240x128xf32, #tpu.memory_space<vmem_shared>> -> memref<10240x128xf32, #tpu.memory_space<vmem_shared>>
        tpu.wait_indirect_dma semaphore(%run_scoped3A_286 : memref<!tpu.dma_semaphore, #tpu.memory_space<semaphore_mem>>) src(%arg12 : memref<112x128xf32, #tpu.memory_space<vmem>>) dst(%dma_wait3A_298 : memref<10240x128xf32, #tpu.memory_space<vmem_shared>>)
        tpu.yield
      }) : () -> ()
      %add3A_154 = arith.constant 1 : i32
      %add3A_155 = arith.addi %scan3A_86, %add3A_154 : i32
      %lt3A = arith.constant 15 : i32
      %lt3A_156 = arith.cmpi slt, %add3A_155, %lt3A : i32
      %convert_element_type3A = arith.extui %lt3A_156 : i1 to i32
      %cond3A = arith.constant 0 : i32
      %cond3A_157 = arith.cmpi ne, %convert_element_type3A, %cond3A : i32
      scf.if %cond3A_157 {
        %add3A_286 = arith.constant 1 : i32
        %add3A_287 = arith.addi %scan3A_86, %add3A_286 : i32
        %mul3A_288 = arith.constant 6 : i32
        %mul3A_289 = arith.muli %add3A_287, %mul3A_288 : i32
        %add3A_290 = arith.constant 0 : i32
        %add3A_291 = arith.addi %mul3A_289, %add3A_290 : i32
        %dma_start3A_292 = arith.constant 0 : i32
        %dma_start3A_293 = arith.constant 0 : i32
        %dma_start3A_294 = tpu.memref_slice %arg3[%add3A, %add3A_291, %dma_start3A_292, %dma_start3A_293] : memref<32x90x2x112xi32, #tpu.memory_space<hbm>> -> memref<1x1x2x112xi32, #tpu.memory_space<hbm>>
        %dma_start3A_295 = tpu.memref_squeeze %dma_start3A_294 : memref<1x1x2x112xi32, #tpu.memory_space<hbm>> -> memref<2x112xi32, #tpu.memory_space<hbm>>
        %dma_start3A_296 = arith.constant 0 : i32
        %dma_start3A_297 = arith.constant 0 : i32
        %dma_start3A_298 = tpu.memref_slice %arg3[%add3A, %add3A_291, %dma_start3A_296, %dma_start3A_297] : memref<32x90x2x112xi32, #tpu.memory_space<hbm>> -> memref<1x1x2x112xi32, #tpu.memory_space<hbm>>
        %dma_start3A_299 = tpu.memref_squeeze %dma_start3A_298 : memref<1x1x2x112xi32, #tpu.memory_space<hbm>> -> memref<2x112xi32, #tpu.memory_space<hbm>>
        tpu.enqueue_dma source(%dma_start3A_299 : memref<2x112xi32, #tpu.memory_space<hbm>>) target(%arg6 : memref<2x112xi32, #tpu.memory_space<vmem>>) target_semaphore(%arg16 : memref<!tpu.dma_semaphore, #tpu.memory_space<semaphore_mem>>)
      } else {
      }
      %dma_wait3A_158 = arith.constant 0 : i32
      %dma_wait3A_159 = arith.constant 0 : i32
      %dma_wait3A_160 = tpu.memref_slice %arg3[%add3A, %add3A_146, %dma_wait3A_158, %dma_wait3A_159] : memref<32x90x2x112xi32, #tpu.memory_space<hbm>> -> memref<1x1x2x112xi32, #tpu.memory_space<hbm>>
      %dma_wait3A_161 = tpu.memref_squeeze %dma_wait3A_160 : memref<1x1x2x112xi32, #tpu.memory_space<hbm>> -> memref<2x112xi32, #tpu.memory_space<hbm>>
      %dma_wait3A_162 = arith.constant 0 : i32
      %dma_wait3A_163 = arith.constant 0 : i32
      %dma_wait3A_164 = tpu.memref_slice %arg3[%add3A, %add3A_146, %dma_wait3A_162, %dma_wait3A_163] : memref<32x90x2x112xi32, #tpu.memory_space<hbm>> -> memref<1x1x2x112xi32, #tpu.memory_space<hbm>>
      %dma_wait3A_165 = tpu.memref_squeeze %dma_wait3A_164 : memref<1x1x2x112xi32, #tpu.memory_space<hbm>> -> memref<2x112xi32, #tpu.memory_space<hbm>>
      tpu.wait_dma2 semaphore(%arg19 : memref<!tpu.dma_semaphore, #tpu.memory_space<semaphore_mem>>) src(%dma_wait3A_165 : memref<2x112xi32, #tpu.memory_space<hbm>>) dst(%arg9 : memref<2x112xi32, #tpu.memory_space<vmem>>)
      %dma_start3A_166 = arith.constant 0 : i32
      %dma_start3A_167 = arith.constant 0 : i32
      %dma_start3A_168 = tpu.memref_slice %arg9[%dma_start3A_166, %dma_start3A_167] : memref<2x112xi32, #tpu.memory_space<vmem>> -> memref<1x112xi32, #tpu.memory_space<vmem>>
      %dma_start3A_169 = tpu.memref_squeeze %dma_start3A_168 : memref<1x112xi32, #tpu.memory_space<vmem>> -> memref<112xi32, #tpu.memory_space<vmem>>
      %dma_start3A_170 = arith.constant 0 : i32
      %dma_start3A_171 = arith.constant 0 : i32
      %dma_start3A_172 = tpu.memref_slice %arg2[%dma_start3A_170, %dma_start3A_171] : memref<10008x128xf32, #tpu.memory_space<hbm>> -> memref<10008x128xf32, #tpu.memory_space<hbm>>
      tpu.enqueue_indirect_dma source(%dma_start3A_172 : memref<10008x128xf32, #tpu.memory_space<hbm>>) target(%arg12 : memref<112x128xf32, #tpu.memory_space<vmem>>) offsets(%dma_start3A_169 : memref<112xi32, #tpu.memory_space<vmem>>) semaphore(%arg22 : memref<!tpu.dma_semaphore, #tpu.memory_space<semaphore_mem>>)
      %mul3A_173 = arith.constant 6 : i32
      %mul3A_174 = arith.muli %scan3A_86, %mul3A_173 : i32
      %add3A_175 = arith.constant 4 : i32
      %add3A_176 = arith.addi %mul3A_174, %add3A_175 : i32
      %dma_wait3A_177 = arith.constant 0 : i32
      %dma_wait3A_178 = arith.constant 0 : i32
      %dma_wait3A_179 = tpu.memref_slice %arg7[%dma_wait3A_177, %dma_wait3A_178] : memref<2x112xi32, #tpu.memory_space<vmem>> -> memref<1x112xi32, #tpu.memory_space<vmem>>
      %dma_wait3A_180 = tpu.memref_squeeze %dma_wait3A_179 : memref<1x112xi32, #tpu.memory_space<vmem>> -> memref<112xi32, #tpu.memory_space<vmem>>
      %dma_wait3A_181 = arith.constant 0 : i32
      %dma_wait3A_182 = arith.constant 0 : i32
      %dma_wait3A_183 = tpu.memref_slice %arg2[%dma_wait3A_181, %dma_wait3A_182] : memref<10008x128xf32, #tpu.memory_space<hbm>> -> memref<10008x128xf32, #tpu.memory_space<hbm>>
      tpu.wait_indirect_dma semaphore(%arg23 : memref<!tpu.dma_semaphore, #tpu.memory_space<semaphore_mem>>) src(%dma_wait3A_183 : memref<10008x128xf32, #tpu.memory_space<hbm>>) dst(%arg13 : memref<112x128xf32, #tpu.memory_space<vmem>>)
      %run_scoped3A_184 = arith.constant 1 : i32
      "tpu.region"() ({
        %run_scoped3A_286 = tpu.sem_alloc : memref<!tpu.dma_semaphore, #tpu.memory_space<semaphore_mem>>
        %dma_start3A_287 = arith.constant 0 : i32
        %dma_start3A_288 = tpu.memref_slice %arg7[%run_scoped3A_184, %dma_start3A_287] : memref<2x112xi32, #tpu.memory_space<vmem>> -> memref<1x112xi32, #tpu.memory_space<vmem>>
        %dma_start3A_289 = tpu.memref_squeeze %dma_start3A_288 : memref<1x112xi32, #tpu.memory_space<vmem>> -> memref<112xi32, #tpu.memory_space<vmem>>
        %dma_start3A_290 = arith.constant 0 : i32
        %dma_start3A_291 = arith.constant 0 : i32
        %dma_start3A_292 = tpu.memref_slice %arg15[%dma_start3A_290, %dma_start3A_291] : memref<10240x128xf32, #tpu.memory_space<vmem_shared>> -> memref<10240x128xf32, #tpu.memory_space<vmem_shared>>
        tpu.enqueue_indirect_dma source(%arg13 : memref<112x128xf32, #tpu.memory_space<vmem>>) target(%dma_start3A_292 : memref<10240x128xf32, #tpu.memory_space<vmem_shared>>) offsets(%dma_start3A_289 : memref<112xi32, #tpu.memory_space<vmem>>) semaphore(%run_scoped3A_286 : memref<!tpu.dma_semaphore, #tpu.memory_space<semaphore_mem>>) {add = true}
        %dma_wait3A_293 = arith.constant 0 : i32
        %dma_wait3A_294 = tpu.memref_slice %arg7[%run_scoped3A_184, %dma_wait3A_293] : memref<2x112xi32, #tpu.memory_space<vmem>> -> memref<1x112xi32, #tpu.memory_space<vmem>>
        %dma_wait3A_295 = tpu.memref_squeeze %dma_wait3A_294 : memref<1x112xi32, #tpu.memory_space<vmem>> -> memref<112xi32, #tpu.memory_space<vmem>>
        %dma_wait3A_296 = arith.constant 0 : i32
        %dma_wait3A_297 = arith.constant 0 : i32
        %dma_wait3A_298 = tpu.memref_slice %arg15[%dma_wait3A_296, %dma_wait3A_297] : memref<10240x128xf32, #tpu.memory_space<vmem_shared>> -> memref<10240x128xf32, #tpu.memory_space<vmem_shared>>
        tpu.wait_indirect_dma semaphore(%run_scoped3A_286 : memref<!tpu.dma_semaphore, #tpu.memory_space<semaphore_mem>>) src(%arg13 : memref<112x128xf32, #tpu.memory_space<vmem>>) dst(%dma_wait3A_298 : memref<10240x128xf32, #tpu.memory_space<vmem_shared>>)
        tpu.yield
      }) : () -> ()
      %add3A_185 = arith.constant 1 : i32
      %add3A_186 = arith.addi %scan3A_86, %add3A_185 : i32
      %lt3A_187 = arith.constant 15 : i32
      %lt3A_188 = arith.cmpi slt, %add3A_186, %lt3A_187 : i32
      %convert_element_type3A_189 = arith.extui %lt3A_188 : i1 to i32
      %cond3A_190 = arith.constant 0 : i32
      %cond3A_191 = arith.cmpi ne, %convert_element_type3A_189, %cond3A_190 : i32
      scf.if %cond3A_191 {
        %add3A_286 = arith.constant 1 : i32
        %add3A_287 = arith.addi %scan3A_86, %add3A_286 : i32
        %mul3A_288 = arith.constant 6 : i32
        %mul3A_289 = arith.muli %add3A_287, %mul3A_288 : i32
        %add3A_290 = arith.constant 1 : i32
        %add3A_291 = arith.addi %mul3A_289, %add3A_290 : i32
        %dma_start3A_292 = arith.constant 0 : i32
        %dma_start3A_293 = arith.constant 0 : i32
        %dma_start3A_294 = tpu.memref_slice %arg3[%add3A, %add3A_291, %dma_start3A_292, %dma_start3A_293] : memref<32x90x2x112xi32, #tpu.memory_space<hbm>> -> memref<1x1x2x112xi32, #tpu.memory_space<hbm>>
        %dma_start3A_295 = tpu.memref_squeeze %dma_start3A_294 : memref<1x1x2x112xi32, #tpu.memory_space<hbm>> -> memref<2x112xi32, #tpu.memory_space<hbm>>
        %dma_start3A_296 = arith.constant 0 : i32
        %dma_start3A_297 = arith.constant 0 : i32
        %dma_start3A_298 = tpu.memref_slice %arg3[%add3A, %add3A_291, %dma_start3A_296, %dma_start3A_297] : memref<32x90x2x112xi32, #tpu.memory_space<hbm>> -> memref<1x1x2x112xi32, #tpu.memory_space<hbm>>
        %dma_start3A_299 = tpu.memref_squeeze %dma_start3A_298 : memref<1x1x2x112xi32, #tpu.memory_space<hbm>> -> memref<2x112xi32, #tpu.memory_space<hbm>>
        tpu.enqueue_dma source(%dma_start3A_299 : memref<2x112xi32, #tpu.memory_space<hbm>>) target(%arg7 : memref<2x112xi32, #tpu.memory_space<vmem>>) target_semaphore(%arg17 : memref<!tpu.dma_semaphore, #tpu.memory_space<semaphore_mem>>)
      } else {
      }
      %dma_wait3A_192 = arith.constant 0 : i32
      %dma_wait3A_193 = arith.constant 0 : i32
      %dma_wait3A_194 = tpu.memref_slice %arg3[%add3A, %add3A_176, %dma_wait3A_192, %dma_wait3A_193] : memref<32x90x2x112xi32, #tpu.memory_space<hbm>> -> memref<1x1x2x112xi32, #tpu.memory_space<hbm>>
      %dma_wait3A_195 = tpu.memref_squeeze %dma_wait3A_194 : memref<1x1x2x112xi32, #tpu.memory_space<hbm>> -> memref<2x112xi32, #tpu.memory_space<hbm>>
      %dma_wait3A_196 = arith.constant 0 : i32
      %dma_wait3A_197 = arith.constant 0 : i32
      %dma_wait3A_198 = tpu.memref_slice %arg3[%add3A, %add3A_176, %dma_wait3A_196, %dma_wait3A_197] : memref<32x90x2x112xi32, #tpu.memory_space<hbm>> -> memref<1x1x2x112xi32, #tpu.memory_space<hbm>>
      %dma_wait3A_199 = tpu.memref_squeeze %dma_wait3A_198 : memref<1x1x2x112xi32, #tpu.memory_space<hbm>> -> memref<2x112xi32, #tpu.memory_space<hbm>>
      tpu.wait_dma2 semaphore(%arg20 : memref<!tpu.dma_semaphore, #tpu.memory_space<semaphore_mem>>) src(%dma_wait3A_199 : memref<2x112xi32, #tpu.memory_space<hbm>>) dst(%arg10 : memref<2x112xi32, #tpu.memory_space<vmem>>)
      %dma_start3A_200 = arith.constant 0 : i32
      %dma_start3A_201 = arith.constant 0 : i32
      %dma_start3A_202 = tpu.memref_slice %arg10[%dma_start3A_200, %dma_start3A_201] : memref<2x112xi32, #tpu.memory_space<vmem>> -> memref<1x112xi32, #tpu.memory_space<vmem>>
      %dma_start3A_203 = tpu.memref_squeeze %dma_start3A_202 : memref<1x112xi32, #tpu.memory_space<vmem>> -> memref<112xi32, #tpu.memory_space<vmem>>
      %dma_start3A_204 = arith.constant 0 : i32
      %dma_start3A_205 = arith.constant 0 : i32
      %dma_start3A_206 = tpu.memref_slice %arg2[%dma_start3A_204, %dma_start3A_205] : memref<10008x128xf32, #tpu.memory_space<hbm>> -> memref<10008x128xf32, #tpu.memory_space<hbm>>
      tpu.enqueue_indirect_dma source(%dma_start3A_206 : memref<10008x128xf32, #tpu.memory_space<hbm>>) target(%arg13 : memref<112x128xf32, #tpu.memory_space<vmem>>) offsets(%dma_start3A_203 : memref<112xi32, #tpu.memory_space<vmem>>) semaphore(%arg23 : memref<!tpu.dma_semaphore, #tpu.memory_space<semaphore_mem>>)
      %mul3A_207 = arith.constant 6 : i32
      %mul3A_208 = arith.muli %scan3A_86, %mul3A_207 : i32
      %add3A_209 = arith.constant 5 : i32
      %add3A_210 = arith.addi %mul3A_208, %add3A_209 : i32
      %dma_wait3A_211 = arith.constant 0 : i32
      %dma_wait3A_212 = arith.constant 0 : i32
      %dma_wait3A_213 = tpu.memref_slice %arg8[%dma_wait3A_211, %dma_wait3A_212] : memref<2x112xi32, #tpu.memory_space<vmem>> -> memref<1x112xi32, #tpu.memory_space<vmem>>
      %dma_wait3A_214 = tpu.memref_squeeze %dma_wait3A_213 : memref<1x112xi32, #tpu.memory_space<vmem>> -> memref<112xi32, #tpu.memory_space<vmem>>
      %dma_wait3A_215 = arith.constant 0 : i32
      %dma_wait3A_216 = arith.constant 0 : i32
      %dma_wait3A_217 = tpu.memref_slice %arg2[%dma_wait3A_215, %dma_wait3A_216] : memref<10008x128xf32, #tpu.memory_space<hbm>> -> memref<10008x128xf32, #tpu.memory_space<hbm>>
      tpu.wait_indirect_dma semaphore(%arg24 : memref<!tpu.dma_semaphore, #tpu.memory_space<semaphore_mem>>) src(%dma_wait3A_217 : memref<10008x128xf32, #tpu.memory_space<hbm>>) dst(%arg14 : memref<112x128xf32, #tpu.memory_space<vmem>>)
      %run_scoped3A_218 = arith.constant 1 : i32
      "tpu.region"() ({
        %run_scoped3A_286 = tpu.sem_alloc : memref<!tpu.dma_semaphore, #tpu.memory_space<semaphore_mem>>
        %dma_start3A_287 = arith.constant 0 : i32
        %dma_start3A_288 = tpu.memref_slice %arg8[%run_scoped3A_218, %dma_start3A_287] : memref<2x112xi32, #tpu.memory_space<vmem>> -> memref<1x112xi32, #tpu.memory_space<vmem>>
        %dma_start3A_289 = tpu.memref_squeeze %dma_start3A_288 : memref<1x112xi32, #tpu.memory_space<vmem>> -> memref<112xi32, #tpu.memory_space<vmem>>
        %dma_start3A_290 = arith.constant 0 : i32
        %dma_start3A_291 = arith.constant 0 : i32
        %dma_start3A_292 = tpu.memref_slice %arg15[%dma_start3A_290, %dma_start3A_291] : memref<10240x128xf32, #tpu.memory_space<vmem_shared>> -> memref<10240x128xf32, #tpu.memory_space<vmem_shared>>
        tpu.enqueue_indirect_dma source(%arg14 : memref<112x128xf32, #tpu.memory_space<vmem>>) target(%dma_start3A_292 : memref<10240x128xf32, #tpu.memory_space<vmem_shared>>) offsets(%dma_start3A_289 : memref<112xi32, #tpu.memory_space<vmem>>) semaphore(%run_scoped3A_286 : memref<!tpu.dma_semaphore, #tpu.memory_space<semaphore_mem>>) {add = true}
        %dma_wait3A_293 = arith.constant 0 : i32
        %dma_wait3A_294 = tpu.memref_slice %arg8[%run_scoped3A_218, %dma_wait3A_293] : memref<2x112xi32, #tpu.memory_space<vmem>> -> memref<1x112xi32, #tpu.memory_space<vmem>>
        %dma_wait3A_295 = tpu.memref_squeeze %dma_wait3A_294 : memref<1x112xi32, #tpu.memory_space<vmem>> -> memref<112xi32, #tpu.memory_space<vmem>>
        %dma_wait3A_296 = arith.constant 0 : i32
        %dma_wait3A_297 = arith.constant 0 : i32
        %dma_wait3A_298 = tpu.memref_slice %arg15[%dma_wait3A_296, %dma_wait3A_297] : memref<10240x128xf32, #tpu.memory_space<vmem_shared>> -> memref<10240x128xf32, #tpu.memory_space<vmem_shared>>
        tpu.wait_indirect_dma semaphore(%run_scoped3A_286 : memref<!tpu.dma_semaphore, #tpu.memory_space<semaphore_mem>>) src(%arg14 : memref<112x128xf32, #tpu.memory_space<vmem>>) dst(%dma_wait3A_298 : memref<10240x128xf32, #tpu.memory_space<vmem_shared>>)
        tpu.yield
      }) : () -> ()
      %add3A_219 = arith.constant 1 : i32
      %add3A_220 = arith.addi %scan3A_86, %add3A_219 : i32
      %lt3A_221 = arith.constant 15 : i32
      %lt3A_222 = arith.cmpi slt, %add3A_220, %lt3A_221 : i32
      %convert_element_type3A_223 = arith.extui %lt3A_222 : i1 to i32
      %cond3A_224 = arith.constant 0 : i32
      %cond3A_225 = arith.cmpi ne, %convert_element_type3A_223, %cond3A_224 : i32
      scf.if %cond3A_225 {
        %add3A_286 = arith.constant 1 : i32
        %add3A_287 = arith.addi %scan3A_86, %add3A_286 : i32
        %mul3A_288 = arith.constant 6 : i32
        %mul3A_289 = arith.muli %add3A_287, %mul3A_288 : i32
        %add3A_290 = arith.constant 2 : i32
        %add3A_291 = arith.addi %mul3A_289, %add3A_290 : i32
        %dma_start3A_292 = arith.constant 0 : i32
        %dma_start3A_293 = arith.constant 0 : i32
        %dma_start3A_294 = tpu.memref_slice %arg3[%add3A, %add3A_291, %dma_start3A_292, %dma_start3A_293] : memref<32x90x2x112xi32, #tpu.memory_space<hbm>> -> memref<1x1x2x112xi32, #tpu.memory_space<hbm>>
        %dma_start3A_295 = tpu.memref_squeeze %dma_start3A_294 : memref<1x1x2x112xi32, #tpu.memory_space<hbm>> -> memref<2x112xi32, #tpu.memory_space<hbm>>
        %dma_start3A_296 = arith.constant 0 : i32
        %dma_start3A_297 = arith.constant 0 : i32
        %dma_start3A_298 = tpu.memref_slice %arg3[%add3A, %add3A_291, %dma_start3A_296, %dma_start3A_297] : memref<32x90x2x112xi32, #tpu.memory_space<hbm>> -> memref<1x1x2x112xi32, #tpu.memory_space<hbm>>
        %dma_start3A_299 = tpu.memref_squeeze %dma_start3A_298 : memref<1x1x2x112xi32, #tpu.memory_space<hbm>> -> memref<2x112xi32, #tpu.memory_space<hbm>>
        tpu.enqueue_dma source(%dma_start3A_299 : memref<2x112xi32, #tpu.memory_space<hbm>>) target(%arg8 : memref<2x112xi32, #tpu.memory_space<vmem>>) target_semaphore(%arg18 : memref<!tpu.dma_semaphore, #tpu.memory_space<semaphore_mem>>)
      } else {
      }
      %dma_wait3A_226 = arith.constant 0 : i32
      %dma_wait3A_227 = arith.constant 0 : i32
      %dma_wait3A_228 = tpu.memref_slice %arg3[%add3A, %add3A_210, %dma_wait3A_226, %dma_wait3A_227] : memref<32x90x2x112xi32, #tpu.memory_space<hbm>> -> memref<1x1x2x112xi32, #tpu.memory_space<hbm>>
      %dma_wait3A_229 = tpu.memref_squeeze %dma_wait3A_228 : memref<1x1x2x112xi32, #tpu.memory_space<hbm>> -> memref<2x112xi32, #tpu.memory_space<hbm>>
      %dma_wait3A_230 = arith.constant 0 : i32
      %dma_wait3A_231 = arith.constant 0 : i32
      %dma_wait3A_232 = tpu.memref_slice %arg3[%add3A, %add3A_210, %dma_wait3A_230, %dma_wait3A_231] : memref<32x90x2x112xi32, #tpu.memory_space<hbm>> -> memref<1x1x2x112xi32, #tpu.memory_space<hbm>>
      %dma_wait3A_233 = tpu.memref_squeeze %dma_wait3A_232 : memref<1x1x2x112xi32, #tpu.memory_space<hbm>> -> memref<2x112xi32, #tpu.memory_space<hbm>>
      tpu.wait_dma2 semaphore(%arg21 : memref<!tpu.dma_semaphore, #tpu.memory_space<semaphore_mem>>) src(%dma_wait3A_233 : memref<2x112xi32, #tpu.memory_space<hbm>>) dst(%arg11 : memref<2x112xi32, #tpu.memory_space<vmem>>)
      %dma_start3A_234 = arith.constant 0 : i32
      %dma_start3A_235 = arith.constant 0 : i32
      %dma_start3A_236 = tpu.memref_slice %arg11[%dma_start3A_234, %dma_start3A_235] : memref<2x112xi32, #tpu.memory_space<vmem>> -> memref<1x112xi32, #tpu.memory_space<vmem>>
      %dma_start3A_237 = tpu.memref_squeeze %dma_start3A_236 : memref<1x112xi32, #tpu.memory_space<vmem>> -> memref<112xi32, #tpu.memory_space<vmem>>
      %dma_start3A_238 = arith.constant 0 : i32
      %dma_start3A_239 = arith.constant 0 : i32
      %dma_start3A_240 = tpu.memref_slice %arg2[%dma_start3A_238, %dma_start3A_239] : memref<10008x128xf32, #tpu.memory_space<hbm>> -> memref<10008x128xf32, #tpu.memory_space<hbm>>
      tpu.enqueue_indirect_dma source(%dma_start3A_240 : memref<10008x128xf32, #tpu.memory_space<hbm>>) target(%arg14 : memref<112x128xf32, #tpu.memory_space<vmem>>) offsets(%dma_start3A_237 : memref<112xi32, #tpu.memory_space<vmem>>) semaphore(%arg24 : memref<!tpu.dma_semaphore, #tpu.memory_space<semaphore_mem>>)
      %dma_wait3A_241 = arith.constant 0 : i32
      %dma_wait3A_242 = arith.constant 0 : i32
      %dma_wait3A_243 = tpu.memref_slice %arg9[%dma_wait3A_241, %dma_wait3A_242] : memref<2x112xi32, #tpu.memory_space<vmem>> -> memref<1x112xi32, #tpu.memory_space<vmem>>
      %dma_wait3A_244 = tpu.memref_squeeze %dma_wait3A_243 : memref<1x112xi32, #tpu.memory_space<vmem>> -> memref<112xi32, #tpu.memory_space<vmem>>
      %dma_wait3A_245 = arith.constant 0 : i32
      %dma_wait3A_246 = arith.constant 0 : i32
      %dma_wait3A_247 = tpu.memref_slice %arg2[%dma_wait3A_245, %dma_wait3A_246] : memref<10008x128xf32, #tpu.memory_space<hbm>> -> memref<10008x128xf32, #tpu.memory_space<hbm>>
      tpu.wait_indirect_dma semaphore(%arg22 : memref<!tpu.dma_semaphore, #tpu.memory_space<semaphore_mem>>) src(%dma_wait3A_247 : memref<10008x128xf32, #tpu.memory_space<hbm>>) dst(%arg12 : memref<112x128xf32, #tpu.memory_space<vmem>>)
      %run_scoped3A_248 = arith.constant 1 : i32
      "tpu.region"() ({
        %run_scoped3A_286 = tpu.sem_alloc : memref<!tpu.dma_semaphore, #tpu.memory_space<semaphore_mem>>
        %dma_start3A_287 = arith.constant 0 : i32
        %dma_start3A_288 = tpu.memref_slice %arg9[%run_scoped3A_248, %dma_start3A_287] : memref<2x112xi32, #tpu.memory_space<vmem>> -> memref<1x112xi32, #tpu.memory_space<vmem>>
        %dma_start3A_289 = tpu.memref_squeeze %dma_start3A_288 : memref<1x112xi32, #tpu.memory_space<vmem>> -> memref<112xi32, #tpu.memory_space<vmem>>
        %dma_start3A_290 = arith.constant 0 : i32
        %dma_start3A_291 = arith.constant 0 : i32
        %dma_start3A_292 = tpu.memref_slice %arg15[%dma_start3A_290, %dma_start3A_291] : memref<10240x128xf32, #tpu.memory_space<vmem_shared>> -> memref<10240x128xf32, #tpu.memory_space<vmem_shared>>
        tpu.enqueue_indirect_dma source(%arg12 : memref<112x128xf32, #tpu.memory_space<vmem>>) target(%dma_start3A_292 : memref<10240x128xf32, #tpu.memory_space<vmem_shared>>) offsets(%dma_start3A_289 : memref<112xi32, #tpu.memory_space<vmem>>) semaphore(%run_scoped3A_286 : memref<!tpu.dma_semaphore, #tpu.memory_space<semaphore_mem>>) {add = true}
        %dma_wait3A_293 = arith.constant 0 : i32
        %dma_wait3A_294 = tpu.memref_slice %arg9[%run_scoped3A_248, %dma_wait3A_293] : memref<2x112xi32, #tpu.memory_space<vmem>> -> memref<1x112xi32, #tpu.memory_space<vmem>>
        %dma_wait3A_295 = tpu.memref_squeeze %dma_wait3A_294 : memref<1x112xi32, #tpu.memory_space<vmem>> -> memref<112xi32, #tpu.memory_space<vmem>>
        %dma_wait3A_296 = arith.constant 0 : i32
        %dma_wait3A_297 = arith.constant 0 : i32
        %dma_wait3A_298 = tpu.memref_slice %arg15[%dma_wait3A_296, %dma_wait3A_297] : memref<10240x128xf32, #tpu.memory_space<vmem_shared>> -> memref<10240x128xf32, #tpu.memory_space<vmem_shared>>
        tpu.wait_indirect_dma semaphore(%run_scoped3A_286 : memref<!tpu.dma_semaphore, #tpu.memory_space<semaphore_mem>>) src(%arg12 : memref<112x128xf32, #tpu.memory_space<vmem>>) dst(%dma_wait3A_298 : memref<10240x128xf32, #tpu.memory_space<vmem_shared>>)
        tpu.yield
      }) : () -> ()
      %add3A_249 = arith.constant 1 : i32
      %add3A_250 = arith.addi %scan3A_86, %add3A_249 : i32
      %lt3A_251 = arith.constant 15 : i32
      %lt3A_252 = arith.cmpi slt, %add3A_250, %lt3A_251 : i32
      %convert_element_type3A_253 = arith.extui %lt3A_252 : i1 to i32
      %cond3A_254 = arith.constant 0 : i32
      %cond3A_255 = arith.cmpi ne, %convert_element_type3A_253, %cond3A_254 : i32
      scf.if %cond3A_255 {
        %add3A_286 = arith.constant 1 : i32
        %add3A_287 = arith.addi %scan3A_86, %add3A_286 : i32
        %mul3A_288 = arith.constant 6 : i32
        %mul3A_289 = arith.muli %add3A_287, %mul3A_288 : i32
        %add3A_290 = arith.constant 3 : i32
        %add3A_291 = arith.addi %mul3A_289, %add3A_290 : i32
        %dma_start3A_292 = arith.constant 0 : i32
        %dma_start3A_293 = arith.constant 0 : i32
        %dma_start3A_294 = tpu.memref_slice %arg3[%add3A, %add3A_291, %dma_start3A_292, %dma_start3A_293] : memref<32x90x2x112xi32, #tpu.memory_space<hbm>> -> memref<1x1x2x112xi32, #tpu.memory_space<hbm>>
        %dma_start3A_295 = tpu.memref_squeeze %dma_start3A_294 : memref<1x1x2x112xi32, #tpu.memory_space<hbm>> -> memref<2x112xi32, #tpu.memory_space<hbm>>
        %dma_start3A_296 = arith.constant 0 : i32
        %dma_start3A_297 = arith.constant 0 : i32
        %dma_start3A_298 = tpu.memref_slice %arg3[%add3A, %add3A_291, %dma_start3A_296, %dma_start3A_297] : memref<32x90x2x112xi32, #tpu.memory_space<hbm>> -> memref<1x1x2x112xi32, #tpu.memory_space<hbm>>
        %dma_start3A_299 = tpu.memref_squeeze %dma_start3A_298 : memref<1x1x2x112xi32, #tpu.memory_space<hbm>> -> memref<2x112xi32, #tpu.memory_space<hbm>>
        tpu.enqueue_dma source(%dma_start3A_299 : memref<2x112xi32, #tpu.memory_space<hbm>>) target(%arg9 : memref<2x112xi32, #tpu.memory_space<vmem>>) target_semaphore(%arg19 : memref<!tpu.dma_semaphore, #tpu.memory_space<semaphore_mem>>)
      } else {
      }
      %dma_wait3A_256 = arith.constant 0 : i32
      %dma_wait3A_257 = arith.constant 0 : i32
      %dma_wait3A_258 = tpu.memref_slice %arg10[%dma_wait3A_256, %dma_wait3A_257] : memref<2x112xi32, #tpu.memory_space<vmem>> -> memref<1x112xi32, #tpu.memory_space<vmem>>
      %dma_wait3A_259 = tpu.memref_squeeze %dma_wait3A_258 : memref<1x112xi32, #tpu.memory_space<vmem>> -> memref<112xi32, #tpu.memory_space<vmem>>
      %dma_wait3A_260 = arith.constant 0 : i32
      %dma_wait3A_261 = arith.constant 0 : i32
      %dma_wait3A_262 = tpu.memref_slice %arg2[%dma_wait3A_260, %dma_wait3A_261] : memref<10008x128xf32, #tpu.memory_space<hbm>> -> memref<10008x128xf32, #tpu.memory_space<hbm>>
      tpu.wait_indirect_dma semaphore(%arg23 : memref<!tpu.dma_semaphore, #tpu.memory_space<semaphore_mem>>) src(%dma_wait3A_262 : memref<10008x128xf32, #tpu.memory_space<hbm>>) dst(%arg13 : memref<112x128xf32, #tpu.memory_space<vmem>>)
      %run_scoped3A_263 = arith.constant 1 : i32
      "tpu.region"() ({
        %run_scoped3A_286 = tpu.sem_alloc : memref<!tpu.dma_semaphore, #tpu.memory_space<semaphore_mem>>
        %dma_start3A_287 = arith.constant 0 : i32
        %dma_start3A_288 = tpu.memref_slice %arg10[%run_scoped3A_263, %dma_start3A_287] : memref<2x112xi32, #tpu.memory_space<vmem>> -> memref<1x112xi32, #tpu.memory_space<vmem>>
        %dma_start3A_289 = tpu.memref_squeeze %dma_start3A_288 : memref<1x112xi32, #tpu.memory_space<vmem>> -> memref<112xi32, #tpu.memory_space<vmem>>
        %dma_start3A_290 = arith.constant 0 : i32
        %dma_start3A_291 = arith.constant 0 : i32
        %dma_start3A_292 = tpu.memref_slice %arg15[%dma_start3A_290, %dma_start3A_291] : memref<10240x128xf32, #tpu.memory_space<vmem_shared>> -> memref<10240x128xf32, #tpu.memory_space<vmem_shared>>
        tpu.enqueue_indirect_dma source(%arg13 : memref<112x128xf32, #tpu.memory_space<vmem>>) target(%dma_start3A_292 : memref<10240x128xf32, #tpu.memory_space<vmem_shared>>) offsets(%dma_start3A_289 : memref<112xi32, #tpu.memory_space<vmem>>) semaphore(%run_scoped3A_286 : memref<!tpu.dma_semaphore, #tpu.memory_space<semaphore_mem>>) {add = true}
        %dma_wait3A_293 = arith.constant 0 : i32
        %dma_wait3A_294 = tpu.memref_slice %arg10[%run_scoped3A_263, %dma_wait3A_293] : memref<2x112xi32, #tpu.memory_space<vmem>> -> memref<1x112xi32, #tpu.memory_space<vmem>>
        %dma_wait3A_295 = tpu.memref_squeeze %dma_wait3A_294 : memref<1x112xi32, #tpu.memory_space<vmem>> -> memref<112xi32, #tpu.memory_space<vmem>>
        %dma_wait3A_296 = arith.constant 0 : i32
        %dma_wait3A_297 = arith.constant 0 : i32
        %dma_wait3A_298 = tpu.memref_slice %arg15[%dma_wait3A_296, %dma_wait3A_297] : memref<10240x128xf32, #tpu.memory_space<vmem_shared>> -> memref<10240x128xf32, #tpu.memory_space<vmem_shared>>
        tpu.wait_indirect_dma semaphore(%run_scoped3A_286 : memref<!tpu.dma_semaphore, #tpu.memory_space<semaphore_mem>>) src(%arg13 : memref<112x128xf32, #tpu.memory_space<vmem>>) dst(%dma_wait3A_298 : memref<10240x128xf32, #tpu.memory_space<vmem_shared>>)
        tpu.yield
      }) : () -> ()
      %add3A_264 = arith.constant 1 : i32
      %add3A_265 = arith.addi %scan3A_86, %add3A_264 : i32
      %lt3A_266 = arith.constant 15 : i32
      %lt3A_267 = arith.cmpi slt, %add3A_265, %lt3A_266 : i32
      %convert_element_type3A_268 = arith.extui %lt3A_267 : i1 to i32
      %cond3A_269 = arith.constant 0 : i32
      %cond3A_270 = arith.cmpi ne, %convert_element_type3A_268, %cond3A_269 : i32
      scf.if %cond3A_270 {
        %add3A_286 = arith.constant 1 : i32
        %add3A_287 = arith.addi %scan3A_86, %add3A_286 : i32
        %mul3A_288 = arith.constant 6 : i32
        %mul3A_289 = arith.muli %add3A_287, %mul3A_288 : i32
        %add3A_290 = arith.constant 4 : i32
        %add3A_291 = arith.addi %mul3A_289, %add3A_290 : i32
        %dma_start3A_292 = arith.constant 0 : i32
        %dma_start3A_293 = arith.constant 0 : i32
        %dma_start3A_294 = tpu.memref_slice %arg3[%add3A, %add3A_291, %dma_start3A_292, %dma_start3A_293] : memref<32x90x2x112xi32, #tpu.memory_space<hbm>> -> memref<1x1x2x112xi32, #tpu.memory_space<hbm>>
        %dma_start3A_295 = tpu.memref_squeeze %dma_start3A_294 : memref<1x1x2x112xi32, #tpu.memory_space<hbm>> -> memref<2x112xi32, #tpu.memory_space<hbm>>
        %dma_start3A_296 = arith.constant 0 : i32
        %dma_start3A_297 = arith.constant 0 : i32
        %dma_start3A_298 = tpu.memref_slice %arg3[%add3A, %add3A_291, %dma_start3A_296, %dma_start3A_297] : memref<32x90x2x112xi32, #tpu.memory_space<hbm>> -> memref<1x1x2x112xi32, #tpu.memory_space<hbm>>
        %dma_start3A_299 = tpu.memref_squeeze %dma_start3A_298 : memref<1x1x2x112xi32, #tpu.memory_space<hbm>> -> memref<2x112xi32, #tpu.memory_space<hbm>>
        tpu.enqueue_dma source(%dma_start3A_299 : memref<2x112xi32, #tpu.memory_space<hbm>>) target(%arg10 : memref<2x112xi32, #tpu.memory_space<vmem>>) target_semaphore(%arg20 : memref<!tpu.dma_semaphore, #tpu.memory_space<semaphore_mem>>)
      } else {
      }
      %dma_wait3A_271 = arith.constant 0 : i32
      %dma_wait3A_272 = arith.constant 0 : i32
      %dma_wait3A_273 = tpu.memref_slice %arg11[%dma_wait3A_271, %dma_wait3A_272] : memref<2x112xi32, #tpu.memory_space<vmem>> -> memref<1x112xi32, #tpu.memory_space<vmem>>
      %dma_wait3A_274 = tpu.memref_squeeze %dma_wait3A_273 : memref<1x112xi32, #tpu.memory_space<vmem>> -> memref<112xi32, #tpu.memory_space<vmem>>
      %dma_wait3A_275 = arith.constant 0 : i32
      %dma_wait3A_276 = arith.constant 0 : i32
      %dma_wait3A_277 = tpu.memref_slice %arg2[%dma_wait3A_275, %dma_wait3A_276] : memref<10008x128xf32, #tpu.memory_space<hbm>> -> memref<10008x128xf32, #tpu.memory_space<hbm>>
      tpu.wait_indirect_dma semaphore(%arg24 : memref<!tpu.dma_semaphore, #tpu.memory_space<semaphore_mem>>) src(%dma_wait3A_277 : memref<10008x128xf32, #tpu.memory_space<hbm>>) dst(%arg14 : memref<112x128xf32, #tpu.memory_space<vmem>>)
      %run_scoped3A_278 = arith.constant 1 : i32
      "tpu.region"() ({
        %run_scoped3A_286 = tpu.sem_alloc : memref<!tpu.dma_semaphore, #tpu.memory_space<semaphore_mem>>
        %dma_start3A_287 = arith.constant 0 : i32
        %dma_start3A_288 = tpu.memref_slice %arg11[%run_scoped3A_278, %dma_start3A_287] : memref<2x112xi32, #tpu.memory_space<vmem>> -> memref<1x112xi32, #tpu.memory_space<vmem>>
        %dma_start3A_289 = tpu.memref_squeeze %dma_start3A_288 : memref<1x112xi32, #tpu.memory_space<vmem>> -> memref<112xi32, #tpu.memory_space<vmem>>
        %dma_start3A_290 = arith.constant 0 : i32
        %dma_start3A_291 = arith.constant 0 : i32
        %dma_start3A_292 = tpu.memref_slice %arg15[%dma_start3A_290, %dma_start3A_291] : memref<10240x128xf32, #tpu.memory_space<vmem_shared>> -> memref<10240x128xf32, #tpu.memory_space<vmem_shared>>
        tpu.enqueue_indirect_dma source(%arg14 : memref<112x128xf32, #tpu.memory_space<vmem>>) target(%dma_start3A_292 : memref<10240x128xf32, #tpu.memory_space<vmem_shared>>) offsets(%dma_start3A_289 : memref<112xi32, #tpu.memory_space<vmem>>) semaphore(%run_scoped3A_286 : memref<!tpu.dma_semaphore, #tpu.memory_space<semaphore_mem>>) {add = true}
        %dma_wait3A_293 = arith.constant 0 : i32
        %dma_wait3A_294 = tpu.memref_slice %arg11[%run_scoped3A_278, %dma_wait3A_293] : memref<2x112xi32, #tpu.memory_space<vmem>> -> memref<1x112xi32, #tpu.memory_space<vmem>>
        %dma_wait3A_295 = tpu.memref_squeeze %dma_wait3A_294 : memref<1x112xi32, #tpu.memory_space<vmem>> -> memref<112xi32, #tpu.memory_space<vmem>>
        %dma_wait3A_296 = arith.constant 0 : i32
        %dma_wait3A_297 = arith.constant 0 : i32
        %dma_wait3A_298 = tpu.memref_slice %arg15[%dma_wait3A_296, %dma_wait3A_297] : memref<10240x128xf32, #tpu.memory_space<vmem_shared>> -> memref<10240x128xf32, #tpu.memory_space<vmem_shared>>
        tpu.wait_indirect_dma semaphore(%run_scoped3A_286 : memref<!tpu.dma_semaphore, #tpu.memory_space<semaphore_mem>>) src(%arg14 : memref<112x128xf32, #tpu.memory_space<vmem>>) dst(%dma_wait3A_298 : memref<10240x128xf32, #tpu.memory_space<vmem_shared>>)
        tpu.yield
      }) : () -> ()
      %add3A_279 = arith.constant 1 : i32
      %add3A_280 = arith.addi %scan3A_86, %add3A_279 : i32
      %lt3A_281 = arith.constant 15 : i32
      %lt3A_282 = arith.cmpi slt, %add3A_280, %lt3A_281 : i32
      %convert_element_type3A_283 = arith.extui %lt3A_282 : i1 to i32
      %cond3A_284 = arith.constant 0 : i32
      %cond3A_285 = arith.cmpi ne, %convert_element_type3A_283, %cond3A_284 : i32
      scf.if %cond3A_285 {
        %add3A_286 = arith.constant 1 : i32
        %add3A_287 = arith.addi %scan3A_86, %add3A_286 : i32
        %mul3A_288 = arith.constant 6 : i32
        %mul3A_289 = arith.muli %add3A_287, %mul3A_288 : i32
        %add3A_290 = arith.constant 5 : i32
        %add3A_291 = arith.addi %mul3A_289, %add3A_290 : i32
        %dma_start3A_292 = arith.constant 0 : i32
        %dma_start3A_293 = arith.constant 0 : i32
        %dma_start3A_294 = tpu.memref_slice %arg3[%add3A, %add3A_291, %dma_start3A_292, %dma_start3A_293] : memref<32x90x2x112xi32, #tpu.memory_space<hbm>> -> memref<1x1x2x112xi32, #tpu.memory_space<hbm>>
        %dma_start3A_295 = tpu.memref_squeeze %dma_start3A_294 : memref<1x1x2x112xi32, #tpu.memory_space<hbm>> -> memref<2x112xi32, #tpu.memory_space<hbm>>
        %dma_start3A_296 = arith.constant 0 : i32
        %dma_start3A_297 = arith.constant 0 : i32
        %dma_start3A_298 = tpu.memref_slice %arg3[%add3A, %add3A_291, %dma_start3A_296, %dma_start3A_297] : memref<32x90x2x112xi32, #tpu.memory_space<hbm>> -> memref<1x1x2x112xi32, #tpu.memory_space<hbm>>
        %dma_start3A_299 = tpu.memref_squeeze %dma_start3A_298 : memref<1x1x2x112xi32, #tpu.memory_space<hbm>> -> memref<2x112xi32, #tpu.memory_space<hbm>>
        tpu.enqueue_dma source(%dma_start3A_299 : memref<2x112xi32, #tpu.memory_space<hbm>>) target(%arg11 : memref<2x112xi32, #tpu.memory_space<vmem>>) target_semaphore(%arg21 : memref<!tpu.dma_semaphore, #tpu.memory_space<semaphore_mem>>)
      } else {
      }
    }
    %scan3A_82 = arith.constant 15 : i32
    %barrier3A_83 = arith.constant 0 : index
    tpu.barrier barrier_id(%barrier3A_83)
    %mul3A_84 = arith.constant 640 : i32
    %mul3A_85 = arith.muli %arg1, %mul3A_84 : i32
    "tpu.region"() ({
      %run_scoped3A = tpu.sem_alloc : memref<!tpu.dma_semaphore, #tpu.memory_space<semaphore_mem>>
      %dma_start3A_86 = arith.constant 0 : i32
      %dma_start3A_87 = tpu.memref_slice %arg5[%arg0, %mul3A_85, %dma_start3A_86] : memref<2x10240x128xf32, #tpu.memory_space<hbm>> -> memref<1x640x128xf32, #tpu.memory_space<hbm>>
      %dma_start3A_88 = tpu.memref_squeeze %dma_start3A_87 : memref<1x640x128xf32, #tpu.memory_space<hbm>> -> memref<640x128xf32, #tpu.memory_space<hbm>>
      %dma_start3A_89 = arith.constant 0 : i32
      %dma_start3A_90 = tpu.memref_slice %arg15[%mul3A_85, %dma_start3A_89] : memref<10240x128xf32, #tpu.memory_space<vmem_shared>> -> memref<640x128xf32, #tpu.memory_space<vmem_shared>>
      tpu.enqueue_dma source(%dma_start3A_90 : memref<640x128xf32, #tpu.memory_space<vmem_shared>>) target(%dma_start3A_88 : memref<640x128xf32, #tpu.memory_space<hbm>>) target_semaphore(%run_scoped3A : memref<!tpu.dma_semaphore, #tpu.memory_space<semaphore_mem>>)
      %dma_wait3A = arith.constant 0 : i32
      %dma_wait3A_91 = tpu.memref_slice %arg5[%arg0, %mul3A_85, %dma_wait3A] : memref<2x10240x128xf32, #tpu.memory_space<hbm>> -> memref<1x640x128xf32, #tpu.memory_space<hbm>>
      %dma_wait3A_92 = tpu.memref_squeeze %dma_wait3A_91 : memref<1x640x128xf32, #tpu.memory_space<hbm>> -> memref<640x128xf32, #tpu.memory_space<hbm>>
      %dma_wait3A_93 = arith.constant 0 : i32
      %dma_wait3A_94 = tpu.memref_slice %arg15[%mul3A_85, %dma_wait3A_93] : memref<10240x128xf32, #tpu.memory_space<vmem_shared>> -> memref<640x128xf32, #tpu.memory_space<vmem_shared>>
      tpu.wait_dma2 semaphore(%run_scoped3A : memref<!tpu.dma_semaphore, #tpu.memory_space<semaphore_mem>>) src(%dma_wait3A_94 : memref<640x128xf32, #tpu.memory_space<vmem_shared>>) dst(%dma_wait3A_92 : memref<640x128xf32, #tpu.memory_space<hbm>>)
      tpu.yield
    }) : () -> ()
    return
  }
}

#map = affine_map<(d0, d1) -> (0, 0)>
#map1 = affine_map<(d0, d1) -> (0, 0, 0, 0)>
#map2 = affine_map<(d0, d1) -> (0, 0, 0)>
module attributes {stable_mosaic.version = 14 : i64} {
  func.func @_prop_kernel(%arg0: i32, %arg1: i32, %arg2: memref<10008x128xf32, #tpu.memory_space<hbm>>, %arg3: memref<32x90x2x112xi32, #tpu.memory_space<hbm>>, %arg4: memref<112x128xf32, #tpu.memory_space<hbm>>, %arg5: memref<2x10240x128xf32, #tpu.memory_space<hbm>>, %arg6: memref<2x112xi32, #tpu.memory_space<vmem>>, %arg7: memref<2x112xi32, #tpu.memory_space<vmem>>, %arg8: memref<2x112xi32, #tpu.memory_space<vmem>>, %arg9: memref<2x112xi32, #tpu.memory_space<vmem>>, %arg10: memref<2x112xi32, #tpu.memory_space<vmem>>, %arg11: memref<2x112xi32, #tpu.memory_space<vmem>>, %arg12: memref<112x128xf32, #tpu.memory_space<vmem>>, %arg13: memref<112x128xf32, #tpu.memory_space<vmem>>, %arg14: memref<112x128xf32, #tpu.memory_space<vmem>>, %arg15: memref<10240x128xf32, #tpu.memory_space<vmem_shared>>, %arg16: memref<!tpu.dma_semaphore, #tpu.memory_space<semaphore_mem>>, %arg17: memref<!tpu.dma_semaphore, #tpu.memory_space<semaphore_mem>>, %arg18: memref<!tpu.dma_semaphore, #tpu.memory_space<semaphore_mem>>, %arg19: memref<!tpu.dma_semaphore, #tpu.memory_space<semaphore_mem>>, %arg20: memref<!tpu.dma_semaphore, #tpu.memory_space<semaphore_mem>>, %arg21: memref<!tpu.dma_semaphore, #tpu.memory_space<semaphore_mem>>, %arg22: memref<!tpu.dma_semaphore, #tpu.memory_space<semaphore_mem>>, %arg23: memref<!tpu.dma_semaphore, #tpu.memory_space<semaphore_mem>>, %arg24: memref<!tpu.dma_semaphore, #tpu.memory_space<semaphore_mem>>) attributes {dimension_semantics = [#tpu.dimension_semantics<core_parallel>, #tpu.dimension_semantics<subcore_parallel>], iteration_bounds = array<i64: 2, 16>, scalar_prefetch = 0 : i64, scratch_operands = 19 : i64, tpu.core_type = #tpu.core_type<sc_vector_subcore>, window_params = [{transform_indices = #map}, {transform_indices = #map1}, {transform_indices = #map}, {transform_indices = #map2}]} {
    %mul3A = arith.constant 2 : i32
    %mul3A_0 = arith.muli %arg1, %mul3A : i32
    %add3A = arith.addi %mul3A_0, %arg0 : i32
    %dma_start3A = arith.constant 0 : i32
    %dma_start3A_1 = arith.constant 0 : i32
    %dma_start3A_2 = arith.constant 0 : i32
    %dma_start3A_3 = tpu.memref_slice %arg3[%add3A, %dma_start3A, %dma_start3A_1, %dma_start3A_2] : memref<32x90x2x112xi32, #tpu.memory_space<hbm>> -> memref<1x1x2x112xi32, #tpu.memory_space<hbm>>
    %dma_start3A_4 = tpu.memref_squeeze %dma_start3A_3 : memref<1x1x2x112xi32, #tpu.memory_space<hbm>> -> memref<2x112xi32, #tpu.memory_space<hbm>>
    %dma_start3A_5 = arith.constant 0 : i32
    %dma_start3A_6 = arith.constant 0 : i32
    %dma_start3A_7 = tpu.memref_slice %arg3[%add3A, %dma_start3A, %dma_start3A_5, %dma_start3A_6] : memref<32x90x2x112xi32, #tpu.memory_space<hbm>> -> memref<1x1x2x112xi32, #tpu.memory_space<hbm>>
    %dma_start3A_8 = tpu.memref_squeeze %dma_start3A_7 : memref<1x1x2x112xi32, #tpu.memory_space<hbm>> -> memref<2x112xi32, #tpu.memory_space<hbm>>
    tpu.enqueue_dma source(%dma_start3A_8 : memref<2x112xi32, #tpu.memory_space<hbm>>) target(%arg6 : memref<2x112xi32, #tpu.memory_space<vmem>>) target_semaphore(%arg16 : memref<!tpu.dma_semaphore, #tpu.memory_space<semaphore_mem>>)
    %dma_start3A_9 = arith.constant 1 : i32
    %dma_start3A_10 = arith.constant 0 : i32
    %dma_start3A_11 = arith.constant 0 : i32
    %dma_start3A_12 = tpu.memref_slice %arg3[%add3A, %dma_start3A_9, %dma_start3A_10, %dma_start3A_11] : memref<32x90x2x112xi32, #tpu.memory_space<hbm>> -> memref<1x1x2x112xi32, #tpu.memory_space<hbm>>
    %dma_start3A_13 = tpu.memref_squeeze %dma_start3A_12 : memref<1x1x2x112xi32, #tpu.memory_space<hbm>> -> memref<2x112xi32, #tpu.memory_space<hbm>>
    %dma_start3A_14 = arith.constant 0 : i32
    %dma_start3A_15 = arith.constant 0 : i32
    %dma_start3A_16 = tpu.memref_slice %arg3[%add3A, %dma_start3A_9, %dma_start3A_14, %dma_start3A_15] : memref<32x90x2x112xi32, #tpu.memory_space<hbm>> -> memref<1x1x2x112xi32, #tpu.memory_space<hbm>>
    %dma_start3A_17 = tpu.memref_squeeze %dma_start3A_16 : memref<1x1x2x112xi32, #tpu.memory_space<hbm>> -> memref<2x112xi32, #tpu.memory_space<hbm>>
    tpu.enqueue_dma source(%dma_start3A_17 : memref<2x112xi32, #tpu.memory_space<hbm>>) target(%arg7 : memref<2x112xi32, #tpu.memory_space<vmem>>) target_semaphore(%arg17 : memref<!tpu.dma_semaphore, #tpu.memory_space<semaphore_mem>>)
    %dma_start3A_18 = arith.constant 2 : i32
    %dma_start3A_19 = arith.constant 0 : i32
    %dma_start3A_20 = arith.constant 0 : i32
    %dma_start3A_21 = tpu.memref_slice %arg3[%add3A, %dma_start3A_18, %dma_start3A_19, %dma_start3A_20] : memref<32x90x2x112xi32, #tpu.memory_space<hbm>> -> memref<1x1x2x112xi32, #tpu.memory_space<hbm>>
    %dma_start3A_22 = tpu.memref_squeeze %dma_start3A_21 : memref<1x1x2x112xi32, #tpu.memory_space<hbm>> -> memref<2x112xi32, #tpu.memory_space<hbm>>
    %dma_start3A_23 = arith.constant 0 : i32
    %dma_start3A_24 = arith.constant 0 : i32
    %dma_start3A_25 = tpu.memref_slice %arg3[%add3A, %dma_start3A_18, %dma_start3A_23, %dma_start3A_24] : memref<32x90x2x112xi32, #tpu.memory_space<hbm>> -> memref<1x1x2x112xi32, #tpu.memory_space<hbm>>
    %dma_start3A_26 = tpu.memref_squeeze %dma_start3A_25 : memref<1x1x2x112xi32, #tpu.memory_space<hbm>> -> memref<2x112xi32, #tpu.memory_space<hbm>>
    tpu.enqueue_dma source(%dma_start3A_26 : memref<2x112xi32, #tpu.memory_space<hbm>>) target(%arg8 : memref<2x112xi32, #tpu.memory_space<vmem>>) target_semaphore(%arg18 : memref<!tpu.dma_semaphore, #tpu.memory_space<semaphore_mem>>)
    %dma_start3A_27 = arith.constant 3 : i32
    %dma_start3A_28 = arith.constant 0 : i32
    %dma_start3A_29 = arith.constant 0 : i32
    %dma_start3A_30 = tpu.memref_slice %arg3[%add3A, %dma_start3A_27, %dma_start3A_28, %dma_start3A_29] : memref<32x90x2x112xi32, #tpu.memory_space<hbm>> -> memref<1x1x2x112xi32, #tpu.memory_space<hbm>>
    %dma_start3A_31 = tpu.memref_squeeze %dma_start3A_30 : memref<1x1x2x112xi32, #tpu.memory_space<hbm>> -> memref<2x112xi32, #tpu.memory_space<hbm>>
    %dma_start3A_32 = arith.constant 0 : i32
    %dma_start3A_33 = arith.constant 0 : i32
    %dma_start3A_34 = tpu.memref_slice %arg3[%add3A, %dma_start3A_27, %dma_start3A_32, %dma_start3A_33] : memref<32x90x2x112xi32, #tpu.memory_space<hbm>> -> memref<1x1x2x112xi32, #tpu.memory_space<hbm>>
    %dma_start3A_35 = tpu.memref_squeeze %dma_start3A_34 : memref<1x1x2x112xi32, #tpu.memory_space<hbm>> -> memref<2x112xi32, #tpu.memory_space<hbm>>
    tpu.enqueue_dma source(%dma_start3A_35 : memref<2x112xi32, #tpu.memory_space<hbm>>) target(%arg9 : memref<2x112xi32, #tpu.memory_space<vmem>>) target_semaphore(%arg19 : memref<!tpu.dma_semaphore, #tpu.memory_space<semaphore_mem>>)
    %dma_start3A_36 = arith.constant 4 : i32
    %dma_start3A_37 = arith.constant 0 : i32
    %dma_start3A_38 = arith.constant 0 : i32
    %dma_start3A_39 = tpu.memref_slice %arg3[%add3A, %dma_start3A_36, %dma_start3A_37, %dma_start3A_38] : memref<32x90x2x112xi32, #tpu.memory_space<hbm>> -> memref<1x1x2x112xi32, #tpu.memory_space<hbm>>
    %dma_start3A_40 = tpu.memref_squeeze %dma_start3A_39 : memref<1x1x2x112xi32, #tpu.memory_space<hbm>> -> memref<2x112xi32, #tpu.memory_space<hbm>>
    %dma_start3A_41 = arith.constant 0 : i32
    %dma_start3A_42 = arith.constant 0 : i32
    %dma_start3A_43 = tpu.memref_slice %arg3[%add3A, %dma_start3A_36, %dma_start3A_41, %dma_start3A_42] : memref<32x90x2x112xi32, #tpu.memory_space<hbm>> -> memref<1x1x2x112xi32, #tpu.memory_space<hbm>>
    %dma_start3A_44 = tpu.memref_squeeze %dma_start3A_43 : memref<1x1x2x112xi32, #tpu.memory_space<hbm>> -> memref<2x112xi32, #tpu.memory_space<hbm>>
    tpu.enqueue_dma source(%dma_start3A_44 : memref<2x112xi32, #tpu.memory_space<hbm>>) target(%arg10 : memref<2x112xi32, #tpu.memory_space<vmem>>) target_semaphore(%arg20 : memref<!tpu.dma_semaphore, #tpu.memory_space<semaphore_mem>>)
    %dma_start3A_45 = arith.constant 5 : i32
    %dma_start3A_46 = arith.constant 0 : i32
    %dma_start3A_47 = arith.constant 0 : i32
    %dma_start3A_48 = tpu.memref_slice %arg3[%add3A, %dma_start3A_45, %dma_start3A_46, %dma_start3A_47] : memref<32x90x2x112xi32, #tpu.memory_space<hbm>> -> memref<1x1x2x112xi32, #tpu.memory_space<hbm>>
    %dma_start3A_49 = tpu.memref_squeeze %dma_start3A_48 : memref<1x1x2x112xi32, #tpu.memory_space<hbm>> -> memref<2x112xi32, #tpu.memory_space<hbm>>
    %dma_start3A_50 = arith.constant 0 : i32
    %dma_start3A_51 = arith.constant 0 : i32
    %dma_start3A_52 = tpu.memref_slice %arg3[%add3A, %dma_start3A_45, %dma_start3A_50, %dma_start3A_51] : memref<32x90x2x112xi32, #tpu.memory_space<hbm>> -> memref<1x1x2x112xi32, #tpu.memory_space<hbm>>
    %dma_start3A_53 = tpu.memref_squeeze %dma_start3A_52 : memref<1x1x2x112xi32, #tpu.memory_space<hbm>> -> memref<2x112xi32, #tpu.memory_space<hbm>>
    tpu.enqueue_dma source(%dma_start3A_53 : memref<2x112xi32, #tpu.memory_space<hbm>>) target(%arg11 : memref<2x112xi32, #tpu.memory_space<vmem>>) target_semaphore(%arg21 : memref<!tpu.dma_semaphore, #tpu.memory_space<semaphore_mem>>)
    "tpu.region"() ({
      %run_scoped3A = tpu.sem_alloc : memref<!tpu.dma_semaphore, #tpu.memory_space<semaphore_mem>>
      tpu.enqueue_dma source(%arg4 : memref<112x128xf32, #tpu.memory_space<hbm>>) target(%arg12 : memref<112x128xf32, #tpu.memory_space<vmem>>) target_semaphore(%run_scoped3A : memref<!tpu.dma_semaphore, #tpu.memory_space<semaphore_mem>>)
      tpu.wait_dma2 semaphore(%run_scoped3A : memref<!tpu.dma_semaphore, #tpu.memory_space<semaphore_mem>>) src(%arg4 : memref<112x128xf32, #tpu.memory_space<hbm>>) dst(%arg12 : memref<112x128xf32, #tpu.memory_space<vmem>>)
      tpu.yield
    }) : () -> ()
    %mul3A_54 = arith.constant 640 : i32
    %mul3A_55 = arith.muli %arg1, %mul3A_54 : i32
    %add3A_56 = arith.constant 0 : i32
    %add3A_57 = arith.addi %mul3A_55, %add3A_56 : i32
    "tpu.region"() ({
      %run_scoped3A = tpu.sem_alloc : memref<!tpu.dma_semaphore, #tpu.memory_space<semaphore_mem>>
      %dma_start3A_86 = arith.constant 0 : i32
      %dma_start3A_87 = tpu.memref_slice %arg15[%add3A_57, %dma_start3A_86] : memref<10240x128xf32, #tpu.memory_space<vmem_shared>> -> memref<112x128xf32, #tpu.memory_space<vmem_shared>>
      %dma_start3A_88 = arith.constant 0 : i32
      %dma_start3A_89 = tpu.memref_slice %arg15[%add3A_57, %dma_start3A_88] : memref<10240x128xf32, #tpu.memory_space<vmem_shared>> -> memref<112x128xf32, #tpu.memory_space<vmem_shared>>
      tpu.enqueue_dma source(%arg12 : memref<112x128xf32, #tpu.memory_space<vmem>>) target(%dma_start3A_89 : memref<112x128xf32, #tpu.memory_space<vmem_shared>>) target_semaphore(%run_scoped3A : memref<!tpu.dma_semaphore, #tpu.memory_space<semaphore_mem>>)
      %dma_wait3A = arith.constant 0 : i32
      %dma_wait3A_90 = tpu.memref_slice %arg15[%add3A_57, %dma_wait3A] : memref<10240x128xf32, #tpu.memory_space<vmem_shared>> -> memref<112x128xf32, #tpu.memory_space<vmem_shared>>
      %dma_wait3A_91 = arith.constant 0 : i32
      %dma_wait3A_92 = tpu.memref_slice %arg15[%add3A_57, %dma_wait3A_91] : memref<10240x128xf32, #tpu.memory_space<vmem_shared>> -> memref<112x128xf32, #tpu.memory_space<vmem_shared>>
      tpu.wait_dma2 semaphore(%run_scoped3A : memref<!tpu.dma_semaphore, #tpu.memory_space<semaphore_mem>>) src(%arg12 : memref<112x128xf32, #tpu.memory_space<vmem>>) dst(%dma_wait3A_92 : memref<112x128xf32, #tpu.memory_space<vmem_shared>>)
      tpu.yield
    }) : () -> ()
    %mul3A_58 = arith.constant 640 : i32
    %mul3A_59 = arith.muli %arg1, %mul3A_58 : i32
    %add3A_60 = arith.constant 112 : i32
    %add3A_61 = arith.addi %mul3A_59, %add3A_60 : i32
    "tpu.region"() ({
      %run_scoped3A = tpu.sem_alloc : memref<!tpu.dma_semaphore, #tpu.memory_space<semaphore_mem>>
      %dma_start3A_86 = arith.constant 0 : i32
      %dma_start3A_87 = tpu.memref_slice %arg15[%add3A_61, %dma_start3A_86] : memref<10240x128xf32, #tpu.memory_space<vmem_shared>> -> memref<112x128xf32, #tpu.memory_space<vmem_shared>>
      %dma_start3A_88 = arith.constant 0 : i32
      %dma_start3A_89 = tpu.memref_slice %arg15[%add3A_61, %dma_start3A_88] : memref<10240x128xf32, #tpu.memory_space<vmem_shared>> -> memref<112x128xf32, #tpu.memory_space<vmem_shared>>
      tpu.enqueue_dma source(%arg12 : memref<112x128xf32, #tpu.memory_space<vmem>>) target(%dma_start3A_89 : memref<112x128xf32, #tpu.memory_space<vmem_shared>>) target_semaphore(%run_scoped3A : memref<!tpu.dma_semaphore, #tpu.memory_space<semaphore_mem>>)
      %dma_wait3A = arith.constant 0 : i32
      %dma_wait3A_90 = tpu.memref_slice %arg15[%add3A_61, %dma_wait3A] : memref<10240x128xf32, #tpu.memory_space<vmem_shared>> -> memref<112x128xf32, #tpu.memory_space<vmem_shared>>
      %dma_wait3A_91 = arith.constant 0 : i32
      %dma_wait3A_92 = tpu.memref_slice %arg15[%add3A_61, %dma_wait3A_91] : memref<10240x128xf32, #tpu.memory_space<vmem_shared>> -> memref<112x128xf32, #tpu.memory_space<vmem_shared>>
      tpu.wait_dma2 semaphore(%run_scoped3A : memref<!tpu.dma_semaphore, #tpu.memory_space<semaphore_mem>>) src(%arg12 : memref<112x128xf32, #tpu.memory_space<vmem>>) dst(%dma_wait3A_92 : memref<112x128xf32, #tpu.memory_space<vmem_shared>>)
      tpu.yield
    }) : () -> ()
    %mul3A_62 = arith.constant 640 : i32
    %mul3A_63 = arith.muli %arg1, %mul3A_62 : i32
    %add3A_64 = arith.constant 224 : i32
    %add3A_65 = arith.addi %mul3A_63, %add3A_64 : i32
    "tpu.region"() ({
      %run_scoped3A = tpu.sem_alloc : memref<!tpu.dma_semaphore, #tpu.memory_space<semaphore_mem>>
      %dma_start3A_86 = arith.constant 0 : i32
      %dma_start3A_87 = tpu.memref_slice %arg15[%add3A_65, %dma_start3A_86] : memref<10240x128xf32, #tpu.memory_space<vmem_shared>> -> memref<112x128xf32, #tpu.memory_space<vmem_shared>>
      %dma_start3A_88 = arith.constant 0 : i32
      %dma_start3A_89 = tpu.memref_slice %arg15[%add3A_65, %dma_start3A_88] : memref<10240x128xf32, #tpu.memory_space<vmem_shared>> -> memref<112x128xf32, #tpu.memory_space<vmem_shared>>
      tpu.enqueue_dma source(%arg12 : memref<112x128xf32, #tpu.memory_space<vmem>>) target(%dma_start3A_89 : memref<112x128xf32, #tpu.memory_space<vmem_shared>>) target_semaphore(%run_scoped3A : memref<!tpu.dma_semaphore, #tpu.memory_space<semaphore_mem>>)
      %dma_wait3A = arith.constant 0 : i32
      %dma_wait3A_90 = tpu.memref_slice %arg15[%add3A_65, %dma_wait3A] : memref<10240x128xf32, #tpu.memory_space<vmem_shared>> -> memref<112x128xf32, #tpu.memory_space<vmem_shared>>
      %dma_wait3A_91 = arith.constant 0 : i32
      %dma_wait3A_92 = tpu.memref_slice %arg15[%add3A_65, %dma_wait3A_91] : memref<10240x128xf32, #tpu.memory_space<vmem_shared>> -> memref<112x128xf32, #tpu.memory_space<vmem_shared>>
      tpu.wait_dma2 semaphore(%run_scoped3A : memref<!tpu.dma_semaphore, #tpu.memory_space<semaphore_mem>>) src(%arg12 : memref<112x128xf32, #tpu.memory_space<vmem>>) dst(%dma_wait3A_92 : memref<112x128xf32, #tpu.memory_space<vmem_shared>>)
      tpu.yield
    }) : () -> ()
    %mul3A_66 = arith.constant 640 : i32
    %mul3A_67 = arith.muli %arg1, %mul3A_66 : i32
    %add3A_68 = arith.constant 336 : i32
    %add3A_69 = arith.addi %mul3A_67, %add3A_68 : i32
    "tpu.region"() ({
      %run_scoped3A = tpu.sem_alloc : memref<!tpu.dma_semaphore, #tpu.memory_space<semaphore_mem>>
      %dma_start3A_86 = arith.constant 0 : i32
      %dma_start3A_87 = tpu.memref_slice %arg15[%add3A_69, %dma_start3A_86] : memref<10240x128xf32, #tpu.memory_space<vmem_shared>> -> memref<112x128xf32, #tpu.memory_space<vmem_shared>>
      %dma_start3A_88 = arith.constant 0 : i32
      %dma_start3A_89 = tpu.memref_slice %arg15[%add3A_69, %dma_start3A_88] : memref<10240x128xf32, #tpu.memory_space<vmem_shared>> -> memref<112x128xf32, #tpu.memory_space<vmem_shared>>
      tpu.enqueue_dma source(%arg12 : memref<112x128xf32, #tpu.memory_space<vmem>>) target(%dma_start3A_89 : memref<112x128xf32, #tpu.memory_space<vmem_shared>>) target_semaphore(%run_scoped3A : memref<!tpu.dma_semaphore, #tpu.memory_space<semaphore_mem>>)
      %dma_wait3A = arith.constant 0 : i32
      %dma_wait3A_90 = tpu.memref_slice %arg15[%add3A_69, %dma_wait3A] : memref<10240x128xf32, #tpu.memory_space<vmem_shared>> -> memref<112x128xf32, #tpu.memory_space<vmem_shared>>
      %dma_wait3A_91 = arith.constant 0 : i32
      %dma_wait3A_92 = tpu.memref_slice %arg15[%add3A_69, %dma_wait3A_91] : memref<10240x128xf32, #tpu.memory_space<vmem_shared>> -> memref<112x128xf32, #tpu.memory_space<vmem_shared>>
      tpu.wait_dma2 semaphore(%run_scoped3A : memref<!tpu.dma_semaphore, #tpu.memory_space<semaphore_mem>>) src(%arg12 : memref<112x128xf32, #tpu.memory_space<vmem>>) dst(%dma_wait3A_92 : memref<112x128xf32, #tpu.memory_space<vmem_shared>>)
      tpu.yield
    }) : () -> ()
    %mul3A_70 = arith.constant 640 : i32
    %mul3A_71 = arith.muli %arg1, %mul3A_70 : i32
    %add3A_72 = arith.constant 448 : i32
    %add3A_73 = arith.addi %mul3A_71, %add3A_72 : i32
    "tpu.region"() ({
      %run_scoped3A = tpu.sem_alloc : memref<!tpu.dma_semaphore, #tpu.memory_space<semaphore_mem>>
      %dma_start3A_86 = arith.constant 0 : i32
      %dma_start3A_87 = tpu.memref_slice %arg15[%add3A_73, %dma_start3A_86] : memref<10240x128xf32, #tpu.memory_space<vmem_shared>> -> memref<112x128xf32, #tpu.memory_space<vmem_shared>>
      %dma_start3A_88 = arith.constant 0 : i32
      %dma_start3A_89 = tpu.memref_slice %arg15[%add3A_73, %dma_start3A_88] : memref<10240x128xf32, #tpu.memory_space<vmem_shared>> -> memref<112x128xf32, #tpu.memory_space<vmem_shared>>
      tpu.enqueue_dma source(%arg12 : memref<112x128xf32, #tpu.memory_space<vmem>>) target(%dma_start3A_89 : memref<112x128xf32, #tpu.memory_space<vmem_shared>>) target_semaphore(%run_scoped3A : memref<!tpu.dma_semaphore, #tpu.memory_space<semaphore_mem>>)
      %dma_wait3A = arith.constant 0 : i32
      %dma_wait3A_90 = tpu.memref_slice %arg15[%add3A_73, %dma_wait3A] : memref<10240x128xf32, #tpu.memory_space<vmem_shared>> -> memref<112x128xf32, #tpu.memory_space<vmem_shared>>
      %dma_wait3A_91 = arith.constant 0 : i32
      %dma_wait3A_92 = tpu.memref_slice %arg15[%add3A_73, %dma_wait3A_91] : memref<10240x128xf32, #tpu.memory_space<vmem_shared>> -> memref<112x128xf32, #tpu.memory_space<vmem_shared>>
      tpu.wait_dma2 semaphore(%run_scoped3A : memref<!tpu.dma_semaphore, #tpu.memory_space<semaphore_mem>>) src(%arg12 : memref<112x128xf32, #tpu.memory_space<vmem>>) dst(%dma_wait3A_92 : memref<112x128xf32, #tpu.memory_space<vmem_shared>>)
      tpu.yield
    }) : () -> ()
    %mul3A_74 = arith.constant 640 : i32
    %mul3A_75 = arith.muli %arg1, %mul3A_74 : i32
    %add3A_76 = arith.constant 560 : i32
    %add3A_77 = arith.addi %mul3A_75, %add3A_76 : i32
    "tpu.region"() ({
      %run_scoped3A = tpu.sem_alloc : memref<!tpu.dma_semaphore, #tpu.memory_space<semaphore_mem>>
      %dma_start3A_86 = arith.constant 0 : i32
      %dma_start3A_87 = arith.constant 0 : i32
      %dma_start3A_88 = tpu.memref_slice %arg12[%dma_start3A_86, %dma_start3A_87] : memref<112x128xf32, #tpu.memory_space<vmem>> -> memref<80x128xf32, #tpu.memory_space<vmem>>
      %dma_start3A_89 = arith.constant 0 : i32
      %dma_start3A_90 = tpu.memref_slice %arg15[%add3A_77, %dma_start3A_89] : memref<10240x128xf32, #tpu.memory_space<vmem_shared>> -> memref<80x128xf32, #tpu.memory_space<vmem_shared>>
      %dma_start3A_91 = arith.constant 0 : i32
      %dma_start3A_92 = tpu.memref_slice %arg15[%add3A_77, %dma_start3A_91] : memref<10240x128xf32, #tpu.memory_space<vmem_shared>> -> memref<80x128xf32, #tpu.memory_space<vmem_shared>>
      %dma_start3A_93 = arith.constant 0 : i32
      %dma_start3A_94 = arith.constant 0 : i32
      %dma_start3A_95 = tpu.memref_slice %arg12[%dma_start3A_93, %dma_start3A_94] : memref<112x128xf32, #tpu.memory_space<vmem>> -> memref<80x128xf32, #tpu.memory_space<vmem>>
      tpu.enqueue_dma source(%dma_start3A_95 : memref<80x128xf32, #tpu.memory_space<vmem>>) target(%dma_start3A_92 : memref<80x128xf32, #tpu.memory_space<vmem_shared>>) target_semaphore(%run_scoped3A : memref<!tpu.dma_semaphore, #tpu.memory_space<semaphore_mem>>)
      %dma_wait3A = arith.constant 0 : i32
      %dma_wait3A_96 = arith.constant 0 : i32
      %dma_wait3A_97 = tpu.memref_slice %arg12[%dma_wait3A, %dma_wait3A_96] : memref<112x128xf32, #tpu.memory_space<vmem>> -> memref<80x128xf32, #tpu.memory_space<vmem>>
      %dma_wait3A_98 = arith.constant 0 : i32
      %dma_wait3A_99 = tpu.memref_slice %arg15[%add3A_77, %dma_wait3A_98] : memref<10240x128xf32, #tpu.memory_space<vmem_shared>> -> memref<80x128xf32, #tpu.memory_space<vmem_shared>>
      %dma_wait3A_100 = arith.constant 0 : i32
      %dma_wait3A_101 = tpu.memref_slice %arg15[%add3A_77, %dma_wait3A_100] : memref<10240x128xf32, #tpu.memory_space<vmem_shared>> -> memref<80x128xf32, #tpu.memory_space<vmem_shared>>
      %dma_wait3A_102 = arith.constant 0 : i32
      %dma_wait3A_103 = arith.constant 0 : i32
      %dma_wait3A_104 = tpu.memref_slice %arg12[%dma_wait3A_102, %dma_wait3A_103] : memref<112x128xf32, #tpu.memory_space<vmem>> -> memref<80x128xf32, #tpu.memory_space<vmem>>
      tpu.wait_dma2 semaphore(%run_scoped3A : memref<!tpu.dma_semaphore, #tpu.memory_space<semaphore_mem>>) src(%dma_wait3A_104 : memref<80x128xf32, #tpu.memory_space<vmem>>) dst(%dma_wait3A_101 : memref<80x128xf32, #tpu.memory_space<vmem_shared>>)
      tpu.yield
    }) : () -> ()
    %barrier3A = arith.constant 0 : index
    tpu.barrier barrier_id(%barrier3A)
    %scan3A = arith.constant 0 : i32
    %scan3A_78 = arith.constant 0 : i32
    %scan3A_79 = arith.constant 15 : i32
    %scan3A_80 = arith.addi %scan3A_78, %scan3A_79 : i32
    %scan3A_81 = arith.constant 1 : i32
    scf.for %scan3A_86 = %scan3A_78 to %scan3A_80 step %scan3A_81  : i32 {
      %mul3A_87 = arith.constant 6 : i32
      %mul3A_88 = arith.muli %scan3A_86, %mul3A_87 : i32
      %add3A_89 = arith.constant 0 : i32
      %add3A_90 = arith.addi %mul3A_88, %add3A_89 : i32
      %dma_wait3A = arith.constant 0 : i32
      %dma_wait3A_91 = arith.constant 0 : i32
      %dma_wait3A_92 = tpu.memref_slice %arg3[%add3A, %add3A_90, %dma_wait3A, %dma_wait3A_91] : memref<32x90x2x112xi32, #tpu.memory_space<hbm>> -> memref<1x1x2x112xi32, #tpu.memory_space<hbm>>
      %dma_wait3A_93 = tpu.memref_squeeze %dma_wait3A_92 : memref<1x1x2x112xi32, #tpu.memory_space<hbm>> -> memref<2x112xi32, #tpu.memory_space<hbm>>
      %dma_wait3A_94 = arith.constant 0 : i32
      %dma_wait3A_95 = arith.constant 0 : i32
      %dma_wait3A_96 = tpu.memref_slice %arg3[%add3A, %add3A_90, %dma_wait3A_94, %dma_wait3A_95] : memref<32x90x2x112xi32, #tpu.memory_space<hbm>> -> memref<1x1x2x112xi32, #tpu.memory_space<hbm>>
      %dma_wait3A_97 = tpu.memref_squeeze %dma_wait3A_96 : memref<1x1x2x112xi32, #tpu.memory_space<hbm>> -> memref<2x112xi32, #tpu.memory_space<hbm>>
      tpu.wait_dma2 semaphore(%arg16 : memref<!tpu.dma_semaphore, #tpu.memory_space<semaphore_mem>>) src(%dma_wait3A_97 : memref<2x112xi32, #tpu.memory_space<hbm>>) dst(%arg6 : memref<2x112xi32, #tpu.memory_space<vmem>>)
      %dma_start3A_98 = arith.constant 0 : i32
      %dma_start3A_99 = arith.constant 0 : i32
      %dma_start3A_100 = tpu.memref_slice %arg6[%dma_start3A_98, %dma_start3A_99] : memref<2x112xi32, #tpu.memory_space<vmem>> -> memref<1x112xi32, #tpu.memory_space<vmem>>
      %dma_start3A_101 = tpu.memref_squeeze %dma_start3A_100 : memref<1x112xi32, #tpu.memory_space<vmem>> -> memref<112xi32, #tpu.memory_space<vmem>>
      %dma_start3A_102 = arith.constant 0 : i32
      %dma_start3A_103 = arith.constant 0 : i32
      %dma_start3A_104 = tpu.memref_slice %arg2[%dma_start3A_102, %dma_start3A_103] : memref<10008x128xf32, #tpu.memory_space<hbm>> -> memref<10008x128xf32, #tpu.memory_space<hbm>>
      tpu.enqueue_indirect_dma source(%dma_start3A_104 : memref<10008x128xf32, #tpu.memory_space<hbm>>) target(%arg12 : memref<112x128xf32, #tpu.memory_space<vmem>>) offsets(%dma_start3A_101 : memref<112xi32, #tpu.memory_space<vmem>>) semaphore(%arg22 : memref<!tpu.dma_semaphore, #tpu.memory_space<semaphore_mem>>)
      %mul3A_105 = arith.constant 6 : i32
      %mul3A_106 = arith.muli %scan3A_86, %mul3A_105 : i32
      %add3A_107 = arith.constant 1 : i32
      %add3A_108 = arith.addi %mul3A_106, %add3A_107 : i32
      %dma_wait3A_109 = arith.constant 0 : i32
      %dma_wait3A_110 = arith.constant 0 : i32
      %dma_wait3A_111 = tpu.memref_slice %arg3[%add3A, %add3A_108, %dma_wait3A_109, %dma_wait3A_110] : memref<32x90x2x112xi32, #tpu.memory_space<hbm>> -> memref<1x1x2x112xi32, #tpu.memory_space<hbm>>
      %dma_wait3A_112 = tpu.memref_squeeze %dma_wait3A_111 : memref<1x1x2x112xi32, #tpu.memory_space<hbm>> -> memref<2x112xi32, #tpu.memory_space<hbm>>
      %dma_wait3A_113 = arith.constant 0 : i32
      %dma_wait3A_114 = arith.constant 0 : i32
      %dma_wait3A_115 = tpu.memref_slice %arg3[%add3A, %add3A_108, %dma_wait3A_113, %dma_wait3A_114] : memref<32x90x2x112xi32, #tpu.memory_space<hbm>> -> memref<1x1x2x112xi32, #tpu.memory_space<hbm>>
      %dma_wait3A_116 = tpu.memref_squeeze %dma_wait3A_115 : memref<1x1x2x112xi32, #tpu.memory_space<hbm>> -> memref<2x112xi32, #tpu.memory_space<hbm>>
      tpu.wait_dma2 semaphore(%arg17 : memref<!tpu.dma_semaphore, #tpu.memory_space<semaphore_mem>>) src(%dma_wait3A_116 : memref<2x112xi32, #tpu.memory_space<hbm>>) dst(%arg7 : memref<2x112xi32, #tpu.memory_space<vmem>>)
      %dma_start3A_117 = arith.constant 0 : i32
      %dma_start3A_118 = arith.constant 0 : i32
      %dma_start3A_119 = tpu.memref_slice %arg7[%dma_start3A_117, %dma_start3A_118] : memref<2x112xi32, #tpu.memory_space<vmem>> -> memref<1x112xi32, #tpu.memory_space<vmem>>
      %dma_start3A_120 = tpu.memref_squeeze %dma_start3A_119 : memref<1x112xi32, #tpu.memory_space<vmem>> -> memref<112xi32, #tpu.memory_space<vmem>>
      %dma_start3A_121 = arith.constant 0 : i32
      %dma_start3A_122 = arith.constant 0 : i32
      %dma_start3A_123 = tpu.memref_slice %arg2[%dma_start3A_121, %dma_start3A_122] : memref<10008x128xf32, #tpu.memory_space<hbm>> -> memref<10008x128xf32, #tpu.memory_space<hbm>>
      tpu.enqueue_indirect_dma source(%dma_start3A_123 : memref<10008x128xf32, #tpu.memory_space<hbm>>) target(%arg13 : memref<112x128xf32, #tpu.memory_space<vmem>>) offsets(%dma_start3A_120 : memref<112xi32, #tpu.memory_space<vmem>>) semaphore(%arg23 : memref<!tpu.dma_semaphore, #tpu.memory_space<semaphore_mem>>)
      %mul3A_124 = arith.constant 6 : i32
      %mul3A_125 = arith.muli %scan3A_86, %mul3A_124 : i32
      %add3A_126 = arith.constant 2 : i32
      %add3A_127 = arith.addi %mul3A_125, %add3A_126 : i32
      %dma_wait3A_128 = arith.constant 0 : i32
      %dma_wait3A_129 = arith.constant 0 : i32
      %dma_wait3A_130 = tpu.memref_slice %arg3[%add3A, %add3A_127, %dma_wait3A_128, %dma_wait3A_129] : memref<32x90x2x112xi32, #tpu.memory_space<hbm>> -> memref<1x1x2x112xi32, #tpu.memory_space<hbm>>
      %dma_wait3A_131 = tpu.memref_squeeze %dma_wait3A_130 : memref<1x1x2x112xi32, #tpu.memory_space<hbm>> -> memref<2x112xi32, #tpu.memory_space<hbm>>
      %dma_wait3A_132 = arith.constant 0 : i32
      %dma_wait3A_133 = arith.constant 0 : i32
      %dma_wait3A_134 = tpu.memref_slice %arg3[%add3A, %add3A_127, %dma_wait3A_132, %dma_wait3A_133] : memref<32x90x2x112xi32, #tpu.memory_space<hbm>> -> memref<1x1x2x112xi32, #tpu.memory_space<hbm>>
      %dma_wait3A_135 = tpu.memref_squeeze %dma_wait3A_134 : memref<1x1x2x112xi32, #tpu.memory_space<hbm>> -> memref<2x112xi32, #tpu.memory_space<hbm>>
      tpu.wait_dma2 semaphore(%arg18 : memref<!tpu.dma_semaphore, #tpu.memory_space<semaphore_mem>>) src(%dma_wait3A_135 : memref<2x112xi32, #tpu.memory_space<hbm>>) dst(%arg8 : memref<2x112xi32, #tpu.memory_space<vmem>>)
      %dma_start3A_136 = arith.constant 0 : i32
      %dma_start3A_137 = arith.constant 0 : i32
      %dma_start3A_138 = tpu.memref_slice %arg8[%dma_start3A_136, %dma_start3A_137] : memref<2x112xi32, #tpu.memory_space<vmem>> -> memref<1x112xi32, #tpu.memory_space<vmem>>
      %dma_start3A_139 = tpu.memref_squeeze %dma_start3A_138 : memref<1x112xi32, #tpu.memory_space<vmem>> -> memref<112xi32, #tpu.memory_space<vmem>>
      %dma_start3A_140 = arith.constant 0 : i32
      %dma_start3A_141 = arith.constant 0 : i32
      %dma_start3A_142 = tpu.memref_slice %arg2[%dma_start3A_140, %dma_start3A_141] : memref<10008x128xf32, #tpu.memory_space<hbm>> -> memref<10008x128xf32, #tpu.memory_space<hbm>>
      tpu.enqueue_indirect_dma source(%dma_start3A_142 : memref<10008x128xf32, #tpu.memory_space<hbm>>) target(%arg14 : memref<112x128xf32, #tpu.memory_space<vmem>>) offsets(%dma_start3A_139 : memref<112xi32, #tpu.memory_space<vmem>>) semaphore(%arg24 : memref<!tpu.dma_semaphore, #tpu.memory_space<semaphore_mem>>)
      %mul3A_143 = arith.constant 6 : i32
      %mul3A_144 = arith.muli %scan3A_86, %mul3A_143 : i32
      %add3A_145 = arith.constant 3 : i32
      %add3A_146 = arith.addi %mul3A_144, %add3A_145 : i32
      %dma_wait3A_147 = arith.constant 0 : i32
      %dma_wait3A_148 = arith.constant 0 : i32
      %dma_wait3A_149 = tpu.memref_slice %arg6[%dma_wait3A_147, %dma_wait3A_148] : memref<2x112xi32, #tpu.memory_space<vmem>> -> memref<1x112xi32, #tpu.memory_space<vmem>>
      %dma_wait3A_150 = tpu.memref_squeeze %dma_wait3A_149 : memref<1x112xi32, #tpu.memory_space<vmem>> -> memref<112xi32, #tpu.memory_space<vmem>>
      %dma_wait3A_151 = arith.constant 0 : i32
      %dma_wait3A_152 = arith.constant 0 : i32
      %dma_wait3A_153 = tpu.memref_slice %arg2[%dma_wait3A_151, %dma_wait3A_152] : memref<10008x128xf32, #tpu.memory_space<hbm>> -> memref<10008x128xf32, #tpu.memory_space<hbm>>
      tpu.wait_indirect_dma semaphore(%arg22 : memref<!tpu.dma_semaphore, #tpu.memory_space<semaphore_mem>>) src(%dma_wait3A_153 : memref<10008x128xf32, #tpu.memory_space<hbm>>) dst(%arg12 : memref<112x128xf32, #tpu.memory_space<vmem>>)
      %run_scoped3A = arith.constant 1 : i32
      "tpu.region"() ({
        %run_scoped3A_286 = tpu.sem_alloc : memref<!tpu.dma_semaphore, #tpu.memory_space<semaphore_mem>>
        %dma_start3A_287 = arith.constant 0 : i32
        %dma_start3A_288 = tpu.memref_slice %arg6[%run_scoped3A, %dma_start3A_287] : memref<2x112xi32, #tpu.memory_space<vmem>> -> memref<1x112xi32, #tpu.memory_space<vmem>>
        %dma_start3A_289 = tpu.memref_squeeze %dma_start3A_288 : memref<1x112xi32, #tpu.memory_space<vmem>> -> memref<112xi32, #tpu.memory_space<vmem>>
        %dma_start3A_290 = arith.constant 0 : i32
        %dma_start3A_291 = arith.constant 0 : i32
        %dma_start3A_292 = tpu.memref_slice %arg15[%dma_start3A_290, %dma_start3A_291] : memref<10240x128xf32, #tpu.memory_space<vmem_shared>> -> memref<10240x128xf32, #tpu.memory_space<vmem_shared>>
        tpu.enqueue_indirect_dma source(%arg12 : memref<112x128xf32, #tpu.memory_space<vmem>>) target(%dma_start3A_292 : memref<10240x128xf32, #tpu.memory_space<vmem_shared>>) offsets(%dma_start3A_289 : memref<112xi32, #tpu.memory_space<vmem>>) semaphore(%run_scoped3A_286 : memref<!tpu.dma_semaphore, #tpu.memory_space<semaphore_mem>>) {add = true}
        %dma_wait3A_293 = arith.constant 0 : i32
        %dma_wait3A_294 = tpu.memref_slice %arg6[%run_scoped3A, %dma_wait3A_293] : memref<2x112xi32, #tpu.memory_space<vmem>> -> memref<1x112xi32, #tpu.memory_space<vmem>>
        %dma_wait3A_295 = tpu.memref_squeeze %dma_wait3A_294 : memref<1x112xi32, #tpu.memory_space<vmem>> -> memref<112xi32, #tpu.memory_space<vmem>>
        %dma_wait3A_296 = arith.constant 0 : i32
        %dma_wait3A_297 = arith.constant 0 : i32
        %dma_wait3A_298 = tpu.memref_slice %arg15[%dma_wait3A_296, %dma_wait3A_297] : memref<10240x128xf32, #tpu.memory_space<vmem_shared>> -> memref<10240x128xf32, #tpu.memory_space<vmem_shared>>
        tpu.wait_indirect_dma semaphore(%run_scoped3A_286 : memref<!tpu.dma_semaphore, #tpu.memory_space<semaphore_mem>>) src(%arg12 : memref<112x128xf32, #tpu.memory_space<vmem>>) dst(%dma_wait3A_298 : memref<10240x128xf32, #tpu.memory_space<vmem_shared>>)
        tpu.yield
      }) : () -> ()
      %add3A_154 = arith.constant 1 : i32
      %add3A_155 = arith.addi %scan3A_86, %add3A_154 : i32
      %lt3A = arith.constant 15 : i32
      %lt3A_156 = arith.cmpi slt, %add3A_155, %lt3A : i32
      %convert_element_type3A = arith.extui %lt3A_156 : i1 to i32
      %cond3A = arith.constant 0 : i32
      %cond3A_157 = arith.cmpi ne, %convert_element_type3A, %cond3A : i32
      scf.if %cond3A_157 {
        %add3A_286 = arith.constant 1 : i32
        %add3A_287 = arith.addi %scan3A_86, %add3A_286 : i32
        %mul3A_288 = arith.constant 6 : i32
        %mul3A_289 = arith.muli %add3A_287, %mul3A_288 : i32
        %add3A_290 = arith.constant 0 : i32
        %add3A_291 = arith.addi %mul3A_289, %add3A_290 : i32
        %dma_start3A_292 = arith.constant 0 : i32
        %dma_start3A_293 = arith.constant 0 : i32
        %dma_start3A_294 = tpu.memref_slice %arg3[%add3A, %add3A_291, %dma_start3A_292, %dma_start3A_293] : memref<32x90x2x112xi32, #tpu.memory_space<hbm>> -> memref<1x1x2x112xi32, #tpu.memory_space<hbm>>
        %dma_start3A_295 = tpu.memref_squeeze %dma_start3A_294 : memref<1x1x2x112xi32, #tpu.memory_space<hbm>> -> memref<2x112xi32, #tpu.memory_space<hbm>>
        %dma_start3A_296 = arith.constant 0 : i32
        %dma_start3A_297 = arith.constant 0 : i32
        %dma_start3A_298 = tpu.memref_slice %arg3[%add3A, %add3A_291, %dma_start3A_296, %dma_start3A_297] : memref<32x90x2x112xi32, #tpu.memory_space<hbm>> -> memref<1x1x2x112xi32, #tpu.memory_space<hbm>>
        %dma_start3A_299 = tpu.memref_squeeze %dma_start3A_298 : memref<1x1x2x112xi32, #tpu.memory_space<hbm>> -> memref<2x112xi32, #tpu.memory_space<hbm>>
        tpu.enqueue_dma source(%dma_start3A_299 : memref<2x112xi32, #tpu.memory_space<hbm>>) target(%arg6 : memref<2x112xi32, #tpu.memory_space<vmem>>) target_semaphore(%arg16 : memref<!tpu.dma_semaphore, #tpu.memory_space<semaphore_mem>>)
      } else {
      }
      %dma_wait3A_158 = arith.constant 0 : i32
      %dma_wait3A_159 = arith.constant 0 : i32
      %dma_wait3A_160 = tpu.memref_slice %arg3[%add3A, %add3A_146, %dma_wait3A_158, %dma_wait3A_159] : memref<32x90x2x112xi32, #tpu.memory_space<hbm>> -> memref<1x1x2x112xi32, #tpu.memory_space<hbm>>
      %dma_wait3A_161 = tpu.memref_squeeze %dma_wait3A_160 : memref<1x1x2x112xi32, #tpu.memory_space<hbm>> -> memref<2x112xi32, #tpu.memory_space<hbm>>
      %dma_wait3A_162 = arith.constant 0 : i32
      %dma_wait3A_163 = arith.constant 0 : i32
      %dma_wait3A_164 = tpu.memref_slice %arg3[%add3A, %add3A_146, %dma_wait3A_162, %dma_wait3A_163] : memref<32x90x2x112xi32, #tpu.memory_space<hbm>> -> memref<1x1x2x112xi32, #tpu.memory_space<hbm>>
      %dma_wait3A_165 = tpu.memref_squeeze %dma_wait3A_164 : memref<1x1x2x112xi32, #tpu.memory_space<hbm>> -> memref<2x112xi32, #tpu.memory_space<hbm>>
      tpu.wait_dma2 semaphore(%arg19 : memref<!tpu.dma_semaphore, #tpu.memory_space<semaphore_mem>>) src(%dma_wait3A_165 : memref<2x112xi32, #tpu.memory_space<hbm>>) dst(%arg9 : memref<2x112xi32, #tpu.memory_space<vmem>>)
      %dma_start3A_166 = arith.constant 0 : i32
      %dma_start3A_167 = arith.constant 0 : i32
      %dma_start3A_168 = tpu.memref_slice %arg9[%dma_start3A_166, %dma_start3A_167] : memref<2x112xi32, #tpu.memory_space<vmem>> -> memref<1x112xi32, #tpu.memory_space<vmem>>
      %dma_start3A_169 = tpu.memref_squeeze %dma_start3A_168 : memref<1x112xi32, #tpu.memory_space<vmem>> -> memref<112xi32, #tpu.memory_space<vmem>>
      %dma_start3A_170 = arith.constant 0 : i32
      %dma_start3A_171 = arith.constant 0 : i32
      %dma_start3A_172 = tpu.memref_slice %arg2[%dma_start3A_170, %dma_start3A_171] : memref<10008x128xf32, #tpu.memory_space<hbm>> -> memref<10008x128xf32, #tpu.memory_space<hbm>>
      tpu.enqueue_indirect_dma source(%dma_start3A_172 : memref<10008x128xf32, #tpu.memory_space<hbm>>) target(%arg12 : memref<112x128xf32, #tpu.memory_space<vmem>>) offsets(%dma_start3A_169 : memref<112xi32, #tpu.memory_space<vmem>>) semaphore(%arg22 : memref<!tpu.dma_semaphore, #tpu.memory_space<semaphore_mem>>)
      %mul3A_173 = arith.constant 6 : i32
      %mul3A_174 = arith.muli %scan3A_86, %mul3A_173 : i32
      %add3A_175 = arith.constant 4 : i32
      %add3A_176 = arith.addi %mul3A_174, %add3A_175 : i32
      %dma_wait3A_177 = arith.constant 0 : i32
      %dma_wait3A_178 = arith.constant 0 : i32
      %dma_wait3A_179 = tpu.memref_slice %arg7[%dma_wait3A_177, %dma_wait3A_178] : memref<2x112xi32, #tpu.memory_space<vmem>> -> memref<1x112xi32, #tpu.memory_space<vmem>>
      %dma_wait3A_180 = tpu.memref_squeeze %dma_wait3A_179 : memref<1x112xi32, #tpu.memory_space<vmem>> -> memref<112xi32, #tpu.memory_space<vmem>>
      %dma_wait3A_181 = arith.constant 0 : i32
      %dma_wait3A_182 = arith.constant 0 : i32
      %dma_wait3A_183 = tpu.memref_slice %arg2[%dma_wait3A_181, %dma_wait3A_182] : memref<10008x128xf32, #tpu.memory_space<hbm>> -> memref<10008x128xf32, #tpu.memory_space<hbm>>
      tpu.wait_indirect_dma semaphore(%arg23 : memref<!tpu.dma_semaphore, #tpu.memory_space<semaphore_mem>>) src(%dma_wait3A_183 : memref<10008x128xf32, #tpu.memory_space<hbm>>) dst(%arg13 : memref<112x128xf32, #tpu.memory_space<vmem>>)
      %run_scoped3A_184 = arith.constant 1 : i32
      "tpu.region"() ({
        %run_scoped3A_286 = tpu.sem_alloc : memref<!tpu.dma_semaphore, #tpu.memory_space<semaphore_mem>>
        %dma_start3A_287 = arith.constant 0 : i32
        %dma_start3A_288 = tpu.memref_slice %arg7[%run_scoped3A_184, %dma_start3A_287] : memref<2x112xi32, #tpu.memory_space<vmem>> -> memref<1x112xi32, #tpu.memory_space<vmem>>
        %dma_start3A_289 = tpu.memref_squeeze %dma_start3A_288 : memref<1x112xi32, #tpu.memory_space<vmem>> -> memref<112xi32, #tpu.memory_space<vmem>>
        %dma_start3A_290 = arith.constant 0 : i32
        %dma_start3A_291 = arith.constant 0 : i32
        %dma_start3A_292 = tpu.memref_slice %arg15[%dma_start3A_290, %dma_start3A_291] : memref<10240x128xf32, #tpu.memory_space<vmem_shared>> -> memref<10240x128xf32, #tpu.memory_space<vmem_shared>>
        tpu.enqueue_indirect_dma source(%arg13 : memref<112x128xf32, #tpu.memory_space<vmem>>) target(%dma_start3A_292 : memref<10240x128xf32, #tpu.memory_space<vmem_shared>>) offsets(%dma_start3A_289 : memref<112xi32, #tpu.memory_space<vmem>>) semaphore(%run_scoped3A_286 : memref<!tpu.dma_semaphore, #tpu.memory_space<semaphore_mem>>) {add = true}
        %dma_wait3A_293 = arith.constant 0 : i32
        %dma_wait3A_294 = tpu.memref_slice %arg7[%run_scoped3A_184, %dma_wait3A_293] : memref<2x112xi32, #tpu.memory_space<vmem>> -> memref<1x112xi32, #tpu.memory_space<vmem>>
        %dma_wait3A_295 = tpu.memref_squeeze %dma_wait3A_294 : memref<1x112xi32, #tpu.memory_space<vmem>> -> memref<112xi32, #tpu.memory_space<vmem>>
        %dma_wait3A_296 = arith.constant 0 : i32
        %dma_wait3A_297 = arith.constant 0 : i32
        %dma_wait3A_298 = tpu.memref_slice %arg15[%dma_wait3A_296, %dma_wait3A_297] : memref<10240x128xf32, #tpu.memory_space<vmem_shared>> -> memref<10240x128xf32, #tpu.memory_space<vmem_shared>>
        tpu.wait_indirect_dma semaphore(%run_scoped3A_286 : memref<!tpu.dma_semaphore, #tpu.memory_space<semaphore_mem>>) src(%arg13 : memref<112x128xf32, #tpu.memory_space<vmem>>) dst(%dma_wait3A_298 : memref<10240x128xf32, #tpu.memory_space<vmem_shared>>)
        tpu.yield
      }) : () -> ()
      %add3A_185 = arith.constant 1 : i32
      %add3A_186 = arith.addi %scan3A_86, %add3A_185 : i32
      %lt3A_187 = arith.constant 15 : i32
      %lt3A_188 = arith.cmpi slt, %add3A_186, %lt3A_187 : i32
      %convert_element_type3A_189 = arith.extui %lt3A_188 : i1 to i32
      %cond3A_190 = arith.constant 0 : i32
      %cond3A_191 = arith.cmpi ne, %convert_element_type3A_189, %cond3A_190 : i32
      scf.if %cond3A_191 {
        %add3A_286 = arith.constant 1 : i32
        %add3A_287 = arith.addi %scan3A_86, %add3A_286 : i32
        %mul3A_288 = arith.constant 6 : i32
        %mul3A_289 = arith.muli %add3A_287, %mul3A_288 : i32
        %add3A_290 = arith.constant 1 : i32
        %add3A_291 = arith.addi %mul3A_289, %add3A_290 : i32
        %dma_start3A_292 = arith.constant 0 : i32
        %dma_start3A_293 = arith.constant 0 : i32
        %dma_start3A_294 = tpu.memref_slice %arg3[%add3A, %add3A_291, %dma_start3A_292, %dma_start3A_293] : memref<32x90x2x112xi32, #tpu.memory_space<hbm>> -> memref<1x1x2x112xi32, #tpu.memory_space<hbm>>
        %dma_start3A_295 = tpu.memref_squeeze %dma_start3A_294 : memref<1x1x2x112xi32, #tpu.memory_space<hbm>> -> memref<2x112xi32, #tpu.memory_space<hbm>>
        %dma_start3A_296 = arith.constant 0 : i32
        %dma_start3A_297 = arith.constant 0 : i32
        %dma_start3A_298 = tpu.memref_slice %arg3[%add3A, %add3A_291, %dma_start3A_296, %dma_start3A_297] : memref<32x90x2x112xi32, #tpu.memory_space<hbm>> -> memref<1x1x2x112xi32, #tpu.memory_space<hbm>>
        %dma_start3A_299 = tpu.memref_squeeze %dma_start3A_298 : memref<1x1x2x112xi32, #tpu.memory_space<hbm>> -> memref<2x112xi32, #tpu.memory_space<hbm>>
        tpu.enqueue_dma source(%dma_start3A_299 : memref<2x112xi32, #tpu.memory_space<hbm>>) target(%arg7 : memref<2x112xi32, #tpu.memory_space<vmem>>) target_semaphore(%arg17 : memref<!tpu.dma_semaphore, #tpu.memory_space<semaphore_mem>>)
      } else {
      }
      %dma_wait3A_192 = arith.constant 0 : i32
      %dma_wait3A_193 = arith.constant 0 : i32
      %dma_wait3A_194 = tpu.memref_slice %arg3[%add3A, %add3A_176, %dma_wait3A_192, %dma_wait3A_193] : memref<32x90x2x112xi32, #tpu.memory_space<hbm>> -> memref<1x1x2x112xi32, #tpu.memory_space<hbm>>
      %dma_wait3A_195 = tpu.memref_squeeze %dma_wait3A_194 : memref<1x1x2x112xi32, #tpu.memory_space<hbm>> -> memref<2x112xi32, #tpu.memory_space<hbm>>
      %dma_wait3A_196 = arith.constant 0 : i32
      %dma_wait3A_197 = arith.constant 0 : i32
      %dma_wait3A_198 = tpu.memref_slice %arg3[%add3A, %add3A_176, %dma_wait3A_196, %dma_wait3A_197] : memref<32x90x2x112xi32, #tpu.memory_space<hbm>> -> memref<1x1x2x112xi32, #tpu.memory_space<hbm>>
      %dma_wait3A_199 = tpu.memref_squeeze %dma_wait3A_198 : memref<1x1x2x112xi32, #tpu.memory_space<hbm>> -> memref<2x112xi32, #tpu.memory_space<hbm>>
      tpu.wait_dma2 semaphore(%arg20 : memref<!tpu.dma_semaphore, #tpu.memory_space<semaphore_mem>>) src(%dma_wait3A_199 : memref<2x112xi32, #tpu.memory_space<hbm>>) dst(%arg10 : memref<2x112xi32, #tpu.memory_space<vmem>>)
      %dma_start3A_200 = arith.constant 0 : i32
      %dma_start3A_201 = arith.constant 0 : i32
      %dma_start3A_202 = tpu.memref_slice %arg10[%dma_start3A_200, %dma_start3A_201] : memref<2x112xi32, #tpu.memory_space<vmem>> -> memref<1x112xi32, #tpu.memory_space<vmem>>
      %dma_start3A_203 = tpu.memref_squeeze %dma_start3A_202 : memref<1x112xi32, #tpu.memory_space<vmem>> -> memref<112xi32, #tpu.memory_space<vmem>>
      %dma_start3A_204 = arith.constant 0 : i32
      %dma_start3A_205 = arith.constant 0 : i32
      %dma_start3A_206 = tpu.memref_slice %arg2[%dma_start3A_204, %dma_start3A_205] : memref<10008x128xf32, #tpu.memory_space<hbm>> -> memref<10008x128xf32, #tpu.memory_space<hbm>>
      tpu.enqueue_indirect_dma source(%dma_start3A_206 : memref<10008x128xf32, #tpu.memory_space<hbm>>) target(%arg13 : memref<112x128xf32, #tpu.memory_space<vmem>>) offsets(%dma_start3A_203 : memref<112xi32, #tpu.memory_space<vmem>>) semaphore(%arg23 : memref<!tpu.dma_semaphore, #tpu.memory_space<semaphore_mem>>)
      %mul3A_207 = arith.constant 6 : i32
      %mul3A_208 = arith.muli %scan3A_86, %mul3A_207 : i32
      %add3A_209 = arith.constant 5 : i32
      %add3A_210 = arith.addi %mul3A_208, %add3A_209 : i32
      %dma_wait3A_211 = arith.constant 0 : i32
      %dma_wait3A_212 = arith.constant 0 : i32
      %dma_wait3A_213 = tpu.memref_slice %arg8[%dma_wait3A_211, %dma_wait3A_212] : memref<2x112xi32, #tpu.memory_space<vmem>> -> memref<1x112xi32, #tpu.memory_space<vmem>>
      %dma_wait3A_214 = tpu.memref_squeeze %dma_wait3A_213 : memref<1x112xi32, #tpu.memory_space<vmem>> -> memref<112xi32, #tpu.memory_space<vmem>>
      %dma_wait3A_215 = arith.constant 0 : i32
      %dma_wait3A_216 = arith.constant 0 : i32
      %dma_wait3A_217 = tpu.memref_slice %arg2[%dma_wait3A_215, %dma_wait3A_216] : memref<10008x128xf32, #tpu.memory_space<hbm>> -> memref<10008x128xf32, #tpu.memory_space<hbm>>
      tpu.wait_indirect_dma semaphore(%arg24 : memref<!tpu.dma_semaphore, #tpu.memory_space<semaphore_mem>>) src(%dma_wait3A_217 : memref<10008x128xf32, #tpu.memory_space<hbm>>) dst(%arg14 : memref<112x128xf32, #tpu.memory_space<vmem>>)
      %run_scoped3A_218 = arith.constant 1 : i32
      "tpu.region"() ({
        %run_scoped3A_286 = tpu.sem_alloc : memref<!tpu.dma_semaphore, #tpu.memory_space<semaphore_mem>>
        %dma_start3A_287 = arith.constant 0 : i32
        %dma_start3A_288 = tpu.memref_slice %arg8[%run_scoped3A_218, %dma_start3A_287] : memref<2x112xi32, #tpu.memory_space<vmem>> -> memref<1x112xi32, #tpu.memory_space<vmem>>
        %dma_start3A_289 = tpu.memref_squeeze %dma_start3A_288 : memref<1x112xi32, #tpu.memory_space<vmem>> -> memref<112xi32, #tpu.memory_space<vmem>>
        %dma_start3A_290 = arith.constant 0 : i32
        %dma_start3A_291 = arith.constant 0 : i32
        %dma_start3A_292 = tpu.memref_slice %arg15[%dma_start3A_290, %dma_start3A_291] : memref<10240x128xf32, #tpu.memory_space<vmem_shared>> -> memref<10240x128xf32, #tpu.memory_space<vmem_shared>>
        tpu.enqueue_indirect_dma source(%arg14 : memref<112x128xf32, #tpu.memory_space<vmem>>) target(%dma_start3A_292 : memref<10240x128xf32, #tpu.memory_space<vmem_shared>>) offsets(%dma_start3A_289 : memref<112xi32, #tpu.memory_space<vmem>>) semaphore(%run_scoped3A_286 : memref<!tpu.dma_semaphore, #tpu.memory_space<semaphore_mem>>) {add = true}
        %dma_wait3A_293 = arith.constant 0 : i32
        %dma_wait3A_294 = tpu.memref_slice %arg8[%run_scoped3A_218, %dma_wait3A_293] : memref<2x112xi32, #tpu.memory_space<vmem>> -> memref<1x112xi32, #tpu.memory_space<vmem>>
        %dma_wait3A_295 = tpu.memref_squeeze %dma_wait3A_294 : memref<1x112xi32, #tpu.memory_space<vmem>> -> memref<112xi32, #tpu.memory_space<vmem>>
        %dma_wait3A_296 = arith.constant 0 : i32
        %dma_wait3A_297 = arith.constant 0 : i32
        %dma_wait3A_298 = tpu.memref_slice %arg15[%dma_wait3A_296, %dma_wait3A_297] : memref<10240x128xf32, #tpu.memory_space<vmem_shared>> -> memref<10240x128xf32, #tpu.memory_space<vmem_shared>>
        tpu.wait_indirect_dma semaphore(%run_scoped3A_286 : memref<!tpu.dma_semaphore, #tpu.memory_space<semaphore_mem>>) src(%arg14 : memref<112x128xf32, #tpu.memory_space<vmem>>) dst(%dma_wait3A_298 : memref<10240x128xf32, #tpu.memory_space<vmem_shared>>)
        tpu.yield
      }) : () -> ()
      %add3A_219 = arith.constant 1 : i32
      %add3A_220 = arith.addi %scan3A_86, %add3A_219 : i32
      %lt3A_221 = arith.constant 15 : i32
      %lt3A_222 = arith.cmpi slt, %add3A_220, %lt3A_221 : i32
      %convert_element_type3A_223 = arith.extui %lt3A_222 : i1 to i32
      %cond3A_224 = arith.constant 0 : i32
      %cond3A_225 = arith.cmpi ne, %convert_element_type3A_223, %cond3A_224 : i32
      scf.if %cond3A_225 {
        %add3A_286 = arith.constant 1 : i32
        %add3A_287 = arith.addi %scan3A_86, %add3A_286 : i32
        %mul3A_288 = arith.constant 6 : i32
        %mul3A_289 = arith.muli %add3A_287, %mul3A_288 : i32
        %add3A_290 = arith.constant 2 : i32
        %add3A_291 = arith.addi %mul3A_289, %add3A_290 : i32
        %dma_start3A_292 = arith.constant 0 : i32
        %dma_start3A_293 = arith.constant 0 : i32
        %dma_start3A_294 = tpu.memref_slice %arg3[%add3A, %add3A_291, %dma_start3A_292, %dma_start3A_293] : memref<32x90x2x112xi32, #tpu.memory_space<hbm>> -> memref<1x1x2x112xi32, #tpu.memory_space<hbm>>
        %dma_start3A_295 = tpu.memref_squeeze %dma_start3A_294 : memref<1x1x2x112xi32, #tpu.memory_space<hbm>> -> memref<2x112xi32, #tpu.memory_space<hbm>>
        %dma_start3A_296 = arith.constant 0 : i32
        %dma_start3A_297 = arith.constant 0 : i32
        %dma_start3A_298 = tpu.memref_slice %arg3[%add3A, %add3A_291, %dma_start3A_296, %dma_start3A_297] : memref<32x90x2x112xi32, #tpu.memory_space<hbm>> -> memref<1x1x2x112xi32, #tpu.memory_space<hbm>>
        %dma_start3A_299 = tpu.memref_squeeze %dma_start3A_298 : memref<1x1x2x112xi32, #tpu.memory_space<hbm>> -> memref<2x112xi32, #tpu.memory_space<hbm>>
        tpu.enqueue_dma source(%dma_start3A_299 : memref<2x112xi32, #tpu.memory_space<hbm>>) target(%arg8 : memref<2x112xi32, #tpu.memory_space<vmem>>) target_semaphore(%arg18 : memref<!tpu.dma_semaphore, #tpu.memory_space<semaphore_mem>>)
      } else {
      }
      %dma_wait3A_226 = arith.constant 0 : i32
      %dma_wait3A_227 = arith.constant 0 : i32
      %dma_wait3A_228 = tpu.memref_slice %arg3[%add3A, %add3A_210, %dma_wait3A_226, %dma_wait3A_227] : memref<32x90x2x112xi32, #tpu.memory_space<hbm>> -> memref<1x1x2x112xi32, #tpu.memory_space<hbm>>
      %dma_wait3A_229 = tpu.memref_squeeze %dma_wait3A_228 : memref<1x1x2x112xi32, #tpu.memory_space<hbm>> -> memref<2x112xi32, #tpu.memory_space<hbm>>
      %dma_wait3A_230 = arith.constant 0 : i32
      %dma_wait3A_231 = arith.constant 0 : i32
      %dma_wait3A_232 = tpu.memref_slice %arg3[%add3A, %add3A_210, %dma_wait3A_230, %dma_wait3A_231] : memref<32x90x2x112xi32, #tpu.memory_space<hbm>> -> memref<1x1x2x112xi32, #tpu.memory_space<hbm>>
      %dma_wait3A_233 = tpu.memref_squeeze %dma_wait3A_232 : memref<1x1x2x112xi32, #tpu.memory_space<hbm>> -> memref<2x112xi32, #tpu.memory_space<hbm>>
      tpu.wait_dma2 semaphore(%arg21 : memref<!tpu.dma_semaphore, #tpu.memory_space<semaphore_mem>>) src(%dma_wait3A_233 : memref<2x112xi32, #tpu.memory_space<hbm>>) dst(%arg11 : memref<2x112xi32, #tpu.memory_space<vmem>>)
      %dma_start3A_234 = arith.constant 0 : i32
      %dma_start3A_235 = arith.constant 0 : i32
      %dma_start3A_236 = tpu.memref_slice %arg11[%dma_start3A_234, %dma_start3A_235] : memref<2x112xi32, #tpu.memory_space<vmem>> -> memref<1x112xi32, #tpu.memory_space<vmem>>
      %dma_start3A_237 = tpu.memref_squeeze %dma_start3A_236 : memref<1x112xi32, #tpu.memory_space<vmem>> -> memref<112xi32, #tpu.memory_space<vmem>>
      %dma_start3A_238 = arith.constant 0 : i32
      %dma_start3A_239 = arith.constant 0 : i32
      %dma_start3A_240 = tpu.memref_slice %arg2[%dma_start3A_238, %dma_start3A_239] : memref<10008x128xf32, #tpu.memory_space<hbm>> -> memref<10008x128xf32, #tpu.memory_space<hbm>>
      tpu.enqueue_indirect_dma source(%dma_start3A_240 : memref<10008x128xf32, #tpu.memory_space<hbm>>) target(%arg14 : memref<112x128xf32, #tpu.memory_space<vmem>>) offsets(%dma_start3A_237 : memref<112xi32, #tpu.memory_space<vmem>>) semaphore(%arg24 : memref<!tpu.dma_semaphore, #tpu.memory_space<semaphore_mem>>)
      %dma_wait3A_241 = arith.constant 0 : i32
      %dma_wait3A_242 = arith.constant 0 : i32
      %dma_wait3A_243 = tpu.memref_slice %arg9[%dma_wait3A_241, %dma_wait3A_242] : memref<2x112xi32, #tpu.memory_space<vmem>> -> memref<1x112xi32, #tpu.memory_space<vmem>>
      %dma_wait3A_244 = tpu.memref_squeeze %dma_wait3A_243 : memref<1x112xi32, #tpu.memory_space<vmem>> -> memref<112xi32, #tpu.memory_space<vmem>>
      %dma_wait3A_245 = arith.constant 0 : i32
      %dma_wait3A_246 = arith.constant 0 : i32
      %dma_wait3A_247 = tpu.memref_slice %arg2[%dma_wait3A_245, %dma_wait3A_246] : memref<10008x128xf32, #tpu.memory_space<hbm>> -> memref<10008x128xf32, #tpu.memory_space<hbm>>
      tpu.wait_indirect_dma semaphore(%arg22 : memref<!tpu.dma_semaphore, #tpu.memory_space<semaphore_mem>>) src(%dma_wait3A_247 : memref<10008x128xf32, #tpu.memory_space<hbm>>) dst(%arg12 : memref<112x128xf32, #tpu.memory_space<vmem>>)
      %run_scoped3A_248 = arith.constant 1 : i32
      "tpu.region"() ({
        %run_scoped3A_286 = tpu.sem_alloc : memref<!tpu.dma_semaphore, #tpu.memory_space<semaphore_mem>>
        %dma_start3A_287 = arith.constant 0 : i32
        %dma_start3A_288 = tpu.memref_slice %arg9[%run_scoped3A_248, %dma_start3A_287] : memref<2x112xi32, #tpu.memory_space<vmem>> -> memref<1x112xi32, #tpu.memory_space<vmem>>
        %dma_start3A_289 = tpu.memref_squeeze %dma_start3A_288 : memref<1x112xi32, #tpu.memory_space<vmem>> -> memref<112xi32, #tpu.memory_space<vmem>>
        %dma_start3A_290 = arith.constant 0 : i32
        %dma_start3A_291 = arith.constant 0 : i32
        %dma_start3A_292 = tpu.memref_slice %arg15[%dma_start3A_290, %dma_start3A_291] : memref<10240x128xf32, #tpu.memory_space<vmem_shared>> -> memref<10240x128xf32, #tpu.memory_space<vmem_shared>>
        tpu.enqueue_indirect_dma source(%arg12 : memref<112x128xf32, #tpu.memory_space<vmem>>) target(%dma_start3A_292 : memref<10240x128xf32, #tpu.memory_space<vmem_shared>>) offsets(%dma_start3A_289 : memref<112xi32, #tpu.memory_space<vmem>>) semaphore(%run_scoped3A_286 : memref<!tpu.dma_semaphore, #tpu.memory_space<semaphore_mem>>) {add = true}
        %dma_wait3A_293 = arith.constant 0 : i32
        %dma_wait3A_294 = tpu.memref_slice %arg9[%run_scoped3A_248, %dma_wait3A_293] : memref<2x112xi32, #tpu.memory_space<vmem>> -> memref<1x112xi32, #tpu.memory_space<vmem>>
        %dma_wait3A_295 = tpu.memref_squeeze %dma_wait3A_294 : memref<1x112xi32, #tpu.memory_space<vmem>> -> memref<112xi32, #tpu.memory_space<vmem>>
        %dma_wait3A_296 = arith.constant 0 : i32
        %dma_wait3A_297 = arith.constant 0 : i32
        %dma_wait3A_298 = tpu.memref_slice %arg15[%dma_wait3A_296, %dma_wait3A_297] : memref<10240x128xf32, #tpu.memory_space<vmem_shared>> -> memref<10240x128xf32, #tpu.memory_space<vmem_shared>>
        tpu.wait_indirect_dma semaphore(%run_scoped3A_286 : memref<!tpu.dma_semaphore, #tpu.memory_space<semaphore_mem>>) src(%arg12 : memref<112x128xf32, #tpu.memory_space<vmem>>) dst(%dma_wait3A_298 : memref<10240x128xf32, #tpu.memory_space<vmem_shared>>)
        tpu.yield
      }) : () -> ()
      %add3A_249 = arith.constant 1 : i32
      %add3A_250 = arith.addi %scan3A_86, %add3A_249 : i32
      %lt3A_251 = arith.constant 15 : i32
      %lt3A_252 = arith.cmpi slt, %add3A_250, %lt3A_251 : i32
      %convert_element_type3A_253 = arith.extui %lt3A_252 : i1 to i32
      %cond3A_254 = arith.constant 0 : i32
      %cond3A_255 = arith.cmpi ne, %convert_element_type3A_253, %cond3A_254 : i32
      scf.if %cond3A_255 {
        %add3A_286 = arith.constant 1 : i32
        %add3A_287 = arith.addi %scan3A_86, %add3A_286 : i32
        %mul3A_288 = arith.constant 6 : i32
        %mul3A_289 = arith.muli %add3A_287, %mul3A_288 : i32
        %add3A_290 = arith.constant 3 : i32
        %add3A_291 = arith.addi %mul3A_289, %add3A_290 : i32
        %dma_start3A_292 = arith.constant 0 : i32
        %dma_start3A_293 = arith.constant 0 : i32
        %dma_start3A_294 = tpu.memref_slice %arg3[%add3A, %add3A_291, %dma_start3A_292, %dma_start3A_293] : memref<32x90x2x112xi32, #tpu.memory_space<hbm>> -> memref<1x1x2x112xi32, #tpu.memory_space<hbm>>
        %dma_start3A_295 = tpu.memref_squeeze %dma_start3A_294 : memref<1x1x2x112xi32, #tpu.memory_space<hbm>> -> memref<2x112xi32, #tpu.memory_space<hbm>>
        %dma_start3A_296 = arith.constant 0 : i32
        %dma_start3A_297 = arith.constant 0 : i32
        %dma_start3A_298 = tpu.memref_slice %arg3[%add3A, %add3A_291, %dma_start3A_296, %dma_start3A_297] : memref<32x90x2x112xi32, #tpu.memory_space<hbm>> -> memref<1x1x2x112xi32, #tpu.memory_space<hbm>>
        %dma_start3A_299 = tpu.memref_squeeze %dma_start3A_298 : memref<1x1x2x112xi32, #tpu.memory_space<hbm>> -> memref<2x112xi32, #tpu.memory_space<hbm>>
        tpu.enqueue_dma source(%dma_start3A_299 : memref<2x112xi32, #tpu.memory_space<hbm>>) target(%arg9 : memref<2x112xi32, #tpu.memory_space<vmem>>) target_semaphore(%arg19 : memref<!tpu.dma_semaphore, #tpu.memory_space<semaphore_mem>>)
      } else {
      }
      %dma_wait3A_256 = arith.constant 0 : i32
      %dma_wait3A_257 = arith.constant 0 : i32
      %dma_wait3A_258 = tpu.memref_slice %arg10[%dma_wait3A_256, %dma_wait3A_257] : memref<2x112xi32, #tpu.memory_space<vmem>> -> memref<1x112xi32, #tpu.memory_space<vmem>>
      %dma_wait3A_259 = tpu.memref_squeeze %dma_wait3A_258 : memref<1x112xi32, #tpu.memory_space<vmem>> -> memref<112xi32, #tpu.memory_space<vmem>>
      %dma_wait3A_260 = arith.constant 0 : i32
      %dma_wait3A_261 = arith.constant 0 : i32
      %dma_wait3A_262 = tpu.memref_slice %arg2[%dma_wait3A_260, %dma_wait3A_261] : memref<10008x128xf32, #tpu.memory_space<hbm>> -> memref<10008x128xf32, #tpu.memory_space<hbm>>
      tpu.wait_indirect_dma semaphore(%arg23 : memref<!tpu.dma_semaphore, #tpu.memory_space<semaphore_mem>>) src(%dma_wait3A_262 : memref<10008x128xf32, #tpu.memory_space<hbm>>) dst(%arg13 : memref<112x128xf32, #tpu.memory_space<vmem>>)
      %run_scoped3A_263 = arith.constant 1 : i32
      "tpu.region"() ({
        %run_scoped3A_286 = tpu.sem_alloc : memref<!tpu.dma_semaphore, #tpu.memory_space<semaphore_mem>>
        %dma_start3A_287 = arith.constant 0 : i32
        %dma_start3A_288 = tpu.memref_slice %arg10[%run_scoped3A_263, %dma_start3A_287] : memref<2x112xi32, #tpu.memory_space<vmem>> -> memref<1x112xi32, #tpu.memory_space<vmem>>
        %dma_start3A_289 = tpu.memref_squeeze %dma_start3A_288 : memref<1x112xi32, #tpu.memory_space<vmem>> -> memref<112xi32, #tpu.memory_space<vmem>>
        %dma_start3A_290 = arith.constant 0 : i32
        %dma_start3A_291 = arith.constant 0 : i32
        %dma_start3A_292 = tpu.memref_slice %arg15[%dma_start3A_290, %dma_start3A_291] : memref<10240x128xf32, #tpu.memory_space<vmem_shared>> -> memref<10240x128xf32, #tpu.memory_space<vmem_shared>>
        tpu.enqueue_indirect_dma source(%arg13 : memref<112x128xf32, #tpu.memory_space<vmem>>) target(%dma_start3A_292 : memref<10240x128xf32, #tpu.memory_space<vmem_shared>>) offsets(%dma_start3A_289 : memref<112xi32, #tpu.memory_space<vmem>>) semaphore(%run_scoped3A_286 : memref<!tpu.dma_semaphore, #tpu.memory_space<semaphore_mem>>) {add = true}
        %dma_wait3A_293 = arith.constant 0 : i32
        %dma_wait3A_294 = tpu.memref_slice %arg10[%run_scoped3A_263, %dma_wait3A_293] : memref<2x112xi32, #tpu.memory_space<vmem>> -> memref<1x112xi32, #tpu.memory_space<vmem>>
        %dma_wait3A_295 = tpu.memref_squeeze %dma_wait3A_294 : memref<1x112xi32, #tpu.memory_space<vmem>> -> memref<112xi32, #tpu.memory_space<vmem>>
        %dma_wait3A_296 = arith.constant 0 : i32
        %dma_wait3A_297 = arith.constant 0 : i32
        %dma_wait3A_298 = tpu.memref_slice %arg15[%dma_wait3A_296, %dma_wait3A_297] : memref<10240x128xf32, #tpu.memory_space<vmem_shared>> -> memref<10240x128xf32, #tpu.memory_space<vmem_shared>>
        tpu.wait_indirect_dma semaphore(%run_scoped3A_286 : memref<!tpu.dma_semaphore, #tpu.memory_space<semaphore_mem>>) src(%arg13 : memref<112x128xf32, #tpu.memory_space<vmem>>) dst(%dma_wait3A_298 : memref<10240x128xf32, #tpu.memory_space<vmem_shared>>)
        tpu.yield
      }) : () -> ()
      %add3A_264 = arith.constant 1 : i32
      %add3A_265 = arith.addi %scan3A_86, %add3A_264 : i32
      %lt3A_266 = arith.constant 15 : i32
      %lt3A_267 = arith.cmpi slt, %add3A_265, %lt3A_266 : i32
      %convert_element_type3A_268 = arith.extui %lt3A_267 : i1 to i32
      %cond3A_269 = arith.constant 0 : i32
      %cond3A_270 = arith.cmpi ne, %convert_element_type3A_268, %cond3A_269 : i32
      scf.if %cond3A_270 {
        %add3A_286 = arith.constant 1 : i32
        %add3A_287 = arith.addi %scan3A_86, %add3A_286 : i32
        %mul3A_288 = arith.constant 6 : i32
        %mul3A_289 = arith.muli %add3A_287, %mul3A_288 : i32
        %add3A_290 = arith.constant 4 : i32
        %add3A_291 = arith.addi %mul3A_289, %add3A_290 : i32
        %dma_start3A_292 = arith.constant 0 : i32
        %dma_start3A_293 = arith.constant 0 : i32
        %dma_start3A_294 = tpu.memref_slice %arg3[%add3A, %add3A_291, %dma_start3A_292, %dma_start3A_293] : memref<32x90x2x112xi32, #tpu.memory_space<hbm>> -> memref<1x1x2x112xi32, #tpu.memory_space<hbm>>
        %dma_start3A_295 = tpu.memref_squeeze %dma_start3A_294 : memref<1x1x2x112xi32, #tpu.memory_space<hbm>> -> memref<2x112xi32, #tpu.memory_space<hbm>>
        %dma_start3A_296 = arith.constant 0 : i32
        %dma_start3A_297 = arith.constant 0 : i32
        %dma_start3A_298 = tpu.memref_slice %arg3[%add3A, %add3A_291, %dma_start3A_296, %dma_start3A_297] : memref<32x90x2x112xi32, #tpu.memory_space<hbm>> -> memref<1x1x2x112xi32, #tpu.memory_space<hbm>>
        %dma_start3A_299 = tpu.memref_squeeze %dma_start3A_298 : memref<1x1x2x112xi32, #tpu.memory_space<hbm>> -> memref<2x112xi32, #tpu.memory_space<hbm>>
        tpu.enqueue_dma source(%dma_start3A_299 : memref<2x112xi32, #tpu.memory_space<hbm>>) target(%arg10 : memref<2x112xi32, #tpu.memory_space<vmem>>) target_semaphore(%arg20 : memref<!tpu.dma_semaphore, #tpu.memory_space<semaphore_mem>>)
      } else {
      }
      %dma_wait3A_271 = arith.constant 0 : i32
      %dma_wait3A_272 = arith.constant 0 : i32
      %dma_wait3A_273 = tpu.memref_slice %arg11[%dma_wait3A_271, %dma_wait3A_272] : memref<2x112xi32, #tpu.memory_space<vmem>> -> memref<1x112xi32, #tpu.memory_space<vmem>>
      %dma_wait3A_274 = tpu.memref_squeeze %dma_wait3A_273 : memref<1x112xi32, #tpu.memory_space<vmem>> -> memref<112xi32, #tpu.memory_space<vmem>>
      %dma_wait3A_275 = arith.constant 0 : i32
      %dma_wait3A_276 = arith.constant 0 : i32
      %dma_wait3A_277 = tpu.memref_slice %arg2[%dma_wait3A_275, %dma_wait3A_276] : memref<10008x128xf32, #tpu.memory_space<hbm>> -> memref<10008x128xf32, #tpu.memory_space<hbm>>
      tpu.wait_indirect_dma semaphore(%arg24 : memref<!tpu.dma_semaphore, #tpu.memory_space<semaphore_mem>>) src(%dma_wait3A_277 : memref<10008x128xf32, #tpu.memory_space<hbm>>) dst(%arg14 : memref<112x128xf32, #tpu.memory_space<vmem>>)
      %run_scoped3A_278 = arith.constant 1 : i32
      "tpu.region"() ({
        %run_scoped3A_286 = tpu.sem_alloc : memref<!tpu.dma_semaphore, #tpu.memory_space<semaphore_mem>>
        %dma_start3A_287 = arith.constant 0 : i32
        %dma_start3A_288 = tpu.memref_slice %arg11[%run_scoped3A_278, %dma_start3A_287] : memref<2x112xi32, #tpu.memory_space<vmem>> -> memref<1x112xi32, #tpu.memory_space<vmem>>
        %dma_start3A_289 = tpu.memref_squeeze %dma_start3A_288 : memref<1x112xi32, #tpu.memory_space<vmem>> -> memref<112xi32, #tpu.memory_space<vmem>>
        %dma_start3A_290 = arith.constant 0 : i32
        %dma_start3A_291 = arith.constant 0 : i32
        %dma_start3A_292 = tpu.memref_slice %arg15[%dma_start3A_290, %dma_start3A_291] : memref<10240x128xf32, #tpu.memory_space<vmem_shared>> -> memref<10240x128xf32, #tpu.memory_space<vmem_shared>>
        tpu.enqueue_indirect_dma source(%arg14 : memref<112x128xf32, #tpu.memory_space<vmem>>) target(%dma_start3A_292 : memref<10240x128xf32, #tpu.memory_space<vmem_shared>>) offsets(%dma_start3A_289 : memref<112xi32, #tpu.memory_space<vmem>>) semaphore(%run_scoped3A_286 : memref<!tpu.dma_semaphore, #tpu.memory_space<semaphore_mem>>) {add = true}
        %dma_wait3A_293 = arith.constant 0 : i32
        %dma_wait3A_294 = tpu.memref_slice %arg11[%run_scoped3A_278, %dma_wait3A_293] : memref<2x112xi32, #tpu.memory_space<vmem>> -> memref<1x112xi32, #tpu.memory_space<vmem>>
        %dma_wait3A_295 = tpu.memref_squeeze %dma_wait3A_294 : memref<1x112xi32, #tpu.memory_space<vmem>> -> memref<112xi32, #tpu.memory_space<vmem>>
        %dma_wait3A_296 = arith.constant 0 : i32
        %dma_wait3A_297 = arith.constant 0 : i32
        %dma_wait3A_298 = tpu.memref_slice %arg15[%dma_wait3A_296, %dma_wait3A_297] : memref<10240x128xf32, #tpu.memory_space<vmem_shared>> -> memref<10240x128xf32, #tpu.memory_space<vmem_shared>>
        tpu.wait_indirect_dma semaphore(%run_scoped3A_286 : memref<!tpu.dma_semaphore, #tpu.memory_space<semaphore_mem>>) src(%arg14 : memref<112x128xf32, #tpu.memory_space<vmem>>) dst(%dma_wait3A_298 : memref<10240x128xf32, #tpu.memory_space<vmem_shared>>)
        tpu.yield
      }) : () -> ()
      %add3A_279 = arith.constant 1 : i32
      %add3A_280 = arith.addi %scan3A_86, %add3A_279 : i32
      %lt3A_281 = arith.constant 15 : i32
      %lt3A_282 = arith.cmpi slt, %add3A_280, %lt3A_281 : i32
      %convert_element_type3A_283 = arith.extui %lt3A_282 : i1 to i32
      %cond3A_284 = arith.constant 0 : i32
      %cond3A_285 = arith.cmpi ne, %convert_element_type3A_283, %cond3A_284 : i32
      scf.if %cond3A_285 {
        %add3A_286 = arith.constant 1 : i32
        %add3A_287 = arith.addi %scan3A_86, %add3A_286 : i32
        %mul3A_288 = arith.constant 6 : i32
        %mul3A_289 = arith.muli %add3A_287, %mul3A_288 : i32
        %add3A_290 = arith.constant 5 : i32
        %add3A_291 = arith.addi %mul3A_289, %add3A_290 : i32
        %dma_start3A_292 = arith.constant 0 : i32
        %dma_start3A_293 = arith.constant 0 : i32
        %dma_start3A_294 = tpu.memref_slice %arg3[%add3A, %add3A_291, %dma_start3A_292, %dma_start3A_293] : memref<32x90x2x112xi32, #tpu.memory_space<hbm>> -> memref<1x1x2x112xi32, #tpu.memory_space<hbm>>
        %dma_start3A_295 = tpu.memref_squeeze %dma_start3A_294 : memref<1x1x2x112xi32, #tpu.memory_space<hbm>> -> memref<2x112xi32, #tpu.memory_space<hbm>>
        %dma_start3A_296 = arith.constant 0 : i32
        %dma_start3A_297 = arith.constant 0 : i32
        %dma_start3A_298 = tpu.memref_slice %arg3[%add3A, %add3A_291, %dma_start3A_296, %dma_start3A_297] : memref<32x90x2x112xi32, #tpu.memory_space<hbm>> -> memref<1x1x2x112xi32, #tpu.memory_space<hbm>>
        %dma_start3A_299 = tpu.memref_squeeze %dma_start3A_298 : memref<1x1x2x112xi32, #tpu.memory_space<hbm>> -> memref<2x112xi32, #tpu.memory_space<hbm>>
        tpu.enqueue_dma source(%dma_start3A_299 : memref<2x112xi32, #tpu.memory_space<hbm>>) target(%arg11 : memref<2x112xi32, #tpu.memory_space<vmem>>) target_semaphore(%arg21 : memref<!tpu.dma_semaphore, #tpu.memory_space<semaphore_mem>>)
      } else {
      }
    }
    %scan3A_82 = arith.constant 15 : i32
    %barrier3A_83 = arith.constant 0 : index
    tpu.barrier barrier_id(%barrier3A_83)
    %mul3A_84 = arith.constant 640 : i32
    %mul3A_85 = arith.muli %arg1, %mul3A_84 : i32
    "tpu.region"() ({
      %run_scoped3A = tpu.sem_alloc : memref<!tpu.dma_semaphore, #tpu.memory_space<semaphore_mem>>
      %dma_start3A_86 = arith.constant 0 : i32
      %dma_start3A_87 = tpu.memref_slice %arg5[%arg0, %mul3A_85, %dma_start3A_86] : memref<2x10240x128xf32, #tpu.memory_space<hbm>> -> memref<1x640x128xf32, #tpu.memory_space<hbm>>
      %dma_start3A_88 = tpu.memref_squeeze %dma_start3A_87 : memref<1x640x128xf32, #tpu.memory_space<hbm>> -> memref<640x128xf32, #tpu.memory_space<hbm>>
      %dma_start3A_89 = arith.constant 0 : i32
      %dma_start3A_90 = tpu.memref_slice %arg15[%mul3A_85, %dma_start3A_89] : memref<10240x128xf32, #tpu.memory_space<vmem_shared>> -> memref<640x128xf32, #tpu.memory_space<vmem_shared>>
      tpu.enqueue_dma source(%dma_start3A_90 : memref<640x128xf32, #tpu.memory_space<vmem_shared>>) target(%dma_start3A_88 : memref<640x128xf32, #tpu.memory_space<hbm>>) target_semaphore(%run_scoped3A : memref<!tpu.dma_semaphore, #tpu.memory_space<semaphore_mem>>)
      %dma_wait3A = arith.constant 0 : i32
      %dma_wait3A_91 = tpu.memref_slice %arg5[%arg0, %mul3A_85, %dma_wait3A] : memref<2x10240x128xf32, #tpu.memory_space<hbm>> -> memref<1x640x128xf32, #tpu.memory_space<hbm>>
      %dma_wait3A_92 = tpu.memref_squeeze %dma_wait3A_91 : memref<1x640x128xf32, #tpu.memory_space<hbm>> -> memref<640x128xf32, #tpu.memory_space<hbm>>
      %dma_wait3A_93 = arith.constant 0 : i32
      %dma_wait3A_94 = tpu.memref_slice %arg15[%mul3A_85, %dma_wait3A_93] : memref<10240x128xf32, #tpu.memory_space<vmem_shared>> -> memref<640x128xf32, #tpu.memory_space<vmem_shared>>
      tpu.wait_dma2 semaphore(%run_scoped3A : memref<!tpu.dma_semaphore, #tpu.memory_space<semaphore_mem>>) src(%dma_wait3A_94 : memref<640x128xf32, #tpu.memory_space<vmem_shared>>) dst(%dma_wait3A_92 : memref<640x128xf32, #tpu.memory_space<hbm>>)
      tpu.yield
    }) : () -> ()
    return
  }
}

module attributes {stable_mosaic.version = 14 : i64} {
  func.func @_tcA_body(%arg0: memref<32x10000xf32, #tpu.memory_space<vmem>>, %arg1: memref<10000x128xf32, #tpu.memory_space<vmem>>, %arg2: memref<10008x128xf32, #tpu.memory_space<vmem>>, %arg3: memref<10000x1xf32, #tpu.memory_space<vmem>>) attributes {dimension_semantics = [], scalar_prefetch = 0 : i64, scratch_operands = 0 : i64, tpu.core_type = #tpu.core_type<tc>} {
    %get3A = arith.constant 0 : index
    %get3A_0 = arith.constant 0 : index
    %get3A_1 = vector.load %arg0[%get3A, %get3A_0] : memref<32x10000xf32, #tpu.memory_space<vmem>>, vector<32x10000xf32>
    %reduce_sum3A = arith.constant dense<0.000000e+00> : vector<10000xf32>
    %reduce_sum3A_2 = vector.multi_reduction <add>, %get3A_1, %reduce_sum3A [0] : vector<32x10000xf32> to vector<10000xf32>
    %gt3A = arith.constant 0.000000e+00 : f32
    %gt3A_3 = vector.broadcast %gt3A : f32 to vector<10000xf32>
    %gt3A_4 = arith.cmpf ogt, %reduce_sum3A_2, %gt3A_3 : vector<10000xf32>
    %max3A = arith.constant 1.000000e+00 : f32
    %max3A_5 = vector.broadcast %max3A : f32 to vector<10000xf32>
    %max3A_6 = arith.maximumf %reduce_sum3A_2, %max3A_5 : vector<10000xf32>
    %rsqrt3A = math.rsqrt %max3A_6 : vector<10000xf32>
    %jit3A = arith.constant 0.000000e+00 : f32
    %broadcast_in_dim3A = vector.broadcast %jit3A : f32 to vector<10000xf32>
    %select_n3A = arith.select %gt3A_4, %rsqrt3A, %broadcast_in_dim3A : vector<10000xi1>, vector<10000xf32>
    %broadcast_in_dim3A_7 = vector.shape_cast %select_n3A : vector<10000xf32> to vector<10000x1xf32>
    %swap3A = arith.constant 0 : index
    %swap3A_8 = arith.constant 0 : index
    %swap3A_9 = vector.load %arg3[%swap3A, %swap3A_8] : memref<10000x1xf32, #tpu.memory_space<vmem>>, vector<10000x1xf32>
    tpu.vector_store %arg3[%swap3A, %swap3A_8], %broadcast_in_dim3A_7 {strides = array<i32>} : memref<10000x1xf32, #tpu.memory_space<vmem>>, vector<10000x1xf32>,
    %get3A_10 = arith.constant 0 : index
    %get3A_11 = arith.constant 0 : index
    %get3A_12 = vector.load %arg1[%get3A_10, %get3A_11] : memref<10000x128xf32, #tpu.memory_space<vmem>>, vector<10000x128xf32>
    %mul3A = vector.broadcast %broadcast_in_dim3A_7 : vector<10000x1xf32> to vector<10000x128xf32>
    %mul3A_13 = arith.mulf %get3A_12, %mul3A : vector<10000x128xf32>
    %swap3A_14 = arith.constant 0 : index
    %swap3A_15 = arith.constant 0 : index
    %swap3A_16 = vector.load %arg2[%swap3A_14, %swap3A_15] : memref<10008x128xf32, #tpu.memory_space<vmem>>, vector<10000x128xf32>
    tpu.vector_store %arg2[%swap3A_14, %swap3A_15], %mul3A_13 {strides = array<i32>} : memref<10008x128xf32, #tpu.memory_space<vmem>>, vector<10000x128xf32>,
    %broadcast_in_dim3A_17 = arith.constant 0.000000e+00 : f32
    %broadcast_in_dim3A_18 = vector.broadcast %broadcast_in_dim3A_17 : f32 to vector<8x128xf32>
    %swap3A_19 = arith.constant 10000 : index
    %swap3A_20 = arith.constant 0 : index
    %swap3A_21 = vector.load %arg2[%swap3A_19, %swap3A_20] : memref<10008x128xf32, #tpu.memory_space<vmem>>, vector<8x128xf32>
    tpu.vector_store %arg2[%swap3A_19, %swap3A_20], %broadcast_in_dim3A_18 {strides = array<i32>} : memref<10008x128xf32, #tpu.memory_space<vmem>>, vector<8x128xf32>,
    return
  }
}

module attributes {stable_mosaic.version = 14 : i64} {
  func.func @_tcB_body(%arg0: memref<2x10240x128xf32, #tpu.memory_space<vmem>>, %arg1: memref<10000x1xf32, #tpu.memory_space<vmem>>, %arg2: memref<10000x128xf32, #tpu.memory_space<vmem>>, %arg3: memref<3x128x128xf32, #tpu.memory_space<vmem>>, %arg4: memref<1x128xf32, #tpu.memory_space<vmem>>, %arg5: memref<10008x128xf32, #tpu.memory_space<vmem>>, %arg6: memref<10000x128xf32, #tpu.memory_space<vmem>>) attributes {dimension_semantics = [], scalar_prefetch = 0 : i64, scratch_operands = 0 : i64, tpu.core_type = #tpu.core_type<tc>} {
    %get3A = arith.constant 0 : index
    %get3A_0 = arith.constant 0 : index
    %get3A_1 = arith.constant 0 : index
    %get3A_2 = vector.load %arg0[%get3A, %get3A_0, %get3A_1] : memref<2x10240x128xf32, #tpu.memory_space<vmem>>, vector<1x10000x128xf32>
    %get3A_3 = vector.shape_cast %get3A_2 : vector<1x10000x128xf32> to vector<10000x128xf32>
    %get3A_4 = arith.constant 1 : index
    %get3A_5 = arith.constant 0 : index
    %get3A_6 = arith.constant 0 : index
    %get3A_7 = vector.load %arg0[%get3A_4, %get3A_5, %get3A_6] : memref<2x10240x128xf32, #tpu.memory_space<vmem>>, vector<1x10000x128xf32>
    %get3A_8 = vector.shape_cast %get3A_7 : vector<1x10000x128xf32> to vector<10000x128xf32>
    %add3A = arith.addf %get3A_3, %get3A_8 : vector<10000x128xf32>
    %get3A_9 = arith.constant 0 : index
    %get3A_10 = arith.constant 0 : index
    %get3A_11 = vector.load %arg1[%get3A_9, %get3A_10] : memref<10000x1xf32, #tpu.memory_space<vmem>>, vector<10000x1xf32>
    %mul3A = vector.broadcast %get3A_11 : vector<10000x1xf32> to vector<10000x128xf32>
    %mul3A_12 = arith.mulf %mul3A, %add3A : vector<10000x128xf32>
    %neg3A = arith.constant 0.000000e+00 : f32
    %neg3A_13 = vector.broadcast %neg3A : f32 to vector<10000x128xf32>
    %neg3A_14 = arith.subf %neg3A_13, %mul3A_12 : vector<10000x128xf32>
    %mul3A_15 = vector.broadcast %get3A_11 : vector<10000x1xf32> to vector<10000x128xf32>
    %mul3A_16 = arith.mulf %mul3A_15, %neg3A_14 : vector<10000x128xf32>
    %swap3A = arith.constant 0 : index
    %swap3A_17 = arith.constant 0 : index
    %swap3A_18 = vector.load %arg5[%swap3A, %swap3A_17] : memref<10008x128xf32, #tpu.memory_space<vmem>>, vector<10000x128xf32>
    tpu.vector_store %arg5[%swap3A, %swap3A_17], %mul3A_16 {strides = array<i32>} : memref<10008x128xf32, #tpu.memory_space<vmem>>, vector<10000x128xf32>,
    %broadcast_in_dim3A = arith.constant 0.000000e+00 : f32
    %broadcast_in_dim3A_19 = vector.broadcast %broadcast_in_dim3A : f32 to vector<8x128xf32>
    %swap3A_20 = arith.constant 10000 : index
    %swap3A_21 = arith.constant 0 : index
    %swap3A_22 = vector.load %arg5[%swap3A_20, %swap3A_21] : memref<10008x128xf32, #tpu.memory_space<vmem>>, vector<8x128xf32>
    tpu.vector_store %arg5[%swap3A_20, %swap3A_21], %broadcast_in_dim3A_19 {strides = array<i32>} : memref<10008x128xf32, #tpu.memory_space<vmem>>, vector<8x128xf32>,
    %get3A_23 = arith.constant 0 : index
    %get3A_24 = arith.constant 0 : index
    %get3A_25 = vector.load %arg2[%get3A_23, %get3A_24] : memref<10000x128xf32, #tpu.memory_space<vmem>>, vector<10000x128xf32>
    %get3A_26 = arith.constant 0 : index
    %get3A_27 = arith.constant 0 : index
    %get3A_28 = arith.constant 0 : index
    %get3A_29 = vector.load %arg3[%get3A_26, %get3A_27, %get3A_28] : memref<3x128x128xf32, #tpu.memory_space<vmem>>, vector<1x128x128xf32>
    %get3A_30 = vector.shape_cast %get3A_29 : vector<1x128x128xf32> to vector<128x128xf32>
    %dot_general3A = arith.constant dense<0.000000e+00> : vector<10000x128xf32>
    %dot_general3A_31 = tpu.matmul %get3A_25, %get3A_30, %dot_general3A {dimension_numbers = #tpu.dot_dimension_numbers<[1], [0], [0], [1], [0, 0, 1, 1], [], []>, transpose_lhs_hint = false} : vector<10000x128xf32>, vector<128x128xf32>, vector<10000x128xf32> -> vector<10000x128xf32>
    %get3A_32 = arith.constant 1 : index
    %get3A_33 = arith.constant 0 : index
    %get3A_34 = arith.constant 0 : index
    %get3A_35 = vector.load %arg3[%get3A_32, %get3A_33, %get3A_34] : memref<3x128x128xf32, #tpu.memory_space<vmem>>, vector<1x128x128xf32>
    %get3A_36 = vector.shape_cast %get3A_35 : vector<1x128x128xf32> to vector<128x128xf32>
    %dot_general3A_37 = arith.constant dense<0.000000e+00> : vector<10000x128xf32>
    %dot_general3A_38 = tpu.matmul %neg3A_14, %get3A_36, %dot_general3A_37 {dimension_numbers = #tpu.dot_dimension_numbers<[1], [0], [0], [1], [0, 0, 1, 1], [], []>, transpose_lhs_hint = false} : vector<10000x128xf32>, vector<128x128xf32>, vector<10000x128xf32> -> vector<10000x128xf32>
    %add3A_39 = arith.addf %dot_general3A_31, %dot_general3A_38 : vector<10000x128xf32>
    %get3A_40 = arith.constant 0 : index
    %get3A_41 = arith.constant 0 : index
    %get3A_42 = vector.load %arg4[%get3A_40, %get3A_41] : memref<1x128xf32, #tpu.memory_space<vmem>>, vector<1x128xf32>
    %add3A_43 = vector.broadcast %get3A_42 : vector<1x128xf32> to vector<10000x128xf32>
    %add3A_44 = arith.addf %add3A_39, %add3A_43 : vector<10000x128xf32>
    %swap3A_45 = arith.constant 0 : index
    %swap3A_46 = arith.constant 0 : index
    %swap3A_47 = vector.load %arg6[%swap3A_45, %swap3A_46] : memref<10000x128xf32, #tpu.memory_space<vmem>>, vector<10000x128xf32>
    tpu.vector_store %arg6[%swap3A_45, %swap3A_46], %add3A_44 {strides = array<i32>} : memref<10000x128xf32, #tpu.memory_space<vmem>>, vector<10000x128xf32>,
    return
  }
}

module attributes {stable_mosaic.version = 14 : i64} {
  func.func @_tcC2_body(%arg0: memref<10000x128xf32, #tpu.memory_space<vmem>>, %arg1: memref<10000x128xf32, #tpu.memory_space<vmem>>, %arg2: memref<2x10240x128xf32, #tpu.memory_space<vmem>>, %arg3: memref<10000x1xf32, #tpu.memory_space<vmem>>, %arg4: memref<3x128x128xf32, #tpu.memory_space<vmem>>, %arg5: memref<1x128xf32, #tpu.memory_space<vmem>>, %arg6: memref<1x128xf32, #tpu.memory_space<vmem>>, %arg7: memref<10000x128xf32, #tpu.memory_space<vmem>>) attributes {dimension_semantics = [], scalar_prefetch = 0 : i64, scratch_operands = 0 : i64, tpu.core_type = #tpu.core_type<tc>} {
    %get3A = arith.constant 0 : index
    %get3A_0 = arith.constant 0 : index
    %get3A_1 = vector.load %arg0[%get3A, %get3A_0] : memref<10000x128xf32, #tpu.memory_space<vmem>>, vector<10000x128xf32>
    %get3A_2 = arith.constant 0 : index
    %get3A_3 = arith.constant 0 : index
    %get3A_4 = vector.load %arg3[%get3A_2, %get3A_3] : memref<10000x1xf32, #tpu.memory_space<vmem>>, vector<10000x1xf32>
    %get3A_5 = arith.constant 0 : index
    %get3A_6 = arith.constant 0 : index
    %get3A_7 = arith.constant 0 : index
    %get3A_8 = vector.load %arg2[%get3A_5, %get3A_6, %get3A_7] : memref<2x10240x128xf32, #tpu.memory_space<vmem>>, vector<1x10000x128xf32>
    %get3A_9 = vector.shape_cast %get3A_8 : vector<1x10000x128xf32> to vector<10000x128xf32>
    %get3A_10 = arith.constant 1 : index
    %get3A_11 = arith.constant 0 : index
    %get3A_12 = arith.constant 0 : index
    %get3A_13 = vector.load %arg2[%get3A_10, %get3A_11, %get3A_12] : memref<2x10240x128xf32, #tpu.memory_space<vmem>>, vector<1x10000x128xf32>
    %get3A_14 = vector.shape_cast %get3A_13 : vector<1x10000x128xf32> to vector<10000x128xf32>
    %add3A = arith.addf %get3A_9, %get3A_14 : vector<10000x128xf32>
    %mul3A = vector.broadcast %get3A_4 : vector<10000x1xf32> to vector<10000x128xf32>
    %mul3A_15 = arith.mulf %mul3A, %add3A : vector<10000x128xf32>
    %mul3A_16 = arith.constant -2.000000e+00 : f32
    %mul3A_17 = vector.broadcast %mul3A_16 : f32 to vector<10000x128xf32>
    %mul3A_18 = arith.mulf %mul3A_17, %mul3A_15 : vector<10000x128xf32>
    %sub3A = arith.subf %mul3A_18, %get3A_1 : vector<10000x128xf32>
    %get3A_19 = arith.constant 0 : index
    %get3A_20 = arith.constant 0 : index
    %get3A_21 = vector.load %arg1[%get3A_19, %get3A_20] : memref<10000x128xf32, #tpu.memory_space<vmem>>, vector<10000x128xf32>
    %get3A_22 = arith.constant 2 : index
    %get3A_23 = arith.constant 0 : index
    %get3A_24 = arith.constant 0 : index
    %get3A_25 = vector.load %arg4[%get3A_22, %get3A_23, %get3A_24] : memref<3x128x128xf32, #tpu.memory_space<vmem>>, vector<1x128x128xf32>
    %get3A_26 = vector.shape_cast %get3A_25 : vector<1x128x128xf32> to vector<128x128xf32>
    %dot_general3A = arith.constant dense<0.000000e+00> : vector<10000x128xf32>
    %dot_general3A_27 = tpu.matmul %sub3A, %get3A_26, %dot_general3A {dimension_numbers = #tpu.dot_dimension_numbers<[1], [0], [0], [1], [0, 0, 1, 1], [], []>, transpose_lhs_hint = false} : vector<10000x128xf32>, vector<128x128xf32>, vector<10000x128xf32> -> vector<10000x128xf32>
    %add3A_28 = arith.addf %get3A_21, %dot_general3A_27 : vector<10000x128xf32>
    %reduce_sum3A = arith.constant dense<0.000000e+00> : vector<128xf32>
    %reduce_sum3A_29 = vector.multi_reduction <add>, %add3A_28, %reduce_sum3A [0] : vector<10000x128xf32> to vector<128xf32>
    %broadcast_in_dim3A = vector.shape_cast %reduce_sum3A_29 : vector<128xf32> to vector<1x128xf32>
    %div3A = arith.constant 1.000000e+04 : f32
    %div3A_30 = vector.broadcast %div3A : f32 to vector<1x128xf32>
    %div3A_31 = arith.divf %broadcast_in_dim3A, %div3A_30 : vector<1x128xf32>
    %sub3A_32 = vector.broadcast %div3A_31 : vector<1x128xf32> to vector<10000x128xf32>
    %sub3A_33 = arith.subf %add3A_28, %sub3A_32 : vector<10000x128xf32>
    %integer_pow3A = arith.mulf %sub3A_33, %sub3A_33 : vector<10000x128xf32>
    %reduce_sum3A_34 = arith.constant dense<0.000000e+00> : vector<128xf32>
    %reduce_sum3A_35 = vector.multi_reduction <add>, %integer_pow3A, %reduce_sum3A_34 [0] : vector<10000x128xf32> to vector<128xf32>
    %broadcast_in_dim3A_36 = vector.shape_cast %reduce_sum3A_35 : vector<128xf32> to vector<1x128xf32>
    %div3A_37 = arith.constant 1.000000e+04 : f32
    %div3A_38 = vector.broadcast %div3A_37 : f32 to vector<1x128xf32>
    %div3A_39 = arith.divf %broadcast_in_dim3A_36, %div3A_38 : vector<1x128xf32>
    %sub3A_40 = vector.broadcast %div3A_31 : vector<1x128xf32> to vector<10000x128xf32>
    %sub3A_41 = arith.subf %add3A_28, %sub3A_40 : vector<10000x128xf32>
    %add3A_42 = arith.constant 9.99999974E-6 : f32
    %add3A_43 = vector.broadcast %add3A_42 : f32 to vector<1x128xf32>
    %add3A_44 = arith.addf %div3A_39, %add3A_43 : vector<1x128xf32>
    %rsqrt3A = math.rsqrt %add3A_44 : vector<1x128xf32>
    %mul3A_45 = vector.broadcast %rsqrt3A : vector<1x128xf32> to vector<10000x128xf32>
    %mul3A_46 = arith.mulf %sub3A_41, %mul3A_45 : vector<10000x128xf32>
    %get3A_47 = arith.constant 0 : index
    %get3A_48 = arith.constant 0 : index
    %get3A_49 = vector.load %arg5[%get3A_47, %get3A_48] : memref<1x128xf32, #tpu.memory_space<vmem>>, vector<1x128xf32>
    %mul3A_50 = vector.broadcast %get3A_49 : vector<1x128xf32> to vector<10000x128xf32>
    %mul3A_51 = arith.mulf %mul3A_46, %mul3A_50 : vector<10000x128xf32>
    %get3A_52 = arith.constant 0 : index
    %get3A_53 = arith.constant 0 : index
    %get3A_54 = vector.load %arg6[%get3A_52, %get3A_53] : memref<1x128xf32, #tpu.memory_space<vmem>>, vector<1x128xf32>
    %add3A_55 = vector.broadcast %get3A_54 : vector<1x128xf32> to vector<10000x128xf32>
    %add3A_56 = arith.addf %mul3A_51, %add3A_55 : vector<10000x128xf32>
    %swap3A = arith.constant 0 : index
    %swap3A_57 = arith.constant 0 : index
    %swap3A_58 = vector.load %arg7[%swap3A, %swap3A_57] : memref<10000x128xf32, #tpu.memory_space<vmem>>, vector<10000x128xf32>
    tpu.vector_store %arg7[%swap3A, %swap3A_57], %add3A_56 {strides = array<i32>} : memref<10000x128xf32, #tpu.memory_space<vmem>>, vector<10000x128xf32>,
    return
  }
}

</mosaic_0001>

<sc_bundles>
// kernel: kernel.11.cloned.1.call-start
scs
__scs_entry_jumppad:
0x0: {  	(pc) =	sbr.rel $0x88, $3  }
0x1: {  	(tag) =	ssettag $0x0;
	lr =	simm.s32 $0x1  }
0x2: {  	[smem:$0x3F9B] =	sst lr;
	_ =	strace $0xD0000000  }
0x3: {  	_ = 	snop  }
0x4: {  	_ = 	snop  }
0x5: {  	_ = 	snop  }
0x6: {  	_ = 	snop  }
0x7: {  	_ = 	snop  }
__scs_overlays_trampoline_lowered:
0x8: {  	[smem:$0x3FAA] =	sst s0  }
0x9: {  	[smem:$0x3FAB] =	sst s1  }
0xa: {  	[smem:$0x3FAC] =	sst s2  }
0xb: {  	[smem:$0x3FAD] =	sst s3  }
0xc: {  	[smem:$0x3FAE] =	sst s4  }
0xd: {  	[smem:$0x3FAF] =	sst s5  }
0xe: {  	[smem:$0x3FB0] =	sst s6  }
0xf: {  	[smem:$0x3FB1] =	sst s7  }
0x10: {  	[smem:$0x3FB2] =	sst s8  }
0x11: {  	[smem:$0x3FB3] =	sst s9;
	s0 =	simm.s32 @!p0 $0x0  }
0x12: {  	s1 =	sld [smem:$0x3F99];
	s0 =	simm.s32 @p0 $0x1  }
0x13: {  	[smem:$0x3FB4] =	sst s0;
	s0 =	simm.s32 @!p1 $0x0  }
0x14: {  	s2 =	sld [smem:$0x3F98];
	s0 =	simm.s32 @p1 $0x1  }
0x15: {  	[smem:$0x3FB5] =	sst s0;
	s0 =	simm.s32 @!p2 $0x0  }
0x16: {  	s3 =	sld [smem:$0x3FDB];
	s0 =	simm.s32 @p2 $0x1  }
0x17: {  	s4 =	simm.s32 $0x1BF5;
	[smem:$0x3FB7] =	sst s0  }
0x18: {  	s0 =	sld [smem:$0x3F9A];
	_ =	swait.ge [sflag:s4], $0x0  }
0x19: {  	s7 =	sld [smem:$0x3F9B]  }
0x1a: {  	s8 =	sadd.s32 $0xFFFFE003, lr  }
0x1b: {  	s9 =	sadd.s32 $0xFFFFFEF7, lr;
	s5 =	simm.s32 $0xFFFFFFFF;
	p2 =	slt.u32 s8, $0xFFFFF086  }
0x1c: {  	p1 =	slt.u32 s9, $0xF7A;
	s5 =	simm.s32 @!p2 $0x0  }
0x1d: {  	s5 =	simm.s32 @p1 $0x1;
	p0 =	seq.s32 s7, s2  }
0x1e: {  	s7 =	smul.u32 @!p0 $0xF7A, s2;
	p2 =	seq.s32 @!p0 s5, $0x0  }
0x1f: {  	s9 =	smul.u32 $0xF7A, s1;
	s8 =	simm.s32 @!p0 $0x1BF5;
	p2 =	por !p2, p0  }
0x20: {  	[sflag:s8] =	ssyncset.s32 @!p0 $0xFFFFF086;
	s6 =	sadd.s32 @!p0 s3, s7;
	s7 =	simm.s32 @!p0 $0x108  }
0x21: {  	s3 =	sadd.s32 s3, s9;
	s6 =	sadd.s32 @!p0 $0x88, s6;
	s7 =	simm.s32 @p2 $0x1082  }
0x22: {  	[simem:s7], [sflag:s8] =	dma.local @!p0 [hbm:s6], $0xF7A  }
0x23: {  	s9 =	sor.u32 $0xD0000000, s2;
	s6 =	simm.s32 $0x108;
	_ =	swait.ge @!p0 [sflag:s8], $0x0  }
0x24: {  	s3 =	sadd.s32 $0x88, s3;
	s6 =	simm.s32 @!p1 $0x1082;
	[sflag:s4] =	ssyncset.s32 $0xFFFFF086  }
0x25: {  	[simem:s6], [sflag:s4] =	dma.local [hbm:s3], $0xF7A  }
0x26: {  	[smem:$0x3F9B] =	sst s1;
	(tag) =	ssettag s2;
	_ =	strace s9  }
0x27: {  	s1 =	sld [smem:$0x3FAB]  }
0x28: {  	s2 =	sld [smem:$0x3FAC]  }
0x29: {  	s4 =	sld [smem:$0x3FAE]  }
0x2a: {  	p0 =	seq.s32 s5, $0x0;
	s5 =	sld [smem:$0x3FAF]  }
0x2b: {  	s6 =	sld [smem:$0x3FB0]  }
0x2c: {  	s7 =	sld [smem:$0x3FB1]  }
0x2d: {  	s3 =	simm.s32 $0x108;
	s8 =	sld [smem:$0x3FB2]  }
0x2e: {  	s3 =	simm.s32 @!p0 $0x1082;
	s9 =	sld [smem:$0x3FB3]  }
0x2f: {  	lr =	sadd.s32 s0, s3;
	s0 =	sld [smem:$0x3FAA]  }
0x30: {  	s3 =	sld [smem:$0x3FAD]  }
0x31: {  	[smem:$0x3FB6] =	sst s10  }
0x32: {  	s10 =	sld [smem:$0x3FB4];
	_ =	sdelay $0x3  }
0x33: {  	p0 =	seq.s32 s10, $0x1;
	s10 =	sld [smem:$0x3FB6];
	_ =	sdelay $0x3  }
0x34: {  	[smem:$0x3FB6] =	sst s10  }
0x35: {  	s10 =	sld [smem:$0x3FB5];
	_ =	sdelay $0x3  }
0x36: {  	p1 =	seq.s32 s10, $0x1;
	s10 =	sld [smem:$0x3FB6];
	_ =	sdelay $0x3  }
0x37: {  	[smem:$0x3FB6] =	sst s10  }
0x38: {  	s10 =	sld [smem:$0x3FB7]  }
0x39: {  	_ = 	snop;
	(pc) =	sbr.ind lr, $3  }
0x3a: {  	_ = 	snop  }
0x3b: {  	_ = 	snop  }
0x3c: {  	p2 =	seq.s32 s10, $0x1;
	s10 =	sld [smem:$0x3FB6]  }
0x3d: {  	_ =	shalt  }
0x3e: {  	_ =	shalt  }
0x3f: {  	_ =	shalt  }
0x40: {  	_ =	shalt  }
0x41: {  	_ =	shalt  }
0x42: {  	_ =	shalt  }
0x43: {  	_ =	shalt  }
0x44: {  	_ =	shalt  }
0x45: {  	_ =	shalt  }
0x46: {  	_ =	shalt  }
0x47: {  	_ =	shalt  }
0x48: {  	_ =	shalt  }
0x49: {  	_ =	shalt  }
0x4a: {  	_ =	shalt  }
0x4b: {  	_ =	shalt  }
0x4c: {  	_ =	shalt  }
0x4d: {  	_ =	shalt  }
0x4e: {  	_ =	shalt  }
0x4f: {  	_ =	shalt  }
0x50: {  	_ =	shalt  }
0x51: {  	_ =	shalt  }
0x52: {  	_ =	shalt  }
0x53: {  	_ =	shalt  }
0x54: {  	_ =	shalt  }
0x55: {  	_ =	shalt  }
0x56: {  	_ =	shalt  }
0x57: {  	_ =	shalt  }
0x58: {  	_ =	shalt  }
0x59: {  	_ =	shalt  }
0x5a: {  	_ =	shalt  }
0x5b: {  	_ =	shalt  }
0x5c: {  	_ =	shalt  }
0x5d: {  	_ =	shalt  }
0x5e: {  	_ =	shalt  }
0x5f: {  	_ =	shalt  }
0x60: {  	_ =	shalt  }
0x61: {  	_ =	shalt  }
0x62: {  	_ =	shalt  }
0x63: {  	_ =	shalt  }
0x64: {  	_ =	shalt  }
0x65: {  	_ =	shalt  }
0x66: {  	_ =	shalt  }
0x67: {  	_ =	shalt  }
0x68: {  	_ =	shalt  }
0x69: {  	_ =	shalt  }
0x6a: {  	_ =	shalt  }
0x6b: {  	_ =	shalt  }
0x6c: {  	_ =	shalt  }
0x6d: {  	_ =	shalt  }
0x6e: {  	_ =	shalt  }
0x6f: {  	_ =	shalt  }
0x70: {  	_ =	shalt  }
0x71: {  	_ =	shalt  }
0x72: {  	_ =	shalt  }
0x73: {  	_ =	shalt  }
0x74: {  	_ =	shalt  }
0x75: {  	_ =	shalt  }
0x76: {  	_ =	shalt  }
0x77: {  	_ =	shalt  }
0x78: {  	_ =	shalt  }
0x79: {  	_ =	shalt  }
0x7a: {  	_ =	shalt  }
0x7b: {  	_ =	shalt  }
0x7c: {  	_ =	shalt  }
0x7d: {  	_ =	shalt  }
0x7e: {  	_ =	shalt  }
0x7f: {  	_ =	shalt  }
0x80: {  	_ =	shalt  }
0x81: {  	_ =	shalt  }
0x82: {  	_ =	shalt  }
0x83: {  	_ =	shalt  }
0x84: {  	_ =	shalt  }
0x85: {  	_ =	shalt  }
0x86: {  	_ =	shalt  }
0x87: {  	_ =	shalt  }
.Lfunc_end0:
.L_simem_size_0:
called_computation.1_lowered:
.L_overlay_start_0:
0x88: {  	s2 =	sld [smem:$0x3FD9]  }
0x89: {  	s3 =	sld [smem:$0x3FFE];
	_ =	sdelay $0x1  }
0x8a: {  	s1 =	srdreg.scid  }
0x8b: {  	s0 =	sand.u32 $0x1, s1  }
0x8c: {  	s17 =	sshll.u32 s0, $0xA;
	s2 =	sadd.s32 s3, s2  }
0x8d: {  	s2 =	sadd.s32 s2, s17  }
0x8e: {  	[smem:$0x3FC2] =	sst s2  }
0x8f: {  	_ = 	snop  }
0x90: {  	s2 =	sld [smem:$0x3FD0];
	(tm) =	ssettm $0x1  }
0x91: {  	s18 =	sld [smem:$0x3FFB];
	_ =	sdelay $0x3  }
0x92: {  	_ =	strace s18  }
0x93: {  	s3 =	sld [smem:$0x3FFC];
	_ =	sdelay $0x3  }
0x94: {  	_ =	strace s3  }
0x95: {  	s3 =	sld [smem:$0x3FFD];
	_ =	sdelay $0x3  }
0x96: {  	_ =	strace s3  }
0x97: {  	_ =	strace $0x8FFFFFFF  }
0x98: {  	s19 =	sld [smem:$0x3FDB];
	_ =	sdelay $0x1  }
0x99: {  	s4 =	simm.s32 $_scs_section_size  }
0x9a: {  	s5 =	simm.s32 $_size__tile_overlayer_lowered;
	s6 =	simm.s32 $_tile_overlayer_lowered  }
0x9b: {  	s22 =	simm.s32 $0x1BFF;
	s21 =	sshll.u32 s6, $0x1;
	s3 =	sadd.s32 s4, s19  }
0x9c: {  	s7 =	simm.s32 $0x0;
	s20 =	sshll.u32 s5, $0x1;
	s5 =	sadd.s32 s21, s3  }
0x9d: {  	[timem:s7], [sflag:s22] =	dma.local [hbm:s5], s20  }
0x9e: {  	_ =	swait.ge [sflag:s22], s20  }
0x9f: {  	s4 =	ssub.s32 $0x0, s20;
	[sflag:s22] =	ssyncset.done $0x0  }
0xa0: {  	[sflag:s22] =	ssyncadd.s32 s4;
	_ =	sdelay $0x1  }
0xa1: {  	s23 =	simm.s32 $0x1B8B  }
0xa2: {  	_ =	swait.ge [sflag:s23], $0x1  }
0xa3: {  	[sflag:s23] =	ssyncset.done $0x0  }
0xa4: {  	s25 =	simm.s32 $0x1B8E;
	s24 =	sld [smem:$0x3FFE];
	[sflag:s23] =	ssyncadd.s32 $0xFFFFFFFF  }
0xa5: {  	s26 =	simm.s32 $execute0_lowered;
	[smem:$0x3FD2] =	sst s25  }
0xa6: {  	s5 =	sshll.u32 s26, $0x1;
	_ =	strace $0x80000049;
	[dreg:$0x1] =	wrdreg $0xFFFFFFFF  }
0xa7: {  	s28 =	simm.s32 $_size_execute0_lowered;
	s3 =	sadd.s32 s3, s5;
	[dreg:$0x0] =	wrdreg $0x0  }
0xa8: {  	s5 =	sshll.u32 s28, $0x1;
	[dreg:$0x2] =	wrdreg s3  }
0xa9: {  	[dreg:$0x3] =	wrdreg s5  }
0xaa: {  	[dreg:$0x4] =	wrdreg $0xC0  }
0xab: {  	_ =	task [dreg:s7], $0x5FFFF  }
0xac: {  	[dreg:$0x1] =	wrdreg $0xFFFFFFFF  }
0xad: {  	[dreg:$0x0] =	wrdreg $0x60  }
0xae: {  	[dreg:$0x2] =	wrdreg s24  }
0xaf: {  	[dreg:$0x3] =	wrdreg s2  }
0xb0: {  	[dreg:$0x4] =	wrdreg $0xAE000  }
0xb1: {  	[dreg:$0x5] =	wrdreg $0x9  }
0xb2: {  	_ =	task.clear_ibuf [dreg:s7], $0x6FFFF;
	_ =	strace $0x90000049  }
0xb3: {  	s29 =	simm.s32 $0x9;
	_ =	strace $0x8000004B  }
0xb4: {  	_ =	swait.ge [sflag:s29], $0x1  }
0xb5: {  	[sflag:s29] =	ssyncadd.s32 $0xFFFFFFFF  }
0xb6: {  	_ =	strace $0x9000004B  }
0xb7: {  	_ =	sfence  }
0xb8: {  	s30 =	sld [smem:$0x0];
	_ =	sdelay $0x2  }
0xb9: {  	s31 =	sshll.u32 s1, $0xD;
	s1 =	sshrl.u32 s1, $0x2  }
0xba: {  	s3 =	sand.u32 $0x4000, s31;
	s1 =	sadd.s32 s1, s30  }
0xbb: {  	s0 =	sor.u32 s3, s0;
	s1 =	sshll.u32 s1, $0x11  }
0xbc: {  	s0 =	sor.u32 s1, s0  }
0xbd: {  	s0 =	sadd.s32 $0x8F2B, s0  }
0xbe: {  	[sflag:s0] =	ssyncadd.remote.s32 $0x1  }
0xbf: {  	_ =	sfence.sel $0xFFFF  }
0xc0: {  	[dreg:$0x0] =	wrdreg $0xFFFFFFFF;
	(pc) =	sbr.abs _section_cstart, $3  }
0xc1: {  	[dreg:$0x1] =	wrdreg $0xFFFFFFFF  }
0xc2: {  	_ =	task.clear_ibuf [dreg:s7], $0x2FFFF;
	_ =	strace $0x9FFFFFFF  }
0xc3: {  	(tm) =	ssettm $0x7FFFFFFF  }
tec
execute0_lowered:
.L_overlay_start_1:
0x0: {  	(tag) =	ssettag $0x1  }
0x1: {  	s0 =	rddreg [dreg:$0x0]  }
0x2: {  	s31 =	rddreg [dreg:$0x1]  }
0x3: {  	s3 =	rddreg [dreg:$0x2];
	s1 =	srdreg.scid  }
0x4: {  	s8 =	stileid.u32;
	s19 =	simm.s32 $0x0;
	s30 =	simm.s32 $0x100  }
0x5: {  	s29 =	simm.s32 $0x0;
	s1 =	sand.u32 $0x1, s1;
	s6 =	smul.u32 $0x14000, s8  }
0x6: {  	s4 =	sshll.u32 s8, $0x1;
	[smem:$0x7FF] =	sst s19;
	s24 =	smul.u32 $0x50000, s8  }
0x7: {  	s5 =	sadd.s32 $0x2200, s0;
	s7 =	sadd.s32 $0x29400, s0;
	s10 =	smul.u32 $0xB400, s8  }
0x8: {  	s8 =	simm.s32 $0x1;
	s2 =	smul.u32 $0x140000, s1;
	s4 =	sor.u32 s1, s4  }
0x9: {  	_ =	strace $0x8000004A;
	s22 =	ssub.s32 $0x2, s1;
	s1 =	smul.u32 $0x5A00, s1  }
0xa: {  	[dreg:$0x4] =	wrdreg s7;
	s4 =	smul.u32 $0x5A00, s4;
	s23 =	sshrl.u32 s22, $0x1  }
0xb: {  	s2 =	sadd.s32 s6, s2;
	s25 =	ssub.s32 s22, s23;
	s1 =	sadd.s32 s1, s10  }
0xc: {  	s10 =	simm.s32 $0x2;
	s2 =	sshrl.u32 s2, $0x3;
	s4 =	sshrl.u32 s4, $0x3  }
0xd: {  	s18 =	sadd.s32 $0xB00, s1;
	s6 =	sadd.s32 $0xA00, s1;
	s22 =	sadd.s32 $0x900, s1  }
0xe: {  	s23 =	sadd.s32 $0x800, s1;
	s9 =	sadd.s32 s31, s4;
	s0 =	sadd.s32 s2, s0  }
0xf: {  	s4 =	sshrl.u32 s24, $0x2;
	s20 =	sshrl.u32 s18, $0x3;
	s21 =	sshrl.u32 s6, $0x3  }
0x10: {  	s2 =	smax.u32 s25, $0x1;
	s24 =	sadd.s32 $0x700, s1;
	s25 =	sadd.s32 $0x600, s1  }
0x11: {  	s1 =	simm.s32 $0x600;
	s6 =	simm.s32 $0xA;
	[dreg:$0x5] =	wrdreg s9  }
0x12: {  	s18 =	simm.s32 $0x8;
	s26 =	sadd.s32 $0x20, s9;
	[dreg:$0x11] =	wrdreg s2  }
0x13: {  	s7 =	sadd.s32 $0x40, s9;
	s11 =	sadd.s32 $0x60, s9;
	[dreg:$0x12] =	wrdreg s25  }
0x14: {  	s28 =	sadd.s32 s4, s3;
	s12 =	sadd.s32 $0x80, s9;
	[dreg:$0x6] =	wrdreg s26  }
0x15: {  	s13 =	sadd.s32 $0xA0, s9;
	s0 =	sadd.s32 $0x29C00, s0;
	[dreg:$0x7] =	wrdreg s7  }
0x16: {  	s20 =	sadd.s32 s20, s31;
	s21 =	sadd.s32 s21, s31;
	[dreg:$0x8] =	wrdreg s11  }
0x17: {  	s2 =	sshrl.u32 s23, $0x3;
	s4 =	sshrl.u32 s24, $0x3;
	[dreg:$0xa] =	wrdreg s12  }
0x18: {  	s25 =	simm.s32 $0x500;
	s9 =	simm.s32 $0x70;
	[dreg:$0xb] =	wrdreg s13  }
0x19: {  	s14 =	sadd.s32 $0x3800, s28;
	s15 =	sadd.s32 $0x7000, s28;
	s16 =	sadd.s32 $0xA800, s28  }
0x1a: {  	s17 =	sadd.s32 $0xE000, s28;
	[dreg:$0x10] =	wrdreg s0;
	s0 =	sshrl.u32 s22, $0x3  }
0x1b: {  	s23 =	sadd.s32 s2, s31;
	s24 =	sadd.s32 s4, s31;
	[dreg:$0x9] =	wrdreg s28  }
0x1c: {  	s26 =	sadd.s32 $0x11800, s28;
	s2 =	simm.s32 $0x300;
	[dreg:$0xc] =	wrdreg s14  }
0x1d: {  	s4 =	simm.s32 $0x400;
	s12 =	simm.s32 $0x3E00;
	[dreg:$0xd] =	wrdreg s15  }
0x1e: {  	s13 =	simm.s32 $0x3;
	s7 =	simm.s32 $0x5;
	[dreg:$0xe] =	wrdreg s16  }
0x1f: {  	s11 =	simm.s32 $0x6;
	[dreg:$0xf] =	wrdreg s17;
	s22 =	sadd.s32 s0, s31  }
0x20: {  	[dreg:$0x13] =	wrdreg s26;
	s16 =	simm.s32 $0x200;
	s14 =	simm.s32 $0x7600  }
0x21: {  	s15 =	simm.s32 $0x7;
	s17 =	simm.s32 $0x4;
	s26 =	simm.s32 $0x9  }
.LBB2_1:
0x22: {  	[dreg:$0x14] =	wrdreg s29  }
0x23: {  	s0 =	rddreg [dreg:$0x5]  }
0x24: {  	[tilespmem:s19], [sflag:$0x1] =	stream.linear.gather [hbm4b:s0+s19], $0x100, $0x38;
	[tilespmem:$0x1EE00] =	vst v63  }
0x25: {  	s0 =	rddreg [dreg:$0x6]  }
0x26: {  	[tilespmem:s30], [sflag:$0x2] =	stream.linear.gather [hbm4b:s0+s19], $0x100, $0x38;
	[tilespmem:$0x1EE00] =	vst v63  }
0x27: {  	s0 =	rddreg [dreg:$0x7]  }
0x28: {  	[tilespmem:s16], [sflag:$0x3] =	stream.linear.gather [hbm4b:s0+s19], $0x100, $0x38;
	[tilespmem:$0x1EE00] =	vst v63  }
0x29: {  	s16 =	rddreg [dreg:$0x8]  }
0x2a: {  	[tilespmem:s2], [sflag:$0x4] =	stream.linear.gather [hbm4b:s16+s19], $0x100, $0x38;
	[tilespmem:$0x1EE00] =	vst v63  }
0x2b: {  	s2 =	rddreg [dreg:$0xa]  }
0x2c: {  	[tilespmem:s4], [sflag:$0x5] =	stream.linear.gather [hbm4b:s2+s19], $0x100, $0x38;
	[tilespmem:$0x1EE00] =	vst v63  }
0x2d: {  	s4 =	rddreg [dreg:$0xb]  }
0x2e: {  	[tilespmem:s25], [sflag:$0x6] =	stream.linear.gather [hbm4b:s4+s19], $0x100, $0x38;
	[tilespmem:$0x1EE00] =	vst v63  }
0x2f: {  	s16 =	rddreg [dreg:$0x4]  }
0x30: {  	[tilespmem:s1], [sflag:$0xA] =	stream.linear.gather [hbm4b:s16+s19], $0x3800, $0x38;
	[tilespmem:$0x1EE00] =	vst v63  }
0x31: {  	_ =	swait.ge [sflag:s6], $0x3800  }
0x32: {  	[sflag:s6] =	ssyncset.done $0x0  }
0x33: {  	[sflag:s6] =	ssyncadd.s32 $0xFFFFC800  }
0x34: {  	[spmem:s28] =	stream.linear.scatter [tilespmem:s1], [sflag:$0xA], $0x3800, $0x38;
	[tilespmem:$0x1EE00] =	vst v63  }
0x35: {  	_ =	swait.ge [sflag:s6], $0x3800  }
0x36: {  	[sflag:s6] =	ssyncset.done $0x0  }
0x37: {  	s25 =	rddreg [dreg:$0xc];
	[sflag:s6] =	ssyncadd.s32 $0xFFFFC800  }
0x38: {  	[spmem:s25] =	stream.linear.scatter [tilespmem:s1], [sflag:$0xA], $0x3800, $0x38;
	[tilespmem:$0x1EE00] =	vst v63  }
0x39: {  	_ =	swait.ge [sflag:s6], $0x3800  }
0x3a: {  	[sflag:s6] =	ssyncset.done $0x0  }
0x3b: {  	s2 =	rddreg [dreg:$0xd];
	[sflag:s6] =	ssyncadd.s32 $0xFFFFC800  }
0x3c: {  	[spmem:s2] =	stream.linear.scatter [tilespmem:s1], [sflag:$0xA], $0x3800, $0x38;
	[tilespmem:$0x1EE00] =	vst v63  }
0x3d: {  	_ =	swait.ge [sflag:s6], $0x3800  }
0x3e: {  	[sflag:s6] =	ssyncset.done $0x0  }
0x3f: {  	s4 =	rddreg [dreg:$0xe];
	[sflag:s6] =	ssyncadd.s32 $0xFFFFC800  }
0x40: {  	[spmem:s4] =	stream.linear.scatter [tilespmem:s1], [sflag:$0xA], $0x3800, $0x38;
	[tilespmem:$0x1EE00] =	vst v63  }
0x41: {  	_ =	swait.ge [sflag:s6], $0x3800  }
0x42: {  	[sflag:s6] =	ssyncset.done $0x0  }
0x43: {  	s16 =	rddreg [dreg:$0xf];
	[sflag:s6] =	ssyncadd.s32 $0xFFFFC800  }
0x44: {  	[spmem:s16] =	stream.linear.scatter [tilespmem:s1], [sflag:$0xA], $0x3800, $0x38;
	[tilespmem:$0x1EE00] =	vst v63  }
0x45: {  	_ =	swait.ge [sflag:s6], $0x3800  }
0x46: {  	[sflag:s6] =	ssyncset.done $0x0  }
0x47: {  	s25 =	rddreg [dreg:$0x13];
	[sflag:s6] =	ssyncadd.s32 $0xFFFFC800  }
0x48: {  	[spmem:s25] =	stream.linear.scatter [tilespmem:s1], [sflag:$0xA], $0x2800, $0x38;
	[tilespmem:$0x1EE00] =	vst v63  }
0x49: {  	_ =	swait.ge [sflag:s6], $0x2800  }
0x4a: {  	[sflag:s6] =	ssyncset.done $0x0  }
0x4b: {  	[sflag:s6] =	ssyncadd.s32 $0xFFFFD800  }
0x4c: {  	s29 =	simm.s32 $0x0;
	s2 =	simm.s32 $0x280;
	[bflag:$0x0] =	sbarrier.arrive $0xFFFF  }
0x4d: {  	s4 =	simm.s32 $0x580;
	s25 =	simm.s32 $0x380;
	s28 =	rddreg [dreg:$0x12]  }
.LBB2_2:
0x4e: {  	_ =	swait.ge [sflag:s8], $0x100  }
0x4f: {  	[sflag:s8] =	ssyncset.done $0x0  }
0x50: {  	[sflag:s8] =	ssyncadd.s32 $0xFFFFFF00  }
0x51: {  	[tilespmem:s1], [sflag:$0x7] =	stream.indirect.gather [hbm4b:s5+s9], $0x80, s19, s9, $0xb8;
	[tilespmem:$0x1EE00] =	vst v63  }
0x52: {  	_ =	swait.ge [sflag:s10], $0x100  }
0x53: {  	[sflag:s10] =	ssyncset.done $0x0  }
0x54: {  	[sflag:s10] =	ssyncadd.s32 $0xFFFFFF00  }
0x55: {  	[tilespmem:s12], [sflag:$0x8] =	stream.indirect.gather [hbm4b:s5+s9], $0x80, s30, s9, $0xb8;
	[tilespmem:$0x1EE00] =	vst v63  }
0x56: {  	_ =	swait.ge [sflag:s13], $0x100  }
0x57: {  	[sflag:s13] =	ssyncset.done $0x0  }
0x58: {  	s0 =	simm.s32 $0x200;
	[sflag:s13] =	ssyncadd.s32 $0xFFFFFF00  }
0x59: {  	[tilespmem:s14], [sflag:$0x9] =	stream.indirect.gather [hbm4b:s5+s9], $0x80, s0, s9, $0xb8;
	[tilespmem:$0x1EE00] =	vst v63  }
0x5a: {  	_ =	swait.ge [sflag:s15], $0x3800  }
0x5b: {  	[sflag:s15] =	ssyncset.done $0x0  }
0x5c: {  	s19 =	simm.s32 $0x80;
	[sflag:s15] =	ssyncadd.s32 $0xFFFFC800  }
0x5d: {  	[spmem:s3] =	stream.indirect.scatter.add.f32 [tilespmem:s1], [sflag:$0xA], $0x80, s19, s9, $0xb8;
	[tilespmem:$0x1EE00] =	vst v63  }
0x5e: {  	p0 =	seq.s32 s29, $0xA80;
	_ =	swait.ge [sflag:s6], $0x3800  }
0x5f: {  	s30 =	sshrl.u32 @!p0 s28, $0x3;
	s19 =	smov.u32 s31;
	[sflag:s6] =	ssyncset.done $0x0  }
0x60: {  	s31 =	sadd.s32 @!p0 s31, s30;
	s30 =	simm.s32 @!p0 $0x0;
	[sflag:s6] =	ssyncadd.s32 $0xFFFFC800  }
0x61: {  	[tilespmem:s30], [sflag:$0x1] =	stream.linear.gather @!p0 [hbm4b:s31+s30], $0x100, $0x38;
	[tilespmem:$0x1EE00] =	vst v63  }
0x62: {  	_ =	swait.ge [sflag:s17], $0x100  }
0x63: {  	[sflag:s17] =	ssyncset.done $0x0  }
0x64: {  	s16 =	simm.s32 $0x300;
	[sflag:s17] =	ssyncadd.s32 $0xFFFFFF00  }
0x65: {  	[tilespmem:s1], [sflag:$0x7] =	stream.indirect.gather [hbm4b:s5+s9], $0x80, s16, s9, $0xb8;
	[tilespmem:$0x1EE00] =	vst v63  }
0x66: {  	_ =	swait.ge [sflag:s18], $0x3800  }
0x67: {  	[sflag:s18] =	ssyncset.done $0x0  }
0x68: {  	s16 =	simm.s32 $0x180;
	[sflag:s18] =	ssyncadd.s32 $0xFFFFC800  }
0x69: {  	[spmem:s3] =	stream.indirect.scatter.add.f32 [tilespmem:s12], [sflag:$0xA], $0x80, s16, s9, $0xb8;
	[tilespmem:$0x1EE00] =	vst v63  }
0x6a: {  	_ =	swait.ge [sflag:s6], $0x3800  }
0x6b: {  	[sflag:s6] =	ssyncset.done $0x0  }
0x6c: {  	s0 =	simm.s32 @!p0 $0x100;
	s31 =	sadd.s32 @!p0 s29, s24;
	[sflag:s6] =	ssyncadd.s32 $0xFFFFC800  }
0x6d: {  	[tilespmem:s0], [sflag:$0x2] =	stream.linear.gather @!p0 [hbm4b:s31+s30], $0x100, $0x38;
	[tilespmem:$0x1EE00] =	vst v63  }
0x6e: {  	_ =	swait.ge [sflag:s7], $0x100  }
0x6f: {  	[sflag:s7] =	ssyncset.done $0x0  }
0x70: {  	s16 =	simm.s32 $0x400;
	[sflag:s7] =	ssyncadd.s32 $0xFFFFFF00  }
0x71: {  	[tilespmem:s12], [sflag:$0x8] =	stream.indirect.gather [hbm4b:s5+s9], $0x80, s16, s9, $0xb8;
	[tilespmem:$0x1EE00] =	vst v63  }
0x72: {  	_ =	swait.ge [sflag:s26], $0x3800  }
0x73: {  	[sflag:s26] =	ssyncset.done $0x0  }
0x74: {  	[sflag:s26] =	ssyncadd.s32 $0xFFFFC800  }
0x75: {  	[spmem:s3] =	stream.indirect.scatter.add.f32 [tilespmem:s14], [sflag:$0xA], $0x80, s2, s9, $0xb8;
	[tilespmem:$0x1EE00] =	vst v63  }
0x76: {  	_ =	swait.ge [sflag:s6], $0x3800  }
0x77: {  	[sflag:s6] =	ssyncset.done $0x0  }
0x78: {  	s0 =	sadd.s32 @!p0 s29, s23;
	s31 =	simm.s32 @!p0 $0x200;
	[sflag:s6] =	ssyncadd.s32 $0xFFFFC800  }
0x79: {  	[tilespmem:s31], [sflag:$0x3] =	stream.linear.gather @!p0 [hbm4b:s0+s30], $0x100, $0x38;
	[tilespmem:$0x1EE00] =	vst v63  }
0x7a: {  	_ =	swait.ge [sflag:s11], $0x100  }
0x7b: {  	[sflag:s11] =	ssyncset.done $0x0  }
0x7c: {  	s16 =	simm.s32 $0x500;
	[sflag:s11] =	ssyncadd.s32 $0xFFFFFF00  }
0x7d: {  	[tilespmem:s14], [sflag:$0x9] =	stream.indirect.gather [hbm4b:s5+s9], $0x80, s16, s9, $0xb8;
	[tilespmem:$0x1EE00] =	vst v63  }
0x7e: {  	_ =	swait.ge [sflag:s15], $0x3800  }
0x7f: {  	[sflag:s15] =	ssyncset.done $0x0  }
0x80: {  	[sflag:s15] =	ssyncadd.s32 $0xFFFFC800  }
0x81: {  	[spmem:s3] =	stream.indirect.scatter.add.f32 [tilespmem:s1], [sflag:$0xA], $0x80, s25, s9, $0xb8;
	[tilespmem:$0x1EE00] =	vst v63  }
0x82: {  	_ =	swait.ge [sflag:s6], $0x3800  }
0x83: {  	[sflag:s6] =	ssyncset.done $0x0  }
0x84: {  	s0 =	simm.s32 @p0 $0x8;
	[sflag:s6] =	ssyncadd.s32 $0xFFFFC800  }
0x85: {  	_ =	swait.ge @p0 [sflag:s0], $0x3800  }
0x86: {  	s31 =	simm.s32 @p0 $0x480;
	[sflag:s0] =	ssyncset.done @p0 $0x0  }
0x87: {  	s16 =	simm.s32 @p0 $0x3E00;
	[sflag:s0] =	ssyncadd.s32 @p0 $0xFFFFC800;
	s0 =	simm.s32 @p0 $0x70  }
0x88: {  	[spmem:s3] =	stream.indirect.scatter.add.f32 @p0 [tilespmem:s16], [sflag:$0xA], $0x80, s31, s0, $0xb8;
	[tilespmem:$0x1EE00] =	vst v63  }
0x89: {  	s0 =	simm.s32 @p0 $0xA  }
0x8a: {  	_ =	swait.ge @p0 [sflag:s0], $0x3800  }
0x8b: {  	[sflag:s0] =	ssyncset.done @p0 $0x0  }
0x8c: {  	s16 =	simm.s32 @!p0 $0x300;
	[sflag:s0] =	ssyncadd.s32 @p0 $0xFFFFC800;
	s0 =	sadd.s32 @!p0 s29, s22  }
0x8d: {  	[tilespmem:s16], [sflag:$0x4] =	stream.linear.gather @!p0 [hbm4b:s0+s30], $0x100, $0x38;
	[tilespmem:$0x1EE00] =	vst v63  }
0x8e: {  	s0 =	simm.s32 @!p0 $0x8  }
0x8f: {  	_ =	swait.ge @!p0 [sflag:s0], $0x3800  }
0x90: {  	s31 =	simm.s32 @!p0 $0x3E00;
	[sflag:s0] =	ssyncset.done @!p0 $0x0  }
0x91: {  	s16 =	simm.s32 @!p0 $0x480;
	[sflag:s0] =	ssyncadd.s32 @!p0 $0xFFFFC800;
	s0 =	simm.s32 @!p0 $0x70  }
0x92: {  	[spmem:s3] =	stream.indirect.scatter.add.f32 @!p0 [tilespmem:s31], [sflag:$0xA], $0x80, s16, s0, $0xb8;
	[tilespmem:$0x1EE00] =	vst v63  }
0x93: {  	s0 =	simm.s32 @!p0 $0xA  }
0x94: {  	_ =	swait.ge @!p0 [sflag:s0], $0x3800  }
0x95: {  	[sflag:s0] =	ssyncset.done @!p0 $0x0  }
0x96: {  	s16 =	simm.s32 @!p0 $0x400;
	[sflag:s0] =	ssyncadd.s32 @!p0 $0xFFFFC800;
	s0 =	sadd.s32 @!p0 s29, s21  }
0x97: {  	[tilespmem:s16], [sflag:$0x5] =	stream.linear.gather @!p0 [hbm4b:s0+s30], $0x100, $0x38;
	[tilespmem:$0x1EE00] =	vst v63  }
0x98: {  	s0 =	sadd.s32 @!p0 s29, s20;
	s29 =	sadd.s32 @!p0 $0xC0, s29;
	_ =	swait.ge [sflag:s26], $0x3800  }
0x99: {  	p1 =	sne.s32 @!p0 s29, $0xB40;
	[sflag:s26] =	ssyncset.done $0x0  }
0x9a: {  	p1 =	por p0, !p1;
	[sflag:s26] =	ssyncadd.s32 $0xFFFFC800  }
0x9b: {  	[spmem:s3] =	stream.indirect.scatter.add.f32 [tilespmem:s14], [sflag:$0xA], $0x80, s4, s9, $0xb8;
	[tilespmem:$0x1EE00] =	vst v63  }
.Ltmp0:
0x9c: {  	_ =	swait.ge [sflag:s6], $0x3800;
	(pc) =	sbr.rel @!p1 .LBB2_2-.Ltmp0, $4  }
0x9d: {  	[sflag:s6] =	ssyncset.done $0x0  }
0x9e: {  	s28 =	sadd.s32 @!p0 $0x600, s28;
	s16 =	simm.s32 @!p0 $0x500;
	[sflag:s6] =	ssyncadd.s32 $0xFFFFC800  }
0x9f: {  	[tilespmem:s16], [sflag:$0x6] =	stream.linear.gather @!p0 [hbm4b:s0+s30], $0x100, $0x38;
	[tilespmem:$0x1EE00] =	vst v63  }
0xa0: {  	s31 =	smov.u32 s19;
	s19 =	simm.s32 $0x0;
	s30 =	simm.s32 $0x100  }
0xa1: {  	s0 =	stileid.u32;
	[bflag:$0x0] =	sbarrier.arrive $0xFFFF  }
0xa2: {  	s0 =	sshll.u32 s0, $0x6;
	s28 =	rddreg [dreg:$0x9]  }
0xa3: {  	s29 =	rddreg [dreg:$0x10];
	s0 =	sor.u32 $0x1C0A, s0;
	s16 =	sshrl.u32 s28, $0x3  }
0xa4: {  	[hbm:s29], [sflag:s0] =	dma.local [spmem:s16], $0x2800  }
0xa5: {  	_ =	swait.ge [sflag:s6], $0x2800  }
0xa6: {  	s29 =	rddreg [dreg:$0x14]  }
0xa7: {  	s25 =	rddreg [dreg:$0x11];
	s29 =	sadd.s32 $0x1, s29  }
0xa8: {  	p0 =	sne.s32 s29, s25  }
.Ltmp1:
0xa9: {  	_ = 	snop;
	(pc) =	sbr.rel @p0 .LBB2_1-.Ltmp1, $3  }
0xaa: {  	_ =	sdelay $0x1  }
0xab: {  	s2 =	simm.s32 $0x300;
	s4 =	simm.s32 $0x400;
	[sflag:s6] =	ssyncset.done $0x0  }
0xac: {  	s16 =	simm.s32 $0x200;
	[sflag:s6] =	ssyncadd.s32 $0xFFFFD800;
	s25 =	simm.s32 $0x500  }
0xad: {  	_ =	sfence.sel $0x180000  }
0xae: {  	[bflag:$0x0] =	sbarrier.arrive $0xFFFF  }
0xaf: {  	_ =	strace $0x9000004A  }
0xb0: {  	s0 =	stileid.u32;
	[bflag:$0x2] =	sbarrier.arrive $0xFFFF  }
0xb1: {  	p0 =	sne.s32 s0, $0x0;
	s0 =	rddreg [dreg:$0x3]  }
0xb2: {  	s0 =	sadd.s32 @!p0 $0x100000, s0  }
0xb3: {  	[sflag:s0] =	ssyncadd.tile.s32 @!p0 $0x1;
	_ =	shalt  }
.Lfunc_end2:
_tile_overlayer_lowered:
.L_overlay_start_2:
0xb4: {  	(tag) =	ssettag $0x2  }
0xb5: {  	s0 =	rddreg [dreg:$0x0];
	s2 =	stileid.u32  }
0xb6: {  	s1 =	rddreg [dreg:$0x1];
	p0 =	sne.s32 s2, $0x0  }
0xb7: {  	s3 =	rddreg [dreg:$0x2];
	[bflag:$0x3] =	sbarrier.arrive $0xFFFF;
	s2 =	simm.s32 @!p0 $0x1C0A  }
0xb8: {  	[timem:s3], [sflag:s2] =	dma.local @!p0 [hbm:s0], s1  }
0xb9: {  	s0 =	simm.s32 @!p0 $0xA  }
0xba: {  	_ =	swait.ge @!p0 [sflag:s0], s1  }
0xbb: {  	s1 =	ssub.s32 @!p0 $0x0, s1;
	[sflag:s0] =	ssyncset.done @!p0 $0x0  }
0xbc: {  	[sflag:s0] =	ssyncadd.s32 @!p0 s1  }
0xbd: {  	[bflag:$0x3] =	sbarrier.arrive $0xFFFF  }
0xbe: {  	_ =	shalt  }

// kernel: kernel.14.cloned.1.call-start
scs
__scs_entry_jumppad:
0x0: {  	(pc) =	sbr.rel $0x88, $3  }
0x1: {  	(tag) =	ssettag $0x0;
	lr =	simm.s32 $0x1  }
0x2: {  	[smem:$0x3F9B] =	sst lr;
	_ =	strace $0xD0000000  }
0x3: {  	_ = 	snop  }
0x4: {  	_ = 	snop  }
0x5: {  	_ = 	snop  }
0x6: {  	_ = 	snop  }
0x7: {  	_ = 	snop  }
__scs_overlays_trampoline_lowered:
0x8: {  	[smem:$0x3FAA] =	sst s0  }
0x9: {  	[smem:$0x3FAB] =	sst s1  }
0xa: {  	[smem:$0x3FAC] =	sst s2  }
0xb: {  	[smem:$0x3FAD] =	sst s3  }
0xc: {  	[smem:$0x3FAE] =	sst s4  }
0xd: {  	[smem:$0x3FAF] =	sst s5  }
0xe: {  	[smem:$0x3FB0] =	sst s6  }
0xf: {  	[smem:$0x3FB1] =	sst s7  }
0x10: {  	[smem:$0x3FB2] =	sst s8  }
0x11: {  	[smem:$0x3FB3] =	sst s9;
	s0 =	simm.s32 @!p0 $0x0  }
0x12: {  	s1 =	sld [smem:$0x3F99];
	s0 =	simm.s32 @p0 $0x1  }
0x13: {  	[smem:$0x3FB4] =	sst s0;
	s0 =	simm.s32 @!p1 $0x0  }
0x14: {  	s2 =	sld [smem:$0x3F98];
	s0 =	simm.s32 @p1 $0x1  }
0x15: {  	[smem:$0x3FB5] =	sst s0;
	s0 =	simm.s32 @!p2 $0x0  }
0x16: {  	s3 =	sld [smem:$0x3FDB];
	s0 =	simm.s32 @p2 $0x1  }
0x17: {  	s4 =	simm.s32 $0x1BF5;
	[smem:$0x3FB7] =	sst s0  }
0x18: {  	s0 =	sld [smem:$0x3F9A];
	_ =	swait.ge [sflag:s4], $0x0  }
0x19: {  	s7 =	sld [smem:$0x3F9B]  }
0x1a: {  	s8 =	sadd.s32 $0xFFFFE003, lr  }
0x1b: {  	s9 =	sadd.s32 $0xFFFFFEF7, lr;
	s5 =	simm.s32 $0xFFFFFFFF;
	p2 =	slt.u32 s8, $0xFFFFF086  }
0x1c: {  	p1 =	slt.u32 s9, $0xF7A;
	s5 =	simm.s32 @!p2 $0x0  }
0x1d: {  	s5 =	simm.s32 @p1 $0x1;
	p0 =	seq.s32 s7, s2  }
0x1e: {  	s7 =	smul.u32 @!p0 $0xF7A, s2;
	p2 =	seq.s32 @!p0 s5, $0x0  }
0x1f: {  	s9 =	smul.u32 $0xF7A, s1;
	s8 =	simm.s32 @!p0 $0x1BF5;
	p2 =	por !p2, p0  }
0x20: {  	[sflag:s8] =	ssyncset.s32 @!p0 $0xFFFFF086;
	s6 =	sadd.s32 @!p0 s3, s7;
	s7 =	simm.s32 @!p0 $0x108  }
0x21: {  	s3 =	sadd.s32 s3, s9;
	s6 =	sadd.s32 @!p0 $0x88, s6;
	s7 =	simm.s32 @p2 $0x1082  }
0x22: {  	[simem:s7], [sflag:s8] =	dma.local @!p0 [hbm:s6], $0xF7A  }
0x23: {  	s9 =	sor.u32 $0xD0000000, s2;
	s6 =	simm.s32 $0x108;
	_ =	swait.ge @!p0 [sflag:s8], $0x0  }
0x24: {  	s3 =	sadd.s32 $0x88, s3;
	s6 =	simm.s32 @!p1 $0x1082;
	[sflag:s4] =	ssyncset.s32 $0xFFFFF086  }
0x25: {  	[simem:s6], [sflag:s4] =	dma.local [hbm:s3], $0xF7A  }
0x26: {  	[smem:$0x3F9B] =	sst s1;
	(tag) =	ssettag s2;
	_ =	strace s9  }
0x27: {  	s1 =	sld [smem:$0x3FAB]  }
0x28: {  	s2 =	sld [smem:$0x3FAC]  }
0x29: {  	s4 =	sld [smem:$0x3FAE]  }
0x2a: {  	p0 =	seq.s32 s5, $0x0;
	s5 =	sld [smem:$0x3FAF]  }
0x2b: {  	s6 =	sld [smem:$0x3FB0]  }
0x2c: {  	s7 =	sld [smem:$0x3FB1]  }
0x2d: {  	s3 =	simm.s32 $0x108;
	s8 =	sld [smem:$0x3FB2]  }
0x2e: {  	s3 =	simm.s32 @!p0 $0x1082;
	s9 =	sld [smem:$0x3FB3]  }
0x2f: {  	lr =	sadd.s32 s0, s3;
	s0 =	sld [smem:$0x3FAA]  }
0x30: {  	s3 =	sld [smem:$0x3FAD]  }
0x31: {  	[smem:$0x3FB6] =	sst s10  }
0x32: {  	s10 =	sld [smem:$0x3FB4];
	_ =	sdelay $0x3  }
0x33: {  	p0 =	seq.s32 s10, $0x1;
	s10 =	sld [smem:$0x3FB6];
	_ =	sdelay $0x3  }
0x34: {  	[smem:$0x3FB6] =	sst s10  }
0x35: {  	s10 =	sld [smem:$0x3FB5];
	_ =	sdelay $0x3  }
0x36: {  	p1 =	seq.s32 s10, $0x1;
	s10 =	sld [smem:$0x3FB6];
	_ =	sdelay $0x3  }
0x37: {  	[smem:$0x3FB6] =	sst s10  }
0x38: {  	s10 =	sld [smem:$0x3FB7]  }
0x39: {  	_ = 	snop;
	(pc) =	sbr.ind lr, $3  }
0x3a: {  	_ = 	snop  }
0x3b: {  	_ = 	snop  }
0x3c: {  	p2 =	seq.s32 s10, $0x1;
	s10 =	sld [smem:$0x3FB6]  }
0x3d: {  	_ =	shalt  }
0x3e: {  	_ =	shalt  }
0x3f: {  	_ =	shalt  }
0x40: {  	_ =	shalt  }
0x41: {  	_ =	shalt  }
0x42: {  	_ =	shalt  }
0x43: {  	_ =	shalt  }
0x44: {  	_ =	shalt  }
0x45: {  	_ =	shalt  }
0x46: {  	_ =	shalt  }
0x47: {  	_ =	shalt  }
0x48: {  	_ =	shalt  }
0x49: {  	_ =	shalt  }
0x4a: {  	_ =	shalt  }
0x4b: {  	_ =	shalt  }
0x4c: {  	_ =	shalt  }
0x4d: {  	_ =	shalt  }
0x4e: {  	_ =	shalt  }
0x4f: {  	_ =	shalt  }
0x50: {  	_ =	shalt  }
0x51: {  	_ =	shalt  }
0x52: {  	_ =	shalt  }
0x53: {  	_ =	shalt  }
0x54: {  	_ =	shalt  }
0x55: {  	_ =	shalt  }
0x56: {  	_ =	shalt  }
0x57: {  	_ =	shalt  }
0x58: {  	_ =	shalt  }
0x59: {  	_ =	shalt  }
0x5a: {  	_ =	shalt  }
0x5b: {  	_ =	shalt  }
0x5c: {  	_ =	shalt  }
0x5d: {  	_ =	shalt  }
0x5e: {  	_ =	shalt  }
0x5f: {  	_ =	shalt  }
0x60: {  	_ =	shalt  }
0x61: {  	_ =	shalt  }
0x62: {  	_ =	shalt  }
0x63: {  	_ =	shalt  }
0x64: {  	_ =	shalt  }
0x65: {  	_ =	shalt  }
0x66: {  	_ =	shalt  }
0x67: {  	_ =	shalt  }
0x68: {  	_ =	shalt  }
0x69: {  	_ =	shalt  }
0x6a: {  	_ =	shalt  }
0x6b: {  	_ =	shalt  }
0x6c: {  	_ =	shalt  }
0x6d: {  	_ =	shalt  }
0x6e: {  	_ =	shalt  }
0x6f: {  	_ =	shalt  }
0x70: {  	_ =	shalt  }
0x71: {  	_ =	shalt  }
0x72: {  	_ =	shalt  }
0x73: {  	_ =	shalt  }
0x74: {  	_ =	shalt  }
0x75: {  	_ =	shalt  }
0x76: {  	_ =	shalt  }
0x77: {  	_ =	shalt  }
0x78: {  	_ =	shalt  }
0x79: {  	_ =	shalt  }
0x7a: {  	_ =	shalt  }
0x7b: {  	_ =	shalt  }
0x7c: {  	_ =	shalt  }
0x7d: {  	_ =	shalt  }
0x7e: {  	_ =	shalt  }
0x7f: {  	_ =	shalt  }
0x80: {  	_ =	shalt  }
0x81: {  	_ =	shalt  }
0x82: {  	_ =	shalt  }
0x83: {  	_ =	shalt  }
0x84: {  	_ =	shalt  }
0x85: {  	_ =	shalt  }
0x86: {  	_ =	shalt  }
0x87: {  	_ =	shalt  }
.Lfunc_end0:
.L_simem_size_0:
called_computation.2_lowered:
.L_overlay_start_0:
0x88: {  	s2 =	sld [smem:$0x3FD9]  }
0x89: {  	s3 =	sld [smem:$0x3FFE];
	_ =	sdelay $0x1  }
0x8a: {  	s1 =	srdreg.scid  }
0x8b: {  	s0 =	sand.u32 $0x1, s1  }
0x8c: {  	s17 =	sshll.u32 s0, $0xA;
	s2 =	sadd.s32 s3, s2  }
0x8d: {  	s2 =	sadd.s32 s2, s17  }
0x8e: {  	[smem:$0x3FC2] =	sst s2  }
0x8f: {  	_ = 	snop  }
0x90: {  	s2 =	sld [smem:$0x3FD0];
	(tm) =	ssettm $0x1  }
0x91: {  	s18 =	sld [smem:$0x3FFB];
	_ =	sdelay $0x3  }
0x92: {  	_ =	strace s18  }
0x93: {  	s3 =	sld [smem:$0x3FFC];
	_ =	sdelay $0x3  }
0x94: {  	_ =	strace s3  }
0x95: {  	s3 =	sld [smem:$0x3FFD];
	_ =	sdelay $0x3  }
0x96: {  	_ =	strace s3  }
0x97: {  	_ =	strace $0x8FFFFFFF  }
0x98: {  	s19 =	sld [smem:$0x3FDB];
	_ =	sdelay $0x1  }
0x99: {  	s4 =	simm.s32 $_scs_section_size  }
0x9a: {  	s5 =	simm.s32 $_size__tile_overlayer_lowered;
	s6 =	simm.s32 $_tile_overlayer_lowered  }
0x9b: {  	s22 =	simm.s32 $0x1BFF;
	s21 =	sshll.u32 s6, $0x1;
	s3 =	sadd.s32 s4, s19  }
0x9c: {  	s7 =	simm.s32 $0x0;
	s20 =	sshll.u32 s5, $0x1;
	s5 =	sadd.s32 s21, s3  }
0x9d: {  	[timem:s7], [sflag:s22] =	dma.local [hbm:s5], s20  }
0x9e: {  	_ =	swait.ge [sflag:s22], s20  }
0x9f: {  	s4 =	ssub.s32 $0x0, s20;
	[sflag:s22] =	ssyncset.done $0x0  }
0xa0: {  	[sflag:s22] =	ssyncadd.s32 s4;
	_ =	sdelay $0x1  }
0xa1: {  	s23 =	simm.s32 $0x1B8B  }
0xa2: {  	_ =	swait.ge [sflag:s23], $0x1  }
0xa3: {  	[sflag:s23] =	ssyncset.done $0x0  }
0xa4: {  	s25 =	simm.s32 $0x1B8E;
	s24 =	sld [smem:$0x3FFE];
	[sflag:s23] =	ssyncadd.s32 $0xFFFFFFFF  }
0xa5: {  	s26 =	simm.s32 $execute0_lowered;
	[smem:$0x3FD2] =	sst s25  }
0xa6: {  	s5 =	sshll.u32 s26, $0x1;
	_ =	strace $0x8000004C;
	[dreg:$0x1] =	wrdreg $0xFFFFFFFF  }
0xa7: {  	s28 =	simm.s32 $_size_execute0_lowered;
	s3 =	sadd.s32 s3, s5;
	[dreg:$0x0] =	wrdreg $0x0  }
0xa8: {  	s5 =	sshll.u32 s28, $0x1;
	[dreg:$0x2] =	wrdreg s3  }
0xa9: {  	[dreg:$0x3] =	wrdreg s5  }
0xaa: {  	[dreg:$0x4] =	wrdreg $0xC0  }
0xab: {  	_ =	task [dreg:s7], $0x5FFFF  }
0xac: {  	[dreg:$0x1] =	wrdreg $0xFFFFFFFF  }
0xad: {  	[dreg:$0x0] =	wrdreg $0x60  }
0xae: {  	[dreg:$0x2] =	wrdreg s24  }
0xaf: {  	[dreg:$0x3] =	wrdreg s2  }
0xb0: {  	[dreg:$0x4] =	wrdreg $0xAE000  }
0xb1: {  	[dreg:$0x5] =	wrdreg $0x9  }
0xb2: {  	_ =	task.clear_ibuf [dreg:s7], $0x6FFFF;
	_ =	strace $0x9000004C  }
0xb3: {  	s29 =	simm.s32 $0x9;
	_ =	strace $0x8000004E  }
0xb4: {  	_ =	swait.ge [sflag:s29], $0x1  }
0xb5: {  	[sflag:s29] =	ssyncadd.s32 $0xFFFFFFFF  }
0xb6: {  	_ =	strace $0x9000004E  }
0xb7: {  	_ =	sfence  }
0xb8: {  	s30 =	sld [smem:$0x0];
	_ =	sdelay $0x2  }
0xb9: {  	s31 =	sshll.u32 s1, $0xD;
	s1 =	sshrl.u32 s1, $0x2  }
0xba: {  	s3 =	sand.u32 $0x4000, s31;
	s1 =	sadd.s32 s1, s30  }
0xbb: {  	s0 =	sor.u32 s3, s0;
	s1 =	sshll.u32 s1, $0x11  }
0xbc: {  	s0 =	sor.u32 s1, s0  }
0xbd: {  	s0 =	sadd.s32 $0x8F2B, s0  }
0xbe: {  	[sflag:s0] =	ssyncadd.remote.s32 $0x1  }
0xbf: {  	_ =	sfence.sel $0xFFFF  }
0xc0: {  	[dreg:$0x0] =	wrdreg $0xFFFFFFFF;
	(pc) =	sbr.abs _section_cstart, $3  }
0xc1: {  	[dreg:$0x1] =	wrdreg $0xFFFFFFFF  }
0xc2: {  	_ =	task.clear_ibuf [dreg:s7], $0x2FFFF;
	_ =	strace $0x9FFFFFFF  }
0xc3: {  	(tm) =	ssettm $0x7FFFFFFF  }
tec
execute0_lowered:
.L_overlay_start_1:
0x0: {  	(tag) =	ssettag $0x1  }
0x1: {  	s0 =	rddreg [dreg:$0x0]  }
0x2: {  	s31 =	rddreg [dreg:$0x1]  }
0x3: {  	s3 =	rddreg [dreg:$0x2];
	s1 =	srdreg.scid  }
0x4: {  	s8 =	stileid.u32;
	s19 =	simm.s32 $0x0;
	s30 =	simm.s32 $0x100  }
0x5: {  	s29 =	simm.s32 $0x0;
	s1 =	sand.u32 $0x1, s1;
	s6 =	smul.u32 $0x14000, s8  }
0x6: {  	s4 =	sshll.u32 s8, $0x1;
	[smem:$0x7FF] =	sst s19;
	s24 =	smul.u32 $0x50000, s8  }
0x7: {  	s5 =	sadd.s32 $0x2200, s0;
	s7 =	sadd.s32 $0x29400, s0;
	s10 =	smul.u32 $0xB400, s8  }
0x8: {  	s8 =	simm.s32 $0x1;
	s2 =	smul.u32 $0x140000, s1;
	s4 =	sor.u32 s1, s4  }
0x9: {  	_ =	strace $0x8000004D;
	s22 =	ssub.s32 $0x2, s1;
	s1 =	smul.u32 $0x5A00, s1  }
0xa: {  	[dreg:$0x4] =	wrdreg s7;
	s4 =	smul.u32 $0x5A00, s4;
	s23 =	sshrl.u32 s22, $0x1  }
0xb: {  	s2 =	sadd.s32 s6, s2;
	s25 =	ssub.s32 s22, s23;
	s1 =	sadd.s32 s1, s10  }
0xc: {  	s10 =	simm.s32 $0x2;
	s2 =	sshrl.u32 s2, $0x3;
	s4 =	sshrl.u32 s4, $0x3  }
0xd: {  	s18 =	sadd.s32 $0xB00, s1;
	s6 =	sadd.s32 $0xA00, s1;
	s22 =	sadd.s32 $0x900, s1  }
0xe: {  	s23 =	sadd.s32 $0x800, s1;
	s9 =	sadd.s32 s31, s4;
	s0 =	sadd.s32 s2, s0  }
0xf: {  	s4 =	sshrl.u32 s24, $0x2;
	s20 =	sshrl.u32 s18, $0x3;
	s21 =	sshrl.u32 s6, $0x3  }
0x10: {  	s2 =	smax.u32 s25, $0x1;
	s24 =	sadd.s32 $0x700, s1;
	s25 =	sadd.s32 $0x600, s1  }
0x11: {  	s1 =	simm.s32 $0x600;
	s6 =	simm.s32 $0xA;
	[dreg:$0x5] =	wrdreg s9  }
0x12: {  	s18 =	simm.s32 $0x8;
	s26 =	sadd.s32 $0x20, s9;
	[dreg:$0x11] =	wrdreg s2  }
0x13: {  	s7 =	sadd.s32 $0x40, s9;
	s11 =	sadd.s32 $0x60, s9;
	[dreg:$0x12] =	wrdreg s25  }
0x14: {  	s28 =	sadd.s32 s4, s3;
	s12 =	sadd.s32 $0x80, s9;
	[dreg:$0x6] =	wrdreg s26  }
0x15: {  	s13 =	sadd.s32 $0xA0, s9;
	s0 =	sadd.s32 $0x29C00, s0;
	[dreg:$0x7] =	wrdreg s7  }
0x16: {  	s20 =	sadd.s32 s20, s31;
	s21 =	sadd.s32 s21, s31;
	[dreg:$0x8] =	wrdreg s11  }
0x17: {  	s2 =	sshrl.u32 s23, $0x3;
	s4 =	sshrl.u32 s24, $0x3;
	[dreg:$0xa] =	wrdreg s12  }
0x18: {  	s25 =	simm.s32 $0x500;
	s9 =	simm.s32 $0x70;
	[dreg:$0xb] =	wrdreg s13  }
0x19: {  	s14 =	sadd.s32 $0x3800, s28;
	s15 =	sadd.s32 $0x7000, s28;
	s16 =	sadd.s32 $0xA800, s28  }
0x1a: {  	s17 =	sadd.s32 $0xE000, s28;
	[dreg:$0x10] =	wrdreg s0;
	s0 =	sshrl.u32 s22, $0x3  }
0x1b: {  	s23 =	sadd.s32 s2, s31;
	s24 =	sadd.s32 s4, s31;
	[dreg:$0x9] =	wrdreg s28  }
0x1c: {  	s26 =	sadd.s32 $0x11800, s28;
	s2 =	simm.s32 $0x300;
	[dreg:$0xc] =	wrdreg s14  }
0x1d: {  	s4 =	simm.s32 $0x400;
	s12 =	simm.s32 $0x3E00;
	[dreg:$0xd] =	wrdreg s15  }
0x1e: {  	s13 =	simm.s32 $0x3;
	s7 =	simm.s32 $0x5;
	[dreg:$0xe] =	wrdreg s16  }
0x1f: {  	s11 =	simm.s32 $0x6;
	[dreg:$0xf] =	wrdreg s17;
	s22 =	sadd.s32 s0, s31  }
0x20: {  	[dreg:$0x13] =	wrdreg s26;
	s16 =	simm.s32 $0x200;
	s14 =	simm.s32 $0x7600  }
0x21: {  	s15 =	simm.s32 $0x7;
	s17 =	simm.s32 $0x4;
	s26 =	simm.s32 $0x9  }
.LBB2_1:
0x22: {  	[dreg:$0x14] =	wrdreg s29  }
0x23: {  	s0 =	rddreg [dreg:$0x5]  }
0x24: {  	[tilespmem:s19], [sflag:$0x1] =	stream.linear.gather [hbm4b:s0+s19], $0x100, $0x38;
	[tilespmem:$0x1EE00] =	vst v63  }
0x25: {  	s0 =	rddreg [dreg:$0x6]  }
0x26: {  	[tilespmem:s30], [sflag:$0x2] =	stream.linear.gather [hbm4b:s0+s19], $0x100, $0x38;
	[tilespmem:$0x1EE00] =	vst v63  }
0x27: {  	s0 =	rddreg [dreg:$0x7]  }
0x28: {  	[tilespmem:s16], [sflag:$0x3] =	stream.linear.gather [hbm4b:s0+s19], $0x100, $0x38;
	[tilespmem:$0x1EE00] =	vst v63  }
0x29: {  	s16 =	rddreg [dreg:$0x8]  }
0x2a: {  	[tilespmem:s2], [sflag:$0x4] =	stream.linear.gather [hbm4b:s16+s19], $0x100, $0x38;
	[tilespmem:$0x1EE00] =	vst v63  }
0x2b: {  	s2 =	rddreg [dreg:$0xa]  }
0x2c: {  	[tilespmem:s4], [sflag:$0x5] =	stream.linear.gather [hbm4b:s2+s19], $0x100, $0x38;
	[tilespmem:$0x1EE00] =	vst v63  }
0x2d: {  	s4 =	rddreg [dreg:$0xb]  }
0x2e: {  	[tilespmem:s25], [sflag:$0x6] =	stream.linear.gather [hbm4b:s4+s19], $0x100, $0x38;
	[tilespmem:$0x1EE00] =	vst v63  }
0x2f: {  	s16 =	rddreg [dreg:$0x4]  }
0x30: {  	[tilespmem:s1], [sflag:$0xA] =	stream.linear.gather [hbm4b:s16+s19], $0x3800, $0x38;
	[tilespmem:$0x1EE00] =	vst v63  }
0x31: {  	_ =	swait.ge [sflag:s6], $0x3800  }
0x32: {  	[sflag:s6] =	ssyncset.done $0x0  }
0x33: {  	[sflag:s6] =	ssyncadd.s32 $0xFFFFC800  }
0x34: {  	[spmem:s28] =	stream.linear.scatter [tilespmem:s1], [sflag:$0xA], $0x3800, $0x38;
	[tilespmem:$0x1EE00] =	vst v63  }
0x35: {  	_ =	swait.ge [sflag:s6], $0x3800  }
0x36: {  	[sflag:s6] =	ssyncset.done $0x0  }
0x37: {  	s25 =	rddreg [dreg:$0xc];
	[sflag:s6] =	ssyncadd.s32 $0xFFFFC800  }
0x38: {  	[spmem:s25] =	stream.linear.scatter [tilespmem:s1], [sflag:$0xA], $0x3800, $0x38;
	[tilespmem:$0x1EE00] =	vst v63  }
0x39: {  	_ =	swait.ge [sflag:s6], $0x3800  }
0x3a: {  	[sflag:s6] =	ssyncset.done $0x0  }
0x3b: {  	s2 =	rddreg [dreg:$0xd];
	[sflag:s6] =	ssyncadd.s32 $0xFFFFC800  }
0x3c: {  	[spmem:s2] =	stream.linear.scatter [tilespmem:s1], [sflag:$0xA], $0x3800, $0x38;
	[tilespmem:$0x1EE00] =	vst v63  }
0x3d: {  	_ =	swait.ge [sflag:s6], $0x3800  }
0x3e: {  	[sflag:s6] =	ssyncset.done $0x0  }
0x3f: {  	s4 =	rddreg [dreg:$0xe];
	[sflag:s6] =	ssyncadd.s32 $0xFFFFC800  }
0x40: {  	[spmem:s4] =	stream.linear.scatter [tilespmem:s1], [sflag:$0xA], $0x3800, $0x38;
	[tilespmem:$0x1EE00] =	vst v63  }
0x41: {  	_ =	swait.ge [sflag:s6], $0x3800  }
0x42: {  	[sflag:s6] =	ssyncset.done $0x0  }
0x43: {  	s16 =	rddreg [dreg:$0xf];
	[sflag:s6] =	ssyncadd.s32 $0xFFFFC800  }
0x44: {  	[spmem:s16] =	stream.linear.scatter [tilespmem:s1], [sflag:$0xA], $0x3800, $0x38;
	[tilespmem:$0x1EE00] =	vst v63  }
0x45: {  	_ =	swait.ge [sflag:s6], $0x3800  }
0x46: {  	[sflag:s6] =	ssyncset.done $0x0  }
0x47: {  	s25 =	rddreg [dreg:$0x13];
	[sflag:s6] =	ssyncadd.s32 $0xFFFFC800  }
0x48: {  	[spmem:s25] =	stream.linear.scatter [tilespmem:s1], [sflag:$0xA], $0x2800, $0x38;
	[tilespmem:$0x1EE00] =	vst v63  }
0x49: {  	_ =	swait.ge [sflag:s6], $0x2800  }
0x4a: {  	[sflag:s6] =	ssyncset.done $0x0  }
0x4b: {  	[sflag:s6] =	ssyncadd.s32 $0xFFFFD800  }
0x4c: {  	s29 =	simm.s32 $0x0;
	s2 =	simm.s32 $0x280;
	[bflag:$0x0] =	sbarrier.arrive $0xFFFF  }
0x4d: {  	s4 =	simm.s32 $0x580;
	s25 =	simm.s32 $0x380;
	s28 =	rddreg [dreg:$0x12]  }
.LBB2_2:
0x4e: {  	_ =	swait.ge [sflag:s8], $0x100  }
0x4f: {  	[sflag:s8] =	ssyncset.done $0x0  }
0x50: {  	[sflag:s8] =	ssyncadd.s32 $0xFFFFFF00  }
0x51: {  	[tilespmem:s1], [sflag:$0x7] =	stream.indirect.gather [hbm4b:s5+s9], $0x80, s19, s9, $0xb8;
	[tilespmem:$0x1EE00] =	vst v63  }
0x52: {  	_ =	swait.ge [sflag:s10], $0x100  }
0x53: {  	[sflag:s10] =	ssyncset.done $0x0  }
0x54: {  	[sflag:s10] =	ssyncadd.s32 $0xFFFFFF00  }
0x55: {  	[tilespmem:s12], [sflag:$0x8] =	stream.indirect.gather [hbm4b:s5+s9], $0x80, s30, s9, $0xb8;
	[tilespmem:$0x1EE00] =	vst v63  }
0x56: {  	_ =	swait.ge [sflag:s13], $0x100  }
0x57: {  	[sflag:s13] =	ssyncset.done $0x0  }
0x58: {  	s0 =	simm.s32 $0x200;
	[sflag:s13] =	ssyncadd.s32 $0xFFFFFF00  }
0x59: {  	[tilespmem:s14], [sflag:$0x9] =	stream.indirect.gather [hbm4b:s5+s9], $0x80, s0, s9, $0xb8;
	[tilespmem:$0x1EE00] =	vst v63  }
0x5a: {  	_ =	swait.ge [sflag:s15], $0x3800  }
0x5b: {  	[sflag:s15] =	ssyncset.done $0x0  }
0x5c: {  	s19 =	simm.s32 $0x80;
	[sflag:s15] =	ssyncadd.s32 $0xFFFFC800  }
0x5d: {  	[spmem:s3] =	stream.indirect.scatter.add.f32 [tilespmem:s1], [sflag:$0xA], $0x80, s19, s9, $0xb8;
	[tilespmem:$0x1EE00] =	vst v63  }
0x5e: {  	p0 =	seq.s32 s29, $0xA80;
	_ =	swait.ge [sflag:s6], $0x3800  }
0x5f: {  	s30 =	sshrl.u32 @!p0 s28, $0x3;
	s19 =	smov.u32 s31;
	[sflag:s6] =	ssyncset.done $0x0  }
0x60: {  	s31 =	sadd.s32 @!p0 s31, s30;
	s30 =	simm.s32 @!p0 $0x0;
	[sflag:s6] =	ssyncadd.s32 $0xFFFFC800  }
0x61: {  	[tilespmem:s30], [sflag:$0x1] =	stream.linear.gather @!p0 [hbm4b:s31+s30], $0x100, $0x38;
	[tilespmem:$0x1EE00] =	vst v63  }
0x62: {  	_ =	swait.ge [sflag:s17], $0x100  }
0x63: {  	[sflag:s17] =	ssyncset.done $0x0  }
0x64: {  	s16 =	simm.s32 $0x300;
	[sflag:s17] =	ssyncadd.s32 $0xFFFFFF00  }
0x65: {  	[tilespmem:s1], [sflag:$0x7] =	stream.indirect.gather [hbm4b:s5+s9], $0x80, s16, s9, $0xb8;
	[tilespmem:$0x1EE00] =	vst v63  }
0x66: {  	_ =	swait.ge [sflag:s18], $0x3800  }
0x67: {  	[sflag:s18] =	ssyncset.done $0x0  }
0x68: {  	s16 =	simm.s32 $0x180;
	[sflag:s18] =	ssyncadd.s32 $0xFFFFC800  }
0x69: {  	[spmem:s3] =	stream.indirect.scatter.add.f32 [tilespmem:s12], [sflag:$0xA], $0x80, s16, s9, $0xb8;
	[tilespmem:$0x1EE00] =	vst v63  }
0x6a: {  	_ =	swait.ge [sflag:s6], $0x3800  }
0x6b: {  	[sflag:s6] =	ssyncset.done $0x0  }
0x6c: {  	s0 =	simm.s32 @!p0 $0x100;
	s31 =	sadd.s32 @!p0 s29, s24;
	[sflag:s6] =	ssyncadd.s32 $0xFFFFC800  }
0x6d: {  	[tilespmem:s0], [sflag:$0x2] =	stream.linear.gather @!p0 [hbm4b:s31+s30], $0x100, $0x38;
	[tilespmem:$0x1EE00] =	vst v63  }
0x6e: {  	_ =	swait.ge [sflag:s7], $0x100  }
0x6f: {  	[sflag:s7] =	ssyncset.done $0x0  }
0x70: {  	s16 =	simm.s32 $0x400;
	[sflag:s7] =	ssyncadd.s32 $0xFFFFFF00  }
0x71: {  	[tilespmem:s12], [sflag:$0x8] =	stream.indirect.gather [hbm4b:s5+s9], $0x80, s16, s9, $0xb8;
	[tilespmem:$0x1EE00] =	vst v63  }
0x72: {  	_ =	swait.ge [sflag:s26], $0x3800  }
0x73: {  	[sflag:s26] =	ssyncset.done $0x0  }
0x74: {  	[sflag:s26] =	ssyncadd.s32 $0xFFFFC800  }
0x75: {  	[spmem:s3] =	stream.indirect.scatter.add.f32 [tilespmem:s14], [sflag:$0xA], $0x80, s2, s9, $0xb8;
	[tilespmem:$0x1EE00] =	vst v63  }
0x76: {  	_ =	swait.ge [sflag:s6], $0x3800  }
0x77: {  	[sflag:s6] =	ssyncset.done $0x0  }
0x78: {  	s0 =	sadd.s32 @!p0 s29, s23;
	s31 =	simm.s32 @!p0 $0x200;
	[sflag:s6] =	ssyncadd.s32 $0xFFFFC800  }
0x79: {  	[tilespmem:s31], [sflag:$0x3] =	stream.linear.gather @!p0 [hbm4b:s0+s30], $0x100, $0x38;
	[tilespmem:$0x1EE00] =	vst v63  }
0x7a: {  	_ =	swait.ge [sflag:s11], $0x100  }
0x7b: {  	[sflag:s11] =	ssyncset.done $0x0  }
0x7c: {  	s16 =	simm.s32 $0x500;
	[sflag:s11] =	ssyncadd.s32 $0xFFFFFF00  }
0x7d: {  	[tilespmem:s14], [sflag:$0x9] =	stream.indirect.gather [hbm4b:s5+s9], $0x80, s16, s9, $0xb8;
	[tilespmem:$0x1EE00] =	vst v63  }
0x7e: {  	_ =	swait.ge [sflag:s15], $0x3800  }
0x7f: {  	[sflag:s15] =	ssyncset.done $0x0  }
0x80: {  	[sflag:s15] =	ssyncadd.s32 $0xFFFFC800  }
0x81: {  	[spmem:s3] =	stream.indirect.scatter.add.f32 [tilespmem:s1], [sflag:$0xA], $0x80, s25, s9, $0xb8;
	[tilespmem:$0x1EE00] =	vst v63  }
0x82: {  	_ =	swait.ge [sflag:s6], $0x3800  }
0x83: {  	[sflag:s6] =	ssyncset.done $0x0  }
0x84: {  	s0 =	simm.s32 @p0 $0x8;
	[sflag:s6] =	ssyncadd.s32 $0xFFFFC800  }
0x85: {  	_ =	swait.ge @p0 [sflag:s0], $0x3800  }
0x86: {  	s31 =	simm.s32 @p0 $0x480;
	[sflag:s0] =	ssyncset.done @p0 $0x0  }
0x87: {  	s16 =	simm.s32 @p0 $0x3E00;
	[sflag:s0] =	ssyncadd.s32 @p0 $0xFFFFC800;
	s0 =	simm.s32 @p0 $0x70  }
0x88: {  	[spmem:s3] =	stream.indirect.scatter.add.f32 @p0 [tilespmem:s16], [sflag:$0xA], $0x80, s31, s0, $0xb8;
	[tilespmem:$0x1EE00] =	vst v63  }
0x89: {  	s0 =	simm.s32 @p0 $0xA  }
0x8a: {  	_ =	swait.ge @p0 [sflag:s0], $0x3800  }
0x8b: {  	[sflag:s0] =	ssyncset.done @p0 $0x0  }
0x8c: {  	s16 =	simm.s32 @!p0 $0x300;
	[sflag:s0] =	ssyncadd.s32 @p0 $0xFFFFC800;
	s0 =	sadd.s32 @!p0 s29, s22  }
0x8d: {  	[tilespmem:s16], [sflag:$0x4] =	stream.linear.gather @!p0 [hbm4b:s0+s30], $0x100, $0x38;
	[tilespmem:$0x1EE00] =	vst v63  }
0x8e: {  	s0 =	simm.s32 @!p0 $0x8  }
0x8f: {  	_ =	swait.ge @!p0 [sflag:s0], $0x3800  }
0x90: {  	s31 =	simm.s32 @!p0 $0x3E00;
	[sflag:s0] =	ssyncset.done @!p0 $0x0  }
0x91: {  	s16 =	simm.s32 @!p0 $0x480;
	[sflag:s0] =	ssyncadd.s32 @!p0 $0xFFFFC800;
	s0 =	simm.s32 @!p0 $0x70  }
0x92: {  	[spmem:s3] =	stream.indirect.scatter.add.f32 @!p0 [tilespmem:s31], [sflag:$0xA], $0x80, s16, s0, $0xb8;
	[tilespmem:$0x1EE00] =	vst v63  }
0x93: {  	s0 =	simm.s32 @!p0 $0xA  }
0x94: {  	_ =	swait.ge @!p0 [sflag:s0], $0x3800  }
0x95: {  	[sflag:s0] =	ssyncset.done @!p0 $0x0  }
0x96: {  	s16 =	simm.s32 @!p0 $0x400;
	[sflag:s0] =	ssyncadd.s32 @!p0 $0xFFFFC800;
	s0 =	sadd.s32 @!p0 s29, s21  }
0x97: {  	[tilespmem:s16], [sflag:$0x5] =	stream.linear.gather @!p0 [hbm4b:s0+s30], $0x100, $0x38;
	[tilespmem:$0x1EE00] =	vst v63  }
0x98: {  	s0 =	sadd.s32 @!p0 s29, s20;
	s29 =	sadd.s32 @!p0 $0xC0, s29;
	_ =	swait.ge [sflag:s26], $0x3800  }
0x99: {  	p1 =	sne.s32 @!p0 s29, $0xB40;
	[sflag:s26] =	ssyncset.done $0x0  }
0x9a: {  	p1 =	por p0, !p1;
	[sflag:s26] =	ssyncadd.s32 $0xFFFFC800  }
0x9b: {  	[spmem:s3] =	stream.indirect.scatter.add.f32 [tilespmem:s14], [sflag:$0xA], $0x80, s4, s9, $0xb8;
	[tilespmem:$0x1EE00] =	vst v63  }
.Ltmp0:
0x9c: {  	_ =	swait.ge [sflag:s6], $0x3800;
	(pc) =	sbr.rel @!p1 .LBB2_2-.Ltmp0, $4  }
0x9d: {  	[sflag:s6] =	ssyncset.done $0x0  }
0x9e: {  	s28 =	sadd.s32 @!p0 $0x600, s28;
	s16 =	simm.s32 @!p0 $0x500;
	[sflag:s6] =	ssyncadd.s32 $0xFFFFC800  }
0x9f: {  	[tilespmem:s16], [sflag:$0x6] =	stream.linear.gather @!p0 [hbm4b:s0+s30], $0x100, $0x38;
	[tilespmem:$0x1EE00] =	vst v63  }
0xa0: {  	s31 =	smov.u32 s19;
	s19 =	simm.s32 $0x0;
	s30 =	simm.s32 $0x100  }
0xa1: {  	s0 =	stileid.u32;
	[bflag:$0x0] =	sbarrier.arrive $0xFFFF  }
0xa2: {  	s0 =	sshll.u32 s0, $0x6;
	s28 =	rddreg [dreg:$0x9]  }
0xa3: {  	s29 =	rddreg [dreg:$0x10];
	s0 =	sor.u32 $0x1C0A, s0;
	s16 =	sshrl.u32 s28, $0x3  }
0xa4: {  	[hbm:s29], [sflag:s0] =	dma.local [spmem:s16], $0x2800  }
0xa5: {  	_ =	swait.ge [sflag:s6], $0x2800  }
0xa6: {  	s29 =	rddreg [dreg:$0x14]  }
0xa7: {  	s25 =	rddreg [dreg:$0x11];
	s29 =	sadd.s32 $0x1, s29  }
0xa8: {  	p0 =	sne.s32 s29, s25  }
.Ltmp1:
0xa9: {  	_ = 	snop;
	(pc) =	sbr.rel @p0 .LBB2_1-.Ltmp1, $3  }
0xaa: {  	_ =	sdelay $0x1  }
0xab: {  	s2 =	simm.s32 $0x300;
	s4 =	simm.s32 $0x400;
	[sflag:s6] =	ssyncset.done $0x0  }
0xac: {  	s16 =	simm.s32 $0x200;
	[sflag:s6] =	ssyncadd.s32 $0xFFFFD800;
	s25 =	simm.s32 $0x500  }
0xad: {  	_ =	sfence.sel $0x180000  }
0xae: {  	[bflag:$0x0] =	sbarrier.arrive $0xFFFF  }
0xaf: {  	_ =	strace $0x9000004D  }
0xb0: {  	s0 =	stileid.u32;
	[bflag:$0x2] =	sbarrier.arrive $0xFFFF  }
0xb1: {  	p0 =	sne.s32 s0, $0x0;
	s0 =	rddreg [dreg:$0x3]  }
0xb2: {  	s0 =	sadd.s32 @!p0 $0x100000, s0  }
0xb3: {  	[sflag:s0] =	ssyncadd.tile.s32 @!p0 $0x1;
	_ =	shalt  }
.Lfunc_end2:
_tile_overlayer_lowered:
.L_overlay_start_2:
0xb4: {  	(tag) =	ssettag $0x2  }
0xb5: {  	s0 =	rddreg [dreg:$0x0];
	s2 =	stileid.u32  }
0xb6: {  	s1 =	rddreg [dreg:$0x1];
	p0 =	sne.s32 s2, $0x0  }
0xb7: {  	s3 =	rddreg [dreg:$0x2];
	[bflag:$0x3] =	sbarrier.arrive $0xFFFF;
	s2 =	simm.s32 @!p0 $0x1C0A  }
0xb8: {  	[timem:s3], [sflag:s2] =	dma.local @!p0 [hbm:s0], s1  }
0xb9: {  	s0 =	simm.s32 @!p0 $0xA  }
0xba: {  	_ =	swait.ge @!p0 [sflag:s0], s1  }
0xbb: {  	s1 =	ssub.s32 @!p0 $0x0, s1;
	[sflag:s0] =	ssyncset.done @!p0 $0x0  }
0xbc: {  	[sflag:s0] =	ssyncadd.s32 @!p0 s1  }
0xbd: {  	[bflag:$0x3] =	sbarrier.arrive $0xFFFF  }
0xbe: {  	_ =	shalt  }

// kernel: kernel.8.cloned.1.call-start
scs
__scs_entry_jumppad:
0x0: {  	(pc) =	sbr.rel $0x88, $3  }
0x1: {  	(tag) =	ssettag $0x0;
	lr =	simm.s32 $0x1  }
0x2: {  	[smem:$0x3F9B] =	sst lr;
	_ =	strace $0xD0000000  }
0x3: {  	_ = 	snop  }
0x4: {  	_ = 	snop  }
0x5: {  	_ = 	snop  }
0x6: {  	_ = 	snop  }
0x7: {  	_ = 	snop  }
__scs_overlays_trampoline_lowered:
0x8: {  	[smem:$0x3FAA] =	sst s0  }
0x9: {  	[smem:$0x3FAB] =	sst s1  }
0xa: {  	[smem:$0x3FAC] =	sst s2  }
0xb: {  	[smem:$0x3FAD] =	sst s3  }
0xc: {  	[smem:$0x3FAE] =	sst s4  }
0xd: {  	[smem:$0x3FAF] =	sst s5  }
0xe: {  	[smem:$0x3FB0] =	sst s6  }
0xf: {  	[smem:$0x3FB1] =	sst s7  }
0x10: {  	[smem:$0x3FB2] =	sst s8  }
0x11: {  	[smem:$0x3FB3] =	sst s9;
	s0 =	simm.s32 @!p0 $0x0  }
0x12: {  	s1 =	sld [smem:$0x3F99];
	s0 =	simm.s32 @p0 $0x1  }
0x13: {  	[smem:$0x3FB4] =	sst s0;
	s0 =	simm.s32 @!p1 $0x0  }
0x14: {  	s2 =	sld [smem:$0x3F98];
	s0 =	simm.s32 @p1 $0x1  }
0x15: {  	[smem:$0x3FB5] =	sst s0;
	s0 =	simm.s32 @!p2 $0x0  }
0x16: {  	s3 =	sld [smem:$0x3FDB];
	s0 =	simm.s32 @p2 $0x1  }
0x17: {  	s4 =	simm.s32 $0x1BF5;
	[smem:$0x3FB7] =	sst s0  }
0x18: {  	s0 =	sld [smem:$0x3F9A];
	_ =	swait.ge [sflag:s4], $0x0  }
0x19: {  	s7 =	sld [smem:$0x3F9B]  }
0x1a: {  	s8 =	sadd.s32 $0xFFFFE003, lr  }
0x1b: {  	s9 =	sadd.s32 $0xFFFFFEF7, lr;
	s5 =	simm.s32 $0xFFFFFFFF;
	p2 =	slt.u32 s8, $0xFFFFF086  }
0x1c: {  	p1 =	slt.u32 s9, $0xF7A;
	s5 =	simm.s32 @!p2 $0x0  }
0x1d: {  	s5 =	simm.s32 @p1 $0x1;
	p0 =	seq.s32 s7, s2  }
0x1e: {  	s7 =	smul.u32 @!p0 $0xF7A, s2;
	p2 =	seq.s32 @!p0 s5, $0x0  }
0x1f: {  	s9 =	smul.u32 $0xF7A, s1;
	s8 =	simm.s32 @!p0 $0x1BF5;
	p2 =	por !p2, p0  }
0x20: {  	[sflag:s8] =	ssyncset.s32 @!p0 $0xFFFFF086;
	s6 =	sadd.s32 @!p0 s3, s7;
	s7 =	simm.s32 @!p0 $0x108  }
0x21: {  	s3 =	sadd.s32 s3, s9;
	s6 =	sadd.s32 @!p0 $0x88, s6;
	s7 =	simm.s32 @p2 $0x1082  }
0x22: {  	[simem:s7], [sflag:s8] =	dma.local @!p0 [hbm:s6], $0xF7A  }
0x23: {  	s9 =	sor.u32 $0xD0000000, s2;
	s6 =	simm.s32 $0x108;
	_ =	swait.ge @!p0 [sflag:s8], $0x0  }
0x24: {  	s3 =	sadd.s32 $0x88, s3;
	s6 =	simm.s32 @!p1 $0x1082;
	[sflag:s4] =	ssyncset.s32 $0xFFFFF086  }
0x25: {  	[simem:s6], [sflag:s4] =	dma.local [hbm:s3], $0xF7A  }
0x26: {  	[smem:$0x3F9B] =	sst s1;
	(tag) =	ssettag s2;
	_ =	strace s9  }
0x27: {  	s1 =	sld [smem:$0x3FAB]  }
0x28: {  	s2 =	sld [smem:$0x3FAC]  }
0x29: {  	s4 =	sld [smem:$0x3FAE]  }
0x2a: {  	p0 =	seq.s32 s5, $0x0;
	s5 =	sld [smem:$0x3FAF]  }
0x2b: {  	s6 =	sld [smem:$0x3FB0]  }
0x2c: {  	s7 =	sld [smem:$0x3FB1]  }
0x2d: {  	s3 =	simm.s32 $0x108;
	s8 =	sld [smem:$0x3FB2]  }
0x2e: {  	s3 =	simm.s32 @!p0 $0x1082;
	s9 =	sld [smem:$0x3FB3]  }
0x2f: {  	lr =	sadd.s32 s0, s3;
	s0 =	sld [smem:$0x3FAA]  }
0x30: {  	s3 =	sld [smem:$0x3FAD]  }
0x31: {  	[smem:$0x3FB6] =	sst s10  }
0x32: {  	s10 =	sld [smem:$0x3FB4];
	_ =	sdelay $0x3  }
0x33: {  	p0 =	seq.s32 s10, $0x1;
	s10 =	sld [smem:$0x3FB6];
	_ =	sdelay $0x3  }
0x34: {  	[smem:$0x3FB6] =	sst s10  }
0x35: {  	s10 =	sld [smem:$0x3FB5];
	_ =	sdelay $0x3  }
0x36: {  	p1 =	seq.s32 s10, $0x1;
	s10 =	sld [smem:$0x3FB6];
	_ =	sdelay $0x3  }
0x37: {  	[smem:$0x3FB6] =	sst s10  }
0x38: {  	s10 =	sld [smem:$0x3FB7]  }
0x39: {  	_ = 	snop;
	(pc) =	sbr.ind lr, $3  }
0x3a: {  	_ = 	snop  }
0x3b: {  	_ = 	snop  }
0x3c: {  	p2 =	seq.s32 s10, $0x1;
	s10 =	sld [smem:$0x3FB6]  }
0x3d: {  	_ =	shalt  }
0x3e: {  	_ =	shalt  }
0x3f: {  	_ =	shalt  }
0x40: {  	_ =	shalt  }
0x41: {  	_ =	shalt  }
0x42: {  	_ =	shalt  }
0x43: {  	_ =	shalt  }
0x44: {  	_ =	shalt  }
0x45: {  	_ =	shalt  }
0x46: {  	_ =	shalt  }
0x47: {  	_ =	shalt  }
0x48: {  	_ =	shalt  }
0x49: {  	_ =	shalt  }
0x4a: {  	_ =	shalt  }
0x4b: {  	_ =	shalt  }
0x4c: {  	_ =	shalt  }
0x4d: {  	_ =	shalt  }
0x4e: {  	_ =	shalt  }
0x4f: {  	_ =	shalt  }
0x50: {  	_ =	shalt  }
0x51: {  	_ =	shalt  }
0x52: {  	_ =	shalt  }
0x53: {  	_ =	shalt  }
0x54: {  	_ =	shalt  }
0x55: {  	_ =	shalt  }
0x56: {  	_ =	shalt  }
0x57: {  	_ =	shalt  }
0x58: {  	_ =	shalt  }
0x59: {  	_ =	shalt  }
0x5a: {  	_ =	shalt  }
0x5b: {  	_ =	shalt  }
0x5c: {  	_ =	shalt  }
0x5d: {  	_ =	shalt  }
0x5e: {  	_ =	shalt  }
0x5f: {  	_ =	shalt  }
0x60: {  	_ =	shalt  }
0x61: {  	_ =	shalt  }
0x62: {  	_ =	shalt  }
0x63: {  	_ =	shalt  }
0x64: {  	_ =	shalt  }
0x65: {  	_ =	shalt  }
0x66: {  	_ =	shalt  }
0x67: {  	_ =	shalt  }
0x68: {  	_ =	shalt  }
0x69: {  	_ =	shalt  }
0x6a: {  	_ =	shalt  }
0x6b: {  	_ =	shalt  }
0x6c: {  	_ =	shalt  }
0x6d: {  	_ =	shalt  }
0x6e: {  	_ =	shalt  }
0x6f: {  	_ =	shalt  }
0x70: {  	_ =	shalt  }
0x71: {  	_ =	shalt  }
0x72: {  	_ =	shalt  }
0x73: {  	_ =	shalt  }
0x74: {  	_ =	shalt  }
0x75: {  	_ =	shalt  }
0x76: {  	_ =	shalt  }
0x77: {  	_ =	shalt  }
0x78: {  	_ =	shalt  }
0x79: {  	_ =	shalt  }
0x7a: {  	_ =	shalt  }
0x7b: {  	_ =	shalt  }
0x7c: {  	_ =	shalt  }
0x7d: {  	_ =	shalt  }
0x7e: {  	_ =	shalt  }
0x7f: {  	_ =	shalt  }
0x80: {  	_ =	shalt  }
0x81: {  	_ =	shalt  }
0x82: {  	_ =	shalt  }
0x83: {  	_ =	shalt  }
0x84: {  	_ =	shalt  }
0x85: {  	_ =	shalt  }
0x86: {  	_ =	shalt  }
0x87: {  	_ =	shalt  }
.Lfunc_end0:
.L_simem_size_0:
called_computation_lowered:
.L_overlay_start_0:
0x88: {  	s2 =	sld [smem:$0x3FD9]  }
0x89: {  	s3 =	sld [smem:$0x3FFE];
	_ =	sdelay $0x1  }
0x8a: {  	s1 =	srdreg.scid  }
0x8b: {  	s0 =	sand.u32 $0x1, s1  }
0x8c: {  	s16 =	sshll.u32 s0, $0xA;
	s2 =	sadd.s32 s3, s2  }
0x8d: {  	s2 =	sadd.s32 s2, s16  }
0x8e: {  	[smem:$0x3FC2] =	sst s2  }
0x8f: {  	_ = 	snop  }
0x90: {  	(tm) =	ssettm $0x1  }
0x91: {  	s17 =	sld [smem:$0x3FFB];
	_ =	sdelay $0x3  }
0x92: {  	_ =	strace s17  }
0x93: {  	s2 =	sld [smem:$0x3FFC];
	_ =	sdelay $0x3  }
0x94: {  	_ =	strace s2  }
0x95: {  	s2 =	sld [smem:$0x3FFD];
	_ =	sdelay $0x3  }
0x96: {  	_ =	strace s2  }
0x97: {  	_ =	strace $0x8FFFFFFF  }
0x98: {  	s18 =	sld [smem:$0x3FDB];
	_ =	sdelay $0x1  }
0x99: {  	s19 =	simm.s32 $_scs_section_size  }
0x9a: {  	s4 =	simm.s32 $_size__tile_overlayer_lowered;
	s5 =	simm.s32 $_tile_overlayer_lowered  }
0x9b: {  	s22 =	simm.s32 $0x1BFF;
	s21 =	sshll.u32 s5, $0x1;
	s2 =	sadd.s32 s19, s18  }
0x9c: {  	s6 =	simm.s32 $0x0;
	s20 =	sshll.u32 s4, $0x1;
	s4 =	sadd.s32 s21, s2  }
0x9d: {  	[timem:s6], [sflag:s22] =	dma.local [hbm:s4], s20  }
0x9e: {  	_ =	swait.ge [sflag:s22], s20  }
0x9f: {  	s3 =	ssub.s32 $0x0, s20;
	[sflag:s22] =	ssyncset.done $0x0  }
0xa0: {  	[sflag:s22] =	ssyncadd.s32 s3;
	_ =	sdelay $0x1  }
0xa1: {  	s23 =	simm.s32 $0x1B8B  }
0xa2: {  	_ =	swait.ge [sflag:s23], $0x1  }
0xa3: {  	[sflag:s23] =	ssyncset.done $0x0  }
0xa4: {  	s25 =	simm.s32 $0x1B8E;
	s24 =	sld [smem:$0x3FFE];
	[sflag:s23] =	ssyncadd.s32 $0xFFFFFFFF  }
0xa5: {  	s26 =	simm.s32 $execute0_lowered;
	[smem:$0x3FD2] =	sst s25  }
0xa6: {  	s4 =	sshll.u32 s26, $0x1;
	_ =	strace $0x80000046;
	[dreg:$0x1] =	wrdreg $0xFFFFFFFF  }
0xa7: {  	s28 =	simm.s32 $_size_execute0_lowered;
	s2 =	sadd.s32 s2, s4;
	[dreg:$0x0] =	wrdreg $0x0  }
0xa8: {  	s4 =	sshll.u32 s28, $0x1;
	[dreg:$0x2] =	wrdreg s2  }
0xa9: {  	[dreg:$0x3] =	wrdreg s4  }
0xaa: {  	[dreg:$0x4] =	wrdreg $0xC0  }
0xab: {  	_ =	task [dreg:s6], $0x5FFFF  }
0xac: {  	[dreg:$0x1] =	wrdreg $0xFFFFFFFF  }
0xad: {  	[dreg:$0x0] =	wrdreg $0x60  }
0xae: {  	[dreg:$0x2] =	wrdreg s24  }
0xaf: {  	[dreg:$0x3] =	wrdreg $0x9  }
0xb0: {  	_ =	task.clear_ibuf [dreg:s6], $0x4FFFF;
	_ =	strace $0x90000046  }
0xb1: {  	s29 =	simm.s32 $0x9;
	_ =	strace $0x80000048  }
0xb2: {  	_ =	swait.ge [sflag:s29], $0x1  }
0xb3: {  	[sflag:s29] =	ssyncadd.s32 $0xFFFFFFFF  }
0xb4: {  	_ =	strace $0x90000048  }
0xb5: {  	_ =	sfence  }
0xb6: {  	s30 =	sld [smem:$0x0];
	_ =	sdelay $0x2  }
0xb7: {  	s31 =	sshll.u32 s1, $0xD;
	s1 =	sshrl.u32 s1, $0x2  }
0xb8: {  	s3 =	sand.u32 $0x4000, s31;
	s1 =	sadd.s32 s1, s30  }
0xb9: {  	s0 =	sor.u32 s3, s0;
	s1 =	sshll.u32 s1, $0x11  }
0xba: {  	s0 =	sor.u32 s1, s0  }
0xbb: {  	s0 =	sadd.s32 $0x8F2B, s0  }
0xbc: {  	[sflag:s0] =	ssyncadd.remote.s32 $0x1  }
0xbd: {  	_ =	sfence.sel $0xFFFF  }
0xbe: {  	[dreg:$0x0] =	wrdreg $0xFFFFFFFF;
	(pc) =	sbr.abs _section_cstart, $3  }
0xbf: {  	[dreg:$0x1] =	wrdreg $0xFFFFFFFF  }
0xc0: {  	_ =	task.clear_ibuf [dreg:s6], $0x2FFFF;
	_ =	strace $0x9FFFFFFF  }
0xc1: {  	(tm) =	ssettm $0x7FFFFFFF  }
tec
execute0_lowered:
.L_overlay_start_1:
0x0: {  	(tag) =	ssettag $0x1  }
0x1: {  	s1 =	srdreg.scid;
	s0 =	stileid.u32  }
0x2: {  	s3 =	rddreg [dreg:$0x0];
	s8 =	simm.s32 $0x2780;
	s9 =	simm.s32 $0x4F00  }
0x3: {  	s10 =	simm.s32 $0x80;
	s11 =	simm.s32 $0x400;
	s12 =	simm.s32 $0x0  }
0x4: {  	s4 =	sand.u32 $0x1, s1;
	s2 =	sshll.u32 s0, $0x1;
	s1 =	rddreg [dreg:$0x1]  }
0x5: {  	s6 =	sshrl.u32 s0, $0x2;
	s5 =	sor.u32 s4, s2;
	s2 =	simm.s32 $0x0  }
0x6: {  	s6 =	smul.u32 $0x13C00, s6;
	s4 =	ssub.s32 $0x2, s4;
	s7 =	sshll.u32 s5, $0x7  }
0x7: {  	[smem:$0x7FF] =	sst s2;
	s5 =	smul.u32 $0x4E2, s5;
	s7 =	sand.u32 $0x380, s7  }
0x8: {  	s31 =	sshrl.u32 s4, $0x1;
	_ =	strace $0x80000047;
	s6 =	sor.u32 s6, s7  }
0x9: {  	s5 =	sadd.s32 s5, s3;
	s7 =	ssub.s32 s4, s31;
	s6 =	sshrl.u32 s6, $0x3  }
0xa: {  	s4 =	sadd.s32 $0x2200, s5;
	s6 =	sadd.s32 s6, s3;
	s3 =	sadd.s32 $0xC000, s5  }
0xb: {  	v0 =	vimm.f32 $0.0e+00;
	v1 =	vimm.f32 $1.000000000e+00;
	s5 =	sadd.s32 $0x15E00, s6;
	s6 =	smax.u32 s7, $0x1;
	s7 =	simm.s32 $0x1  }
.LBB2_1:
0xc: {  	[tilespmem:s2], [sflag:$0x1] =	stream.linear.gather [hbm4b:s3+s2], $0x2710, $0x38;
	[tilespmem:$0x7680] =	vst v63  }
0xd: {  	_ =	swait.ge [sflag:s7], $0x2710  }
0xe: {  	[sflag:s7] =	ssyncset.done $0x0  }
0xf: {  	[sflag:s7] =	ssyncadd.s32 $0xFFFFD8F0  }
0x10: {  	[tilespmem:s8], [sflag:$0x1] =	stream.linear.gather [hbm4b:s4+s2], $0x2710, $0x38;
	[tilespmem:$0x7680] =	vst v63  }
0x11: {  	_ =	swait.ge [sflag:s7], $0x2710  }
0x12: {  	[sflag:s7] =	ssyncset.done $0x0  }
0x13: {  	s13 =	simm.s32 $0x0;
	[sflag:s7] =	ssyncadd.s32 $0xFFFFD8F0  }
.LBB2_2:
0x14: {  	p0 =	sne.s32 s13, $0x9C00  }
.Ltmp0:
0x15: {  	_ = 	snop;
	(pc) =	sbr.rel @p0 .LBB2_2-.Ltmp0, $3  }
0x16: {  	_ =	sdelay $0x1  }
0x17: {  	s14 =	sshra.s32 s13, $0x2  }
0x18: {  	s13 =	sadd.s32 $0x40, s13;
	[tilespmem:s14+$0x4F00] =	vst v0  }
0x19: {  	s14 =	simm.s32 $0x0;
	s13 =	simm.s32 $0x40  }
.LBB2_4:
0x1a: {  	p0 =	sne.s32 s13, $0x9C00;
	v2 =	vld [tilespmem:s14+$0x0]  }
0x1b: {  	v3 =	vld [tilespmem:s14+$0x2780];
	_ =	sdelay $0x2  }
.Ltmp1:
0x1c: {  	(pc) =	sbr.rel @p0 .LBB2_4-.Ltmp1, $4  }
0x1d: {  	_ = 	snop  }
0x1e: {  	vm0 =	veq.s32 v2, v3  }
0x1f: {  	v3 =	vsel vm0, $0x0, v1  }
0x20: {  	s14 =	sshra.s32 s13, $0x2;
	s13 =	sadd.s32 $0x40, s13;
	[tilespmem:v2+s9+$0x0] =	vst.idx.add.f32.msk $0xffff, v3  }
0x21: {  	v2 =	vld [tilespmem:s14+$0x0]  }
0x22: {  	v3 =	vld [tilespmem:s14+$0x2780];
	_ =	sdelay $0x4  }
0x23: {  	s12 =	sadd.s32 $0x1, s12;
	vm0 =	veq.s32 v2, v3  }
0x24: {  	p0 =	sne.s32 s12, s6;
	v3 =	vsel vm0, $0x0, v1  }
.Ltmp2:
0x25: {  	[tilespmem:v2+s9+$0x0] =	vst.idx.add.f32.msk $0xffff, v3;
	(pc) =	sbr.rel @p0 .LBB2_1-.Ltmp2, $4  }
0x26: {  	[hbm4b:s5+s10] =	stream.strided.scatter [tilespmem:s9], [sflag:$0x1], $0x2780, s11, s10, $0x38;
	[tilespmem:$0x7680] =	vst v63  }
0x27: {  	_ =	swait.ge [sflag:s7], $0x2780  }
0x28: {  	[sflag:s7] =	ssyncset.done $0x0  }
0x29: {  	[sflag:s7] =	ssyncadd.s32 $0xFFFFD880  }
0x2a: {  	_ =	sfence.sel $0x180000  }
0x2b: {  	[bflag:$0x0] =	sbarrier.arrive $0xFFFF  }
0x2c: {  	p0 =	sne.s32 s0, $0x0;
	_ =	strace $0x90000047  }
0x2d: {  	s0 =	sadd.s32 @!p0 $0x100000, s1;
	[bflag:$0x2] =	sbarrier.arrive $0xFFFF  }
0x2e: {  	[sflag:s0] =	ssyncadd.tile.s32 @!p0 $0x1;
	_ =	shalt  }
.Lfunc_end2:
_tile_overlayer_lowered:
.L_overlay_start_2:
0x2f: {  	(tag) =	ssettag $0x2  }
0x30: {  	s0 =	rddreg [dreg:$0x0];
	s2 =	stileid.u32  }
0x31: {  	s1 =	rddreg [dreg:$0x1];
	p0 =	sne.s32 s2, $0x0  }
0x32: {  	s3 =	rddreg [dreg:$0x2];
	[bflag:$0x3] =	sbarrier.arrive $0xFFFF;
	s2 =	simm.s32 @!p0 $0x1C01  }
0x33: {  	[timem:s3], [sflag:s2] =	dma.local @!p0 [hbm:s0], s1  }
0x34: {  	s0 =	simm.s32 @!p0 $0x1  }
0x35: {  	_ =	swait.ge @!p0 [sflag:s0], s1  }
0x36: {  	s1 =	ssub.s32 @!p0 $0x0, s1;
	[sflag:s0] =	ssyncset.done @!p0 $0x0  }
0x37: {  	[sflag:s0] =	ssyncadd.s32 @!p0 s1  }
0x38: {  	[bflag:$0x3] =	sbarrier.arrive $0xFFFF  }
0x39: {  	_ =	shalt  }

</sc_bundles>
